<compile_context>
chip_gen: v7x
topology: tpu7x:2x2x1
jax: 0.10.2.dev20260603
libtpu: 0.0.44.dev20260713+nightly
codegen_flags: <defaults>
</compile_context>

<pallas_src>
import jax
import jax.numpy as jnp
from jax import lax
from jax.experimental import pallas as pl
from jax.experimental.pallas import tpu as pltpu
from jax.experimental.pallas import tpu_sc as plsc

NC = 2
NS = 16
NW = NC * NS

VOCAB = 100000
DIM = 1024
NTOK = 8192
ROWS_PER_W = NTOK // NW
G = 16
NG = ROWS_PER_W // G
NV = DIM // 16


def _body(idx_hbm, t0, t1, t2, o0, o1, o2, o3, o4, o5,
          idx_v, widx, bufa, bufb, obufa, obufb, sema, semb, osema, osemb):
    wid = lax.axis_index("s") * NC + lax.axis_index("c")
    b = wid // 8
    s0 = (wid % 8) * ROWS_PER_W
    pltpu.sync_copy(idx_hbm.at[b, pl.ds(s0, ROWS_PER_W)], idx_v)
    for i in range(ROWS_PER_W // 16):
        widx[pl.ds(i * 16, 16)] = idx_v[pl.ds(i * 16, 16)] >> 1

    ti = (t0.bitcast(jnp.int32), t1.bitcast(jnp.int32), t2.bitcast(jnp.int32))
    oi = (o0.bitcast(jnp.int32), o1.bitcast(jnp.int32), o2.bitcast(jnp.int32))
    oi2 = (o3.bitcast(jnp.int32), o4.bitcast(jnp.int32), o5.bitcast(jnp.int32))
    obase = wid * (ROWS_PER_W // 2)
    bufs = (bufa, bufb)
    obufs = (obufa, obufb)
    sems = (sema, semb)
    osems = (osema, osemb)

    NS_TOT = 3 * NG

    def gidx(g):
        return widx.at[pl.ds(pl.multiple_of(g * G, G), G)]

    def orows(g):
        return pl.ds(pl.multiple_of(obase + g * (G // 2), G // 2), G // 2)

    def fire(s, slot):
        t = s // NG
        g = s - t * NG
        for tt in range(3):
            @pl.when(t == tt)
            def _():
                pltpu.async_copy(ti[tt].at[gidx(g)], bufs[slot], sems[slot])

    def step(s, slot):
        t = s // NG
        g = s - t * NG
        buf = bufs[slot]
        obuf = obufs[slot]
        pltpu.make_async_copy(ti[0].at[gidx(g)], buf, sems[slot]).wait()

        @pl.when(s >= 2)
        def _():
            pltpu.make_async_copy(obuf, oi[0].at[pl.ds(0, G // 2)], osems[slot]).wait()
            pltpu.make_async_copy(obuf, oi[0].at[pl.ds(0, G // 2)], osems[slot]).wait()

        vec = idx_v[pl.ds(pl.multiple_of(g * G, G), G)]
        for k in range(2):
            sh0 = (vec[2 * k] & 1) * 16
            sh1 = (vec[2 * k + 1] & 1) * 16

            @pl.loop(0, NV // 8)
            def _(c):
                for u in range(8):
                    col = pl.ds((c * 8 + u) * 16, 16)
                    a = buf[2 * k, col]
                    bb = buf[2 * k + 1, col]
                    lo = (a >> sh0) & jnp.int32(0xFFFF)
                    obuf[k, col] = lo | ((bb >> sh1) << 16)

        @pl.when(s + 2 < NS_TOT)
        def _():
            fire(s + 2, slot)

        for tt in range(3):
            @pl.when(t == tt)
            def _():
                pltpu.async_copy(obuf, oi[tt].at[orows(g)], osems[slot])
                pltpu.async_copy(obuf, oi2[tt].at[orows(g)], osems[slot])

    fire(jnp.int32(0), 0)
    fire(jnp.int32(1), 1)

    @pl.loop(0, NS_TOT // 2)
    def _(h):
        step(2 * h, 0)
        step(2 * h + 1, 1)

    for slot in (0, 1):
        pltpu.make_async_copy(obufs[slot], oi[0].at[pl.ds(0, G // 2)], osems[slot]).wait()
        pltpu.make_async_copy(obufs[slot], oi[0].at[pl.ds(0, G // 2)], osems[slot]).wait()


@jax.jit
def _gather3(idx, table0, table1, table2):
    mesh = plsc.VectorSubcoreMesh(core_axis_name="c", subcore_axis_name="s")
    out = jax.ShapeDtypeStruct((NTOK, DIM), jnp.bfloat16)
    return pl.kernel(
        _body,
        out_type=(out, out, out, out, out, out),
        mesh=mesh,
        scratch_types=[
            pltpu.VMEM((ROWS_PER_W,), jnp.int32),
            pltpu.VMEM((ROWS_PER_W,), jnp.int32),
            pltpu.VMEM((G, DIM), jnp.int32),
            pltpu.VMEM((G, DIM), jnp.int32),
            pltpu.VMEM((G // 2, DIM), jnp.int32),
            pltpu.VMEM((G // 2, DIM), jnp.int32),
            pltpu.SemaphoreType.DMA,
            pltpu.SemaphoreType.DMA,
            pltpu.SemaphoreType.DMA,
            pltpu.SemaphoreType.DMA,
        ],
    )(idx, table0, table1, table2)


def kernel(inputs, table0, table1, table2):
    B, S = inputs.shape
    outs = _gather3(inputs, table0, table1, table2)
    return tuple(o.reshape(B, S, DIM) for o in outs)

# --- scband reference (transcript-rebuilt; emitter-appended) ---
"""Pipeline reference for scband-value-embedding-45268955300062 (READ-ONLY COPY).

The authoritative reference and input builder live on the scoring server;
editing this copy changes nothing except your own understanding.
"""

import jax, jax.numpy as jnp
import numpy as np

VOCAB = 100000
DIM = 1024
B = 4
S = 2048


def setup_inputs(seed: int = 0) -> dict:
    key = jax.random.key(seed)
    k0, k1, k2, k3 = jax.random.split(key, 4)
    inputs = jax.random.randint(k0, (B, S), 0, VOCAB, dtype=jnp.int32)
    table0 = (jax.random.normal(k1, (VOCAB, DIM), dtype=jnp.float32) * 0.02).astype(jnp.bfloat16)
    table1 = (jax.random.normal(k2, (VOCAB, DIM), dtype=jnp.float32) * 0.02).astype(jnp.bfloat16)
    table2 = (jax.random.normal(k3, (VOCAB, DIM), dtype=jnp.float32) * 0.02).astype(jnp.bfloat16)
    return {"inputs": inputs, "table0": table0, "table1": table1, "table2": table2}


def reference(inputs, table0, table1, table2):
    # ValueEmbedding.forward: ve = [emb(inputs) for emb in self.embed]
    ve0 = jnp.take(table0, inputs, axis=0)
    ve1 = jnp.take(table1, inputs, axis=0)
    ve2 = jnp.take(table2, inputs, axis=0)
    # original returns [ve0, ve1, ve2, None*6, ve0, ve1, ve2];
    # None entries carry no tensors, so we return the 6 tensor outputs
    # (with ve0/ve1/ve2 duplicated, matching the torch list structure).
    return (ve0, ve1, ve2, ve0, ve1, ve2)

if __name__ == "__main__":
    import jax
    _d = setup_inputs()
    print(jax.jit(kernel)(*tuple(_d.values())))

</pallas_src>

<mosaic_0001>
#map = affine_map<(d0, d1) -> (0, 0)>
module attributes {stable_mosaic.version = 14 : i64} {
  func.func @_body(%arg0: i32, %arg1: i32, %arg2: memref<4x2048xi32, #tpu.memory_space<hbm>>, %arg3: memref<100000x1024xbf16, #tpu.memory_space<hbm>>, %arg4: memref<100000x1024xbf16, #tpu.memory_space<hbm>>, %arg5: memref<100000x1024xbf16, #tpu.memory_space<hbm>>, %arg6: memref<8192x1024xbf16, #tpu.memory_space<hbm>>, %arg7: memref<8192x1024xbf16, #tpu.memory_space<hbm>>, %arg8: memref<8192x1024xbf16, #tpu.memory_space<hbm>>, %arg9: memref<8192x1024xbf16, #tpu.memory_space<hbm>>, %arg10: memref<8192x1024xbf16, #tpu.memory_space<hbm>>, %arg11: memref<8192x1024xbf16, #tpu.memory_space<hbm>>, %arg12: memref<256xi32, #tpu.memory_space<vmem>>, %arg13: memref<256xi32, #tpu.memory_space<vmem>>, %arg14: memref<16x1024xi32, #tpu.memory_space<vmem>>, %arg15: memref<16x1024xi32, #tpu.memory_space<vmem>>, %arg16: memref<8x1024xi32, #tpu.memory_space<vmem>>, %arg17: memref<8x1024xi32, #tpu.memory_space<vmem>>, %arg18: memref<!tpu.dma_semaphore, #tpu.memory_space<semaphore_mem>>, %arg19: memref<!tpu.dma_semaphore, #tpu.memory_space<semaphore_mem>>, %arg20: memref<!tpu.dma_semaphore, #tpu.memory_space<semaphore_mem>>, %arg21: memref<!tpu.dma_semaphore, #tpu.memory_space<semaphore_mem>>) attributes {dimension_semantics = [#tpu.dimension_semantics<core_parallel>, #tpu.dimension_semantics<subcore_parallel>], iteration_bounds = array<i64: 2, 16>, scalar_prefetch = 0 : i64, scratch_operands = 10 : i64, tpu.core_type = #tpu.core_type<sc_vector_subcore>, window_params = [{transform_indices = #map}, {transform_indices = #map}, {transform_indices = #map}, {transform_indices = #map}, {transform_indices = #map}, {transform_indices = #map}, {transform_indices = #map}, {transform_indices = #map}, {transform_indices = #map}, {transform_indices = #map}]} {
    %mul3A = arith.constant 2 : i32
    %mul3A_0 = arith.muli %arg1, %mul3A : i32
    %add3A = arith.addi %mul3A_0, %arg0 : i32
    %jit3A = arith.constant 8 : i32
    %div3A = arith.divsi %add3A, %jit3A : i32
    %sign3A = arith.constant 0 : i32
    %sign3A_1 = arith.cmpi sgt, %add3A, %sign3A : i32
    %sign3A_2 = arith.extui %sign3A_1 : i1 to i32
    %sign3A_3 = arith.constant 0 : i32
    %sign3A_4 = arith.cmpi slt, %add3A, %sign3A_3 : i32
    %sign3A_5 = arith.extui %sign3A_4 : i1 to i32
    %sign3A_6 = arith.subi %sign3A_2, %sign3A_5 : i32
    %sign3A_7 = arith.constant 0 : i32
    %sign3A_8 = arith.cmpi sgt, %jit3A, %sign3A_7 : i32
    %sign3A_9 = arith.extui %sign3A_8 : i1 to i32
    %sign3A_10 = arith.constant 0 : i32
    %sign3A_11 = arith.cmpi slt, %jit3A, %sign3A_10 : i32
    %sign3A_12 = arith.extui %sign3A_11 : i1 to i32
    %sign3A_13 = arith.subi %sign3A_9, %sign3A_12 : i32
    %ne3A = arith.cmpi ne, %sign3A_6, %sign3A_13 : i32
    %rem3A = arith.remsi %add3A, %jit3A : i32
    %ne3A_14 = arith.constant 0 : i32
    %ne3A_15 = arith.cmpi ne, %rem3A, %ne3A_14 : i32
    %and3A = arith.andi %ne3A, %ne3A_15 : i1
    %sub3A = arith.constant 1 : i32
    %sub3A_16 = arith.subi %div3A, %sub3A : i32
    %select_n3A = arith.select %and3A, %sub3A_16, %div3A : i32
    %jit3A_17 = arith.constant 8 : i32
    %eq3A = arith.constant 0 : i32
    %eq3A_18 = arith.cmpi eq, %jit3A_17, %eq3A : i32
    %jit3A_19 = arith.constant 1 : i32
    %select_n3A_20 = arith.select %eq3A_18, %jit3A_19, %jit3A_17 : i32
    %rem3A_21 = arith.remsi %add3A, %select_n3A_20 : i32
    %ne3A_22 = arith.constant 0 : i32
    %ne3A_23 = arith.cmpi ne, %rem3A_21, %ne3A_22 : i32
    %lt3A = arith.constant 0 : i32
    %lt3A_24 = arith.cmpi slt, %rem3A_21, %lt3A : i32
    %lt3A_25 = arith.constant 0 : i32
    %lt3A_26 = arith.cmpi slt, %select_n3A_20, %lt3A_25 : i32
    %ne3A_27 = arith.xori %lt3A_24, %lt3A_26 : i1
    %and3A_28 = arith.andi %ne3A_27, %ne3A_23 : i1
    %add3A_29 = arith.addi %rem3A_21, %select_n3A_20 : i32
    %select_n3A_30 = arith.select %and3A_28, %add3A_29, %rem3A_21 : i32
    %mul3A_31 = arith.constant 256 : i32
    %mul3A_32 = arith.muli %select_n3A_30, %mul3A_31 : i32
    "tpu.region"() ({
      %run_scoped3A = tpu.sem_alloc : memref<!tpu.dma_semaphore, #tpu.memory_space<semaphore_mem>>
      %dma_start3A = tpu.memref_slice %arg2[%select_n3A, %mul3A_32] : memref<4x2048xi32, #tpu.memory_space<hbm>> -> memref<1x256xi32, #tpu.memory_space<hbm>>
      %dma_start3A_313 = tpu.memref_squeeze %dma_start3A : memref<1x256xi32, #tpu.memory_space<hbm>> -> memref<256xi32, #tpu.memory_space<hbm>>
      %dma_start3A_314 = tpu.memref_slice %arg2[%select_n3A, %mul3A_32] : memref<4x2048xi32, #tpu.memory_space<hbm>> -> memref<1x256xi32, #tpu.memory_space<hbm>>
      %dma_start3A_315 = tpu.memref_squeeze %dma_start3A_314 : memref<1x256xi32, #tpu.memory_space<hbm>> -> memref<256xi32, #tpu.memory_space<hbm>>
      tpu.enqueue_dma source(%dma_start3A_315 : memref<256xi32, #tpu.memory_space<hbm>>) target(%arg12 : memref<256xi32, #tpu.memory_space<vmem>>) target_semaphore(%run_scoped3A : memref<!tpu.dma_semaphore, #tpu.memory_space<semaphore_mem>>)
      %dma_wait3A_316 = tpu.memref_slice %arg2[%select_n3A, %mul3A_32] : memref<4x2048xi32, #tpu.memory_space<hbm>> -> memref<1x256xi32, #tpu.memory_space<hbm>>
      %dma_wait3A_317 = tpu.memref_squeeze %dma_wait3A_316 : memref<1x256xi32, #tpu.memory_space<hbm>> -> memref<256xi32, #tpu.memory_space<hbm>>
      %dma_wait3A_318 = tpu.memref_slice %arg2[%select_n3A, %mul3A_32] : memref<4x2048xi32, #tpu.memory_space<hbm>> -> memref<1x256xi32, #tpu.memory_space<hbm>>
      %dma_wait3A_319 = tpu.memref_squeeze %dma_wait3A_318 : memref<1x256xi32, #tpu.memory_space<hbm>> -> memref<256xi32, #tpu.memory_space<hbm>>
      tpu.wait_dma2 semaphore(%run_scoped3A : memref<!tpu.dma_semaphore, #tpu.memory_space<semaphore_mem>>) src(%dma_wait3A_319 : memref<256xi32, #tpu.memory_space<hbm>>) dst(%arg12 : memref<256xi32, #tpu.memory_space<vmem>>)
      tpu.yield
    }) : () -> ()
    %get3A = arith.constant 0 : index
    %get3A_33 = tpu.vector_load %arg12[%get3A] {strides = array<i32>} : memref<256xi32, #tpu.memory_space<vmem>>, vector<16xi32>,
    %get3A_34 = vector.shape_cast %get3A_33 : vector<16xi32> to vector<16xi32>
    %shift_right_arithmetic3A = arith.constant 1 : i32
    %shift_right_arithmetic3A_35 = vector.broadcast %shift_right_arithmetic3A : i32 to vector<16xi32>
    %shift_right_arithmetic3A_36 = arith.shrsi %get3A_34, %shift_right_arithmetic3A_35 : vector<16xi32>
    %swap3A = arith.constant 0 : index
    %swap3A_37 = tpu.vector_load %arg13[%swap3A] {strides = array<i32>} : memref<256xi32, #tpu.memory_space<vmem>>, vector<16xi32>,
    %swap3A_38 = vector.shape_cast %swap3A_37 : vector<16xi32> to vector<16xi32>
    %swap3A_39 = vector.shape_cast %shift_right_arithmetic3A_36 : vector<16xi32> to vector<16xi32>
    tpu.vector_store %arg13[%swap3A], %swap3A_39 {strides = array<i32>} : memref<256xi32, #tpu.memory_space<vmem>>, vector<16xi32>,
    %get3A_40 = arith.constant 16 : index
    %get3A_41 = tpu.vector_load %arg12[%get3A_40] {strides = array<i32>} : memref<256xi32, #tpu.memory_space<vmem>>, vector<16xi32>,
    %get3A_42 = vector.shape_cast %get3A_41 : vector<16xi32> to vector<16xi32>
    %shift_right_arithmetic3A_43 = arith.constant 1 : i32
    %shift_right_arithmetic3A_44 = vector.broadcast %shift_right_arithmetic3A_43 : i32 to vector<16xi32>
    %shift_right_arithmetic3A_45 = arith.shrsi %get3A_42, %shift_right_arithmetic3A_44 : vector<16xi32>
    %swap3A_46 = arith.constant 16 : index
    %swap3A_47 = tpu.vector_load %arg13[%swap3A_46] {strides = array<i32>} : memref<256xi32, #tpu.memory_space<vmem>>, vector<16xi32>,
    %swap3A_48 = vector.shape_cast %swap3A_47 : vector<16xi32> to vector<16xi32>
    %swap3A_49 = vector.shape_cast %shift_right_arithmetic3A_45 : vector<16xi32> to vector<16xi32>
    tpu.vector_store %arg13[%swap3A_46], %swap3A_49 {strides = array<i32>} : memref<256xi32, #tpu.memory_space<vmem>>, vector<16xi32>,
    %get3A_50 = arith.constant 32 : index
    %get3A_51 = tpu.vector_load %arg12[%get3A_50] {strides = array<i32>} : memref<256xi32, #tpu.memory_space<vmem>>, vector<16xi32>,
    %get3A_52 = vector.shape_cast %get3A_51 : vector<16xi32> to vector<16xi32>
    %shift_right_arithmetic3A_53 = arith.constant 1 : i32
    %shift_right_arithmetic3A_54 = vector.broadcast %shift_right_arithmetic3A_53 : i32 to vector<16xi32>
    %shift_right_arithmetic3A_55 = arith.shrsi %get3A_52, %shift_right_arithmetic3A_54 : vector<16xi32>
    %swap3A_56 = arith.constant 32 : index
    %swap3A_57 = tpu.vector_load %arg13[%swap3A_56] {strides = array<i32>} : memref<256xi32, #tpu.memory_space<vmem>>, vector<16xi32>,
    %swap3A_58 = vector.shape_cast %swap3A_57 : vector<16xi32> to vector<16xi32>
    %swap3A_59 = vector.shape_cast %shift_right_arithmetic3A_55 : vector<16xi32> to vector<16xi32>
    tpu.vector_store %arg13[%swap3A_56], %swap3A_59 {strides = array<i32>} : memref<256xi32, #tpu.memory_space<vmem>>, vector<16xi32>,
    %get3A_60 = arith.constant 48 : index
    %get3A_61 = tpu.vector_load %arg12[%get3A_60] {strides = array<i32>} : memref<256xi32, #tpu.memory_space<vmem>>, vector<16xi32>,
    %get3A_62 = vector.shape_cast %get3A_61 : vector<16xi32> to vector<16xi32>
    %shift_right_arithmetic3A_63 = arith.constant 1 : i32
    %shift_right_arithmetic3A_64 = vector.broadcast %shift_right_arithmetic3A_63 : i32 to vector<16xi32>
    %shift_right_arithmetic3A_65 = arith.shrsi %get3A_62, %shift_right_arithmetic3A_64 : vector<16xi32>
    %swap3A_66 = arith.constant 48 : index
    %swap3A_67 = tpu.vector_load %arg13[%swap3A_66] {strides = array<i32>} : memref<256xi32, #tpu.memory_space<vmem>>, vector<16xi32>,
    %swap3A_68 = vector.shape_cast %swap3A_67 : vector<16xi32> to vector<16xi32>
    %swap3A_69 = vector.shape_cast %shift_right_arithmetic3A_65 : vector<16xi32> to vector<16xi32>
    tpu.vector_store %arg13[%swap3A_66], %swap3A_69 {strides = array<i32>} : memref<256xi32, #tpu.memory_space<vmem>>, vector<16xi32>,
    %get3A_70 = arith.constant 64 : index
    %get3A_71 = tpu.vector_load %arg12[%get3A_70] {strides = array<i32>} : memref<256xi32, #tpu.memory_space<vmem>>, vector<16xi32>,
    %get3A_72 = vector.shape_cast %get3A_71 : vector<16xi32> to vector<16xi32>
    %shift_right_arithmetic3A_73 = arith.constant 1 : i32
    %shift_right_arithmetic3A_74 = vector.broadcast %shift_right_arithmetic3A_73 : i32 to vector<16xi32>
    %shift_right_arithmetic3A_75 = arith.shrsi %get3A_72, %shift_right_arithmetic3A_74 : vector<16xi32>
    %swap3A_76 = arith.constant 64 : index
    %swap3A_77 = tpu.vector_load %arg13[%swap3A_76] {strides = array<i32>} : memref<256xi32, #tpu.memory_space<vmem>>, vector<16xi32>,
    %swap3A_78 = vector.shape_cast %swap3A_77 : vector<16xi32> to vector<16xi32>
    %swap3A_79 = vector.shape_cast %shift_right_arithmetic3A_75 : vector<16xi32> to vector<16xi32>
    tpu.vector_store %arg13[%swap3A_76], %swap3A_79 {strides = array<i32>} : memref<256xi32, #tpu.memory_space<vmem>>, vector<16xi32>,
    %get3A_80 = arith.constant 80 : index
    %get3A_81 = tpu.vector_load %arg12[%get3A_80] {strides = array<i32>} : memref<256xi32, #tpu.memory_space<vmem>>, vector<16xi32>,
    %get3A_82 = vector.shape_cast %get3A_81 : vector<16xi32> to vector<16xi32>
    %shift_right_arithmetic3A_83 = arith.constant 1 : i32
    %shift_right_arithmetic3A_84 = vector.broadcast %shift_right_arithmetic3A_83 : i32 to vector<16xi32>
    %shift_right_arithmetic3A_85 = arith.shrsi %get3A_82, %shift_right_arithmetic3A_84 : vector<16xi32>
    %swap3A_86 = arith.constant 80 : index
    %swap3A_87 = tpu.vector_load %arg13[%swap3A_86] {strides = array<i32>} : memref<256xi32, #tpu.memory_space<vmem>>, vector<16xi32>,
    %swap3A_88 = vector.shape_cast %swap3A_87 : vector<16xi32> to vector<16xi32>
    %swap3A_89 = vector.shape_cast %shift_right_arithmetic3A_85 : vector<16xi32> to vector<16xi32>
    tpu.vector_store %arg13[%swap3A_86], %swap3A_89 {strides = array<i32>} : memref<256xi32, #tpu.memory_space<vmem>>, vector<16xi32>,
    %get3A_90 = arith.constant 96 : index
    %get3A_91 = tpu.vector_load %arg12[%get3A_90] {strides = array<i32>} : memref<256xi32, #tpu.memory_space<vmem>>, vector<16xi32>,
    %get3A_92 = vector.shape_cast %get3A_91 : vector<16xi32> to vector<16xi32>
    %shift_right_arithmetic3A_93 = arith.constant 1 : i32
    %shift_right_arithmetic3A_94 = vector.broadcast %shift_right_arithmetic3A_93 : i32 to vector<16xi32>
    %shift_right_arithmetic3A_95 = arith.shrsi %get3A_92, %shift_right_arithmetic3A_94 : vector<16xi32>
    %swap3A_96 = arith.constant 96 : index
    %swap3A_97 = tpu.vector_load %arg13[%swap3A_96] {strides = array<i32>} : memref<256xi32, #tpu.memory_space<vmem>>, vector<16xi32>,
    %swap3A_98 = vector.shape_cast %swap3A_97 : vector<16xi32> to vector<16xi32>
    %swap3A_99 = vector.shape_cast %shift_right_arithmetic3A_95 : vector<16xi32> to vector<16xi32>
    tpu.vector_store %arg13[%swap3A_96], %swap3A_99 {strides = array<i32>} : memref<256xi32, #tpu.memory_space<vmem>>, vector<16xi32>,
    %get3A_100 = arith.constant 112 : index
    %get3A_101 = tpu.vector_load %arg12[%get3A_100] {strides = array<i32>} : memref<256xi32, #tpu.memory_space<vmem>>, vector<16xi32>,
    %get3A_102 = vector.shape_cast %get3A_101 : vector<16xi32> to vector<16xi32>
    %shift_right_arithmetic3A_103 = arith.constant 1 : i32
    %shift_right_arithmetic3A_104 = vector.broadcast %shift_right_arithmetic3A_103 : i32 to vector<16xi32>
    %shift_right_arithmetic3A_105 = arith.shrsi %get3A_102, %shift_right_arithmetic3A_104 : vector<16xi32>
    %swap3A_106 = arith.constant 112 : index
    %swap3A_107 = tpu.vector_load %arg13[%swap3A_106] {strides = array<i32>} : memref<256xi32, #tpu.memory_space<vmem>>, vector<16xi32>,
    %swap3A_108 = vector.shape_cast %swap3A_107 : vector<16xi32> to vector<16xi32>
    %swap3A_109 = vector.shape_cast %shift_right_arithmetic3A_105 : vector<16xi32> to vector<16xi32>
    tpu.vector_store %arg13[%swap3A_106], %swap3A_109 {strides = array<i32>} : memref<256xi32, #tpu.memory_space<vmem>>, vector<16xi32>,
    %get3A_110 = arith.constant 128 : index
    %get3A_111 = tpu.vector_load %arg12[%get3A_110] {strides = array<i32>} : memref<256xi32, #tpu.memory_space<vmem>>, vector<16xi32>,
    %get3A_112 = vector.shape_cast %get3A_111 : vector<16xi32> to vector<16xi32>
    %shift_right_arithmetic3A_113 = arith.constant 1 : i32
    %shift_right_arithmetic3A_114 = vector.broadcast %shift_right_arithmetic3A_113 : i32 to vector<16xi32>
    %shift_right_arithmetic3A_115 = arith.shrsi %get3A_112, %shift_right_arithmetic3A_114 : vector<16xi32>
    %swap3A_116 = arith.constant 128 : index
    %swap3A_117 = tpu.vector_load %arg13[%swap3A_116] {strides = array<i32>} : memref<256xi32, #tpu.memory_space<vmem>>, vector<16xi32>,
    %swap3A_118 = vector.shape_cast %swap3A_117 : vector<16xi32> to vector<16xi32>
    %swap3A_119 = vector.shape_cast %shift_right_arithmetic3A_115 : vector<16xi32> to vector<16xi32>
    tpu.vector_store %arg13[%swap3A_116], %swap3A_119 {strides = array<i32>} : memref<256xi32, #tpu.memory_space<vmem>>, vector<16xi32>,
    %get3A_120 = arith.constant 144 : index
    %get3A_121 = tpu.vector_load %arg12[%get3A_120] {strides = array<i32>} : memref<256xi32, #tpu.memory_space<vmem>>, vector<16xi32>,
    %get3A_122 = vector.shape_cast %get3A_121 : vector<16xi32> to vector<16xi32>
    %shift_right_arithmetic3A_123 = arith.constant 1 : i32
    %shift_right_arithmetic3A_124 = vector.broadcast %shift_right_arithmetic3A_123 : i32 to vector<16xi32>
    %shift_right_arithmetic3A_125 = arith.shrsi %get3A_122, %shift_right_arithmetic3A_124 : vector<16xi32>
    %swap3A_126 = arith.constant 144 : index
    %swap3A_127 = tpu.vector_load %arg13[%swap3A_126] {strides = array<i32>} : memref<256xi32, #tpu.memory_space<vmem>>, vector<16xi32>,
    %swap3A_128 = vector.shape_cast %swap3A_127 : vector<16xi32> to vector<16xi32>
    %swap3A_129 = vector.shape_cast %shift_right_arithmetic3A_125 : vector<16xi32> to vector<16xi32>
    tpu.vector_store %arg13[%swap3A_126], %swap3A_129 {strides = array<i32>} : memref<256xi32, #tpu.memory_space<vmem>>, vector<16xi32>,
    %get3A_130 = arith.constant 160 : index
    %get3A_131 = tpu.vector_load %arg12[%get3A_130] {strides = array<i32>} : memref<256xi32, #tpu.memory_space<vmem>>, vector<16xi32>,
    %get3A_132 = vector.shape_cast %get3A_131 : vector<16xi32> to vector<16xi32>
    %shift_right_arithmetic3A_133 = arith.constant 1 : i32
    %shift_right_arithmetic3A_134 = vector.broadcast %shift_right_arithmetic3A_133 : i32 to vector<16xi32>
    %shift_right_arithmetic3A_135 = arith.shrsi %get3A_132, %shift_right_arithmetic3A_134 : vector<16xi32>
    %swap3A_136 = arith.constant 160 : index
    %swap3A_137 = tpu.vector_load %arg13[%swap3A_136] {strides = array<i32>} : memref<256xi32, #tpu.memory_space<vmem>>, vector<16xi32>,
    %swap3A_138 = vector.shape_cast %swap3A_137 : vector<16xi32> to vector<16xi32>
    %swap3A_139 = vector.shape_cast %shift_right_arithmetic3A_135 : vector<16xi32> to vector<16xi32>
    tpu.vector_store %arg13[%swap3A_136], %swap3A_139 {strides = array<i32>} : memref<256xi32, #tpu.memory_space<vmem>>, vector<16xi32>,
    %get3A_140 = arith.constant 176 : index
    %get3A_141 = tpu.vector_load %arg12[%get3A_140] {strides = array<i32>} : memref<256xi32, #tpu.memory_space<vmem>>, vector<16xi32>,
    %get3A_142 = vector.shape_cast %get3A_141 : vector<16xi32> to vector<16xi32>
    %shift_right_arithmetic3A_143 = arith.constant 1 : i32
    %shift_right_arithmetic3A_144 = vector.broadcast %shift_right_arithmetic3A_143 : i32 to vector<16xi32>
    %shift_right_arithmetic3A_145 = arith.shrsi %get3A_142, %shift_right_arithmetic3A_144 : vector<16xi32>
    %swap3A_146 = arith.constant 176 : index
    %swap3A_147 = tpu.vector_load %arg13[%swap3A_146] {strides = array<i32>} : memref<256xi32, #tpu.memory_space<vmem>>, vector<16xi32>,
    %swap3A_148 = vector.shape_cast %swap3A_147 : vector<16xi32> to vector<16xi32>
    %swap3A_149 = vector.shape_cast %shift_right_arithmetic3A_145 : vector<16xi32> to vector<16xi32>
    tpu.vector_store %arg13[%swap3A_146], %swap3A_149 {strides = array<i32>} : memref<256xi32, #tpu.memory_space<vmem>>, vector<16xi32>,
    %get3A_150 = arith.constant 192 : index
    %get3A_151 = tpu.vector_load %arg12[%get3A_150] {strides = array<i32>} : memref<256xi32, #tpu.memory_space<vmem>>, vector<16xi32>,
    %get3A_152 = vector.shape_cast %get3A_151 : vector<16xi32> to vector<16xi32>
    %shift_right_arithmetic3A_153 = arith.constant 1 : i32
    %shift_right_arithmetic3A_154 = vector.broadcast %shift_right_arithmetic3A_153 : i32 to vector<16xi32>
    %shift_right_arithmetic3A_155 = arith.shrsi %get3A_152, %shift_right_arithmetic3A_154 : vector<16xi32>
    %swap3A_156 = arith.constant 192 : index
    %swap3A_157 = tpu.vector_load %arg13[%swap3A_156] {strides = array<i32>} : memref<256xi32, #tpu.memory_space<vmem>>, vector<16xi32>,
    %swap3A_158 = vector.shape_cast %swap3A_157 : vector<16xi32> to vector<16xi32>
    %swap3A_159 = vector.shape_cast %shift_right_arithmetic3A_155 : vector<16xi32> to vector<16xi32>
    tpu.vector_store %arg13[%swap3A_156], %swap3A_159 {strides = array<i32>} : memref<256xi32, #tpu.memory_space<vmem>>, vector<16xi32>,
    %get3A_160 = arith.constant 208 : index
    %get3A_161 = tpu.vector_load %arg12[%get3A_160] {strides = array<i32>} : memref<256xi32, #tpu.memory_space<vmem>>, vector<16xi32>,
    %get3A_162 = vector.shape_cast %get3A_161 : vector<16xi32> to vector<16xi32>
    %shift_right_arithmetic3A_163 = arith.constant 1 : i32
    %shift_right_arithmetic3A_164 = vector.broadcast %shift_right_arithmetic3A_163 : i32 to vector<16xi32>
    %shift_right_arithmetic3A_165 = arith.shrsi %get3A_162, %shift_right_arithmetic3A_164 : vector<16xi32>
    %swap3A_166 = arith.constant 208 : index
    %swap3A_167 = tpu.vector_load %arg13[%swap3A_166] {strides = array<i32>} : memref<256xi32, #tpu.memory_space<vmem>>, vector<16xi32>,
    %swap3A_168 = vector.shape_cast %swap3A_167 : vector<16xi32> to vector<16xi32>
    %swap3A_169 = vector.shape_cast %shift_right_arithmetic3A_165 : vector<16xi32> to vector<16xi32>
    tpu.vector_store %arg13[%swap3A_166], %swap3A_169 {strides = array<i32>} : memref<256xi32, #tpu.memory_space<vmem>>, vector<16xi32>,
    %get3A_170 = arith.constant 224 : index
    %get3A_171 = tpu.vector_load %arg12[%get3A_170] {strides = array<i32>} : memref<256xi32, #tpu.memory_space<vmem>>, vector<16xi32>,
    %get3A_172 = vector.shape_cast %get3A_171 : vector<16xi32> to vector<16xi32>
    %shift_right_arithmetic3A_173 = arith.constant 1 : i32
    %shift_right_arithmetic3A_174 = vector.broadcast %shift_right_arithmetic3A_173 : i32 to vector<16xi32>
    %shift_right_arithmetic3A_175 = arith.shrsi %get3A_172, %shift_right_arithmetic3A_174 : vector<16xi32>
    %swap3A_176 = arith.constant 224 : index
    %swap3A_177 = tpu.vector_load %arg13[%swap3A_176] {strides = array<i32>} : memref<256xi32, #tpu.memory_space<vmem>>, vector<16xi32>,
    %swap3A_178 = vector.shape_cast %swap3A_177 : vector<16xi32> to vector<16xi32>
    %swap3A_179 = vector.shape_cast %shift_right_arithmetic3A_175 : vector<16xi32> to vector<16xi32>
    tpu.vector_store %arg13[%swap3A_176], %swap3A_179 {strides = array<i32>} : memref<256xi32, #tpu.memory_space<vmem>>, vector<16xi32>,
    %get3A_180 = arith.constant 240 : index
    %get3A_181 = tpu.vector_load %arg12[%get3A_180] {strides = array<i32>} : memref<256xi32, #tpu.memory_space<vmem>>, vector<16xi32>,
    %get3A_182 = vector.shape_cast %get3A_181 : vector<16xi32> to vector<16xi32>
    %shift_right_arithmetic3A_183 = arith.constant 1 : i32
    %shift_right_arithmetic3A_184 = vector.broadcast %shift_right_arithmetic3A_183 : i32 to vector<16xi32>
    %shift_right_arithmetic3A_185 = arith.shrsi %get3A_182, %shift_right_arithmetic3A_184 : vector<16xi32>
    %swap3A_186 = arith.constant 240 : index
    %swap3A_187 = tpu.vector_load %arg13[%swap3A_186] {strides = array<i32>} : memref<256xi32, #tpu.memory_space<vmem>>, vector<16xi32>,
    %swap3A_188 = vector.shape_cast %swap3A_187 : vector<16xi32> to vector<16xi32>
    %swap3A_189 = vector.shape_cast %shift_right_arithmetic3A_185 : vector<16xi32> to vector<16xi32>
    tpu.vector_store %arg13[%swap3A_186], %swap3A_189 {strides = array<i32>} : memref<256xi32, #tpu.memory_space<vmem>>, vector<16xi32>,
    %mul3A_190 = arith.constant 128 : i32
    %mul3A_191 = arith.muli %add3A, %mul3A_190 : i32
    %jit3A_192 = arith.constant 0 : i32
    %jit3A_193 = arith.constant 16 : i32
    %div3A_194 = arith.divsi %jit3A_192, %jit3A_193 : i32
    %sign3A_195 = arith.constant 0 : i32
    %sign3A_196 = arith.cmpi sgt, %jit3A_192, %sign3A_195 : i32
    %sign3A_197 = arith.extui %sign3A_196 : i1 to i32
    %sign3A_198 = arith.constant 0 : i32
    %sign3A_199 = arith.cmpi slt, %jit3A_192, %sign3A_198 : i32
    %sign3A_200 = arith.extui %sign3A_199 : i1 to i32
    %sign3A_201 = arith.subi %sign3A_197, %sign3A_200 : i32
    %sign3A_202 = arith.constant 0 : i32
    %sign3A_203 = arith.cmpi sgt, %jit3A_193, %sign3A_202 : i32
    %sign3A_204 = arith.extui %sign3A_203 : i1 to i32
    %sign3A_205 = arith.constant 0 : i32
    %sign3A_206 = arith.cmpi slt, %jit3A_193, %sign3A_205 : i32
    %sign3A_207 = arith.extui %sign3A_206 : i1 to i32
    %sign3A_208 = arith.subi %sign3A_204, %sign3A_207 : i32
    %ne3A_209 = arith.cmpi ne, %sign3A_201, %sign3A_208 : i32
    %rem3A_210 = arith.remsi %jit3A_192, %jit3A_193 : i32
    %ne3A_211 = arith.constant 0 : i32
    %ne3A_212 = arith.cmpi ne, %rem3A_210, %ne3A_211 : i32
    %and3A_213 = arith.andi %ne3A_209, %ne3A_212 : i1
    %sub3A_214 = arith.constant 1 : i32
    %sub3A_215 = arith.subi %div3A_194, %sub3A_214 : i32
    %select_n3A_216 = arith.select %and3A_213, %sub3A_215, %div3A_194 : i32
    %mul3A_217 = arith.constant 16 : i32
    %mul3A_218 = arith.muli %select_n3A_216, %mul3A_217 : i32
    %sub3A_219 = arith.constant 0 : i32
    %sub3A_220 = arith.subi %sub3A_219, %mul3A_218 : i32
    %eq3A_221 = arith.constant 0 : i32
    %eq3A_222 = arith.cmpi eq, %select_n3A_216, %eq3A_221 : i32
    %convert_element_type3A = arith.extui %eq3A_222 : i1 to i32
    %cond3A = arith.constant 0 : i32
    %cond3A_223 = arith.cmpi ne, %convert_element_type3A, %cond3A : i32
    scf.if %cond3A_223 {
      %mul3A_313 = arith.constant 16 : i32
      %mul3A_314 = arith.muli %sub3A_220, %mul3A_313 : i32
      %multiple_of3A = tpu.assume_multiple %mul3A_314, 16 : i32
      %dma_start3A = tpu.memref_slice %arg13[%multiple_of3A] : memref<256xi32, #tpu.memory_space<vmem>> -> memref<16xi32, #tpu.memory_space<vmem>>
      %dma_start3A_315 = tpu.memref_bitcast %arg3 : memref<100000x1024xbf16, #tpu.memory_space<hbm>> -> memref<50000x1024xi32, #tpu.memory_space<hbm>>
      %dma_start3A_316 = arith.constant 0 : i32
      %dma_start3A_317 = arith.constant 0 : i32
      %dma_start3A_318 = tpu.memref_slice %dma_start3A_315[%dma_start3A_316, %dma_start3A_317] : memref<50000x1024xi32, #tpu.memory_space<hbm>> -> memref<50000x1024xi32, #tpu.memory_space<hbm>>
      tpu.enqueue_indirect_dma source(%dma_start3A_318 : memref<50000x1024xi32, #tpu.memory_space<hbm>>) target(%arg14 : memref<16x1024xi32, #tpu.memory_space<vmem>>) offsets(%dma_start3A : memref<16xi32, #tpu.memory_space<vmem>>) semaphore(%arg18 : memref<!tpu.dma_semaphore, #tpu.memory_space<semaphore_mem>>)
    } else {
    }
    %eq3A_224 = arith.constant 1 : i32
    %eq3A_225 = arith.cmpi eq, %select_n3A_216, %eq3A_224 : i32
    %convert_element_type3A_226 = arith.extui %eq3A_225 : i1 to i32
    %cond3A_227 = arith.constant 0 : i32
    %cond3A_228 = arith.cmpi ne, %convert_element_type3A_226, %cond3A_227 : i32
    scf.if %cond3A_228 {
      %mul3A_313 = arith.constant 16 : i32
      %mul3A_314 = arith.muli %sub3A_220, %mul3A_313 : i32
      %multiple_of3A = tpu.assume_multiple %mul3A_314, 16 : i32
      %dma_start3A = tpu.memref_slice %arg13[%multiple_of3A] : memref<256xi32, #tpu.memory_space<vmem>> -> memref<16xi32, #tpu.memory_space<vmem>>
      %dma_start3A_315 = tpu.memref_bitcast %arg4 : memref<100000x1024xbf16, #tpu.memory_space<hbm>> -> memref<50000x1024xi32, #tpu.memory_space<hbm>>
      %dma_start3A_316 = arith.constant 0 : i32
      %dma_start3A_317 = arith.constant 0 : i32
      %dma_start3A_318 = tpu.memref_slice %dma_start3A_315[%dma_start3A_316, %dma_start3A_317] : memref<50000x1024xi32, #tpu.memory_space<hbm>> -> memref<50000x1024xi32, #tpu.memory_space<hbm>>
      tpu.enqueue_indirect_dma source(%dma_start3A_318 : memref<50000x1024xi32, #tpu.memory_space<hbm>>) target(%arg14 : memref<16x1024xi32, #tpu.memory_space<vmem>>) offsets(%dma_start3A : memref<16xi32, #tpu.memory_space<vmem>>) semaphore(%arg18 : memref<!tpu.dma_semaphore, #tpu.memory_space<semaphore_mem>>)
    } else {
    }
    %eq3A_229 = arith.constant 2 : i32
    %eq3A_230 = arith.cmpi eq, %select_n3A_216, %eq3A_229 : i32
    %convert_element_type3A_231 = arith.extui %eq3A_230 : i1 to i32
    %cond3A_232 = arith.constant 0 : i32
    %cond3A_233 = arith.cmpi ne, %convert_element_type3A_231, %cond3A_232 : i32
    scf.if %cond3A_233 {
      %mul3A_313 = arith.constant 16 : i32
      %mul3A_314 = arith.muli %sub3A_220, %mul3A_313 : i32
      %multiple_of3A = tpu.assume_multiple %mul3A_314, 16 : i32
      %dma_start3A = tpu.memref_slice %arg13[%multiple_of3A] : memref<256xi32, #tpu.memory_space<vmem>> -> memref<16xi32, #tpu.memory_space<vmem>>
      %dma_start3A_315 = tpu.memref_bitcast %arg5 : memref<100000x1024xbf16, #tpu.memory_space<hbm>> -> memref<50000x1024xi32, #tpu.memory_space<hbm>>
      %dma_start3A_316 = arith.constant 0 : i32
      %dma_start3A_317 = arith.constant 0 : i32
      %dma_start3A_318 = tpu.memref_slice %dma_start3A_315[%dma_start3A_316, %dma_start3A_317] : memref<50000x1024xi32, #tpu.memory_space<hbm>> -> memref<50000x1024xi32, #tpu.memory_space<hbm>>
      tpu.enqueue_indirect_dma source(%dma_start3A_318 : memref<50000x1024xi32, #tpu.memory_space<hbm>>) target(%arg14 : memref<16x1024xi32, #tpu.memory_space<vmem>>) offsets(%dma_start3A : memref<16xi32, #tpu.memory_space<vmem>>) semaphore(%arg18 : memref<!tpu.dma_semaphore, #tpu.memory_space<semaphore_mem>>)
    } else {
    }
    %jit3A_234 = arith.constant 1 : i32
    %jit3A_235 = arith.constant 16 : i32
    %div3A_236 = arith.divsi %jit3A_234, %jit3A_235 : i32
    %sign3A_237 = arith.constant 0 : i32
    %sign3A_238 = arith.cmpi sgt, %jit3A_234, %sign3A_237 : i32
    %sign3A_239 = arith.extui %sign3A_238 : i1 to i32
    %sign3A_240 = arith.constant 0 : i32
    %sign3A_241 = arith.cmpi slt, %jit3A_234, %sign3A_240 : i32
    %sign3A_242 = arith.extui %sign3A_241 : i1 to i32
    %sign3A_243 = arith.subi %sign3A_239, %sign3A_242 : i32
    %sign3A_244 = arith.constant 0 : i32
    %sign3A_245 = arith.cmpi sgt, %jit3A_235, %sign3A_244 : i32
    %sign3A_246 = arith.extui %sign3A_245 : i1 to i32
    %sign3A_247 = arith.constant 0 : i32
    %sign3A_248 = arith.cmpi slt, %jit3A_235, %sign3A_247 : i32
    %sign3A_249 = arith.extui %sign3A_248 : i1 to i32
    %sign3A_250 = arith.subi %sign3A_246, %sign3A_249 : i32
    %ne3A_251 = arith.cmpi ne, %sign3A_243, %sign3A_250 : i32
    %rem3A_252 = arith.remsi %jit3A_234, %jit3A_235 : i32
    %ne3A_253 = arith.constant 0 : i32
    %ne3A_254 = arith.cmpi ne, %rem3A_252, %ne3A_253 : i32
    %and3A_255 = arith.andi %ne3A_251, %ne3A_254 : i1
    %sub3A_256 = arith.constant 1 : i32
    %sub3A_257 = arith.subi %div3A_236, %sub3A_256 : i32
    %select_n3A_258 = arith.select %and3A_255, %sub3A_257, %div3A_236 : i32
    %mul3A_259 = arith.constant 16 : i32
    %mul3A_260 = arith.muli %select_n3A_258, %mul3A_259 : i32
    %sub3A_261 = arith.constant 1 : i32
    %sub3A_262 = arith.subi %sub3A_261, %mul3A_260 : i32
    %eq3A_263 = arith.constant 0 : i32
    %eq3A_264 = arith.cmpi eq, %select_n3A_258, %eq3A_263 : i32
    %convert_element_type3A_265 = arith.extui %eq3A_264 : i1 to i32
    %cond3A_266 = arith.constant 0 : i32
    %cond3A_267 = arith.cmpi ne, %convert_element_type3A_265, %cond3A_266 : i32
    scf.if %cond3A_267 {
      %mul3A_313 = arith.constant 16 : i32
      %mul3A_314 = arith.muli %sub3A_262, %mul3A_313 : i32
      %multiple_of3A = tpu.assume_multiple %mul3A_314, 16 : i32
      %dma_start3A = tpu.memref_slice %arg13[%multiple_of3A] : memref<256xi32, #tpu.memory_space<vmem>> -> memref<16xi32, #tpu.memory_space<vmem>>
      %dma_start3A_315 = tpu.memref_bitcast %arg3 : memref<100000x1024xbf16, #tpu.memory_space<hbm>> -> memref<50000x1024xi32, #tpu.memory_space<hbm>>
      %dma_start3A_316 = arith.constant 0 : i32
      %dma_start3A_317 = arith.constant 0 : i32
      %dma_start3A_318 = tpu.memref_slice %dma_start3A_315[%dma_start3A_316, %dma_start3A_317] : memref<50000x1024xi32, #tpu.memory_space<hbm>> -> memref<50000x1024xi32, #tpu.memory_space<hbm>>
      tpu.enqueue_indirect_dma source(%dma_start3A_318 : memref<50000x1024xi32, #tpu.memory_space<hbm>>) target(%arg15 : memref<16x1024xi32, #tpu.memory_space<vmem>>) offsets(%dma_start3A : memref<16xi32, #tpu.memory_space<vmem>>) semaphore(%arg19 : memref<!tpu.dma_semaphore, #tpu.memory_space<semaphore_mem>>)
    } else {
    }
    %eq3A_268 = arith.constant 1 : i32
    %eq3A_269 = arith.cmpi eq, %select_n3A_258, %eq3A_268 : i32
    %convert_element_type3A_270 = arith.extui %eq3A_269 : i1 to i32
    %cond3A_271 = arith.constant 0 : i32
    %cond3A_272 = arith.cmpi ne, %convert_element_type3A_270, %cond3A_271 : i32
    scf.if %cond3A_272 {
      %mul3A_313 = arith.constant 16 : i32
      %mul3A_314 = arith.muli %sub3A_262, %mul3A_313 : i32
      %multiple_of3A = tpu.assume_multiple %mul3A_314, 16 : i32
      %dma_start3A = tpu.memref_slice %arg13[%multiple_of3A] : memref<256xi32, #tpu.memory_space<vmem>> -> memref<16xi32, #tpu.memory_space<vmem>>
      %dma_start3A_315 = tpu.memref_bitcast %arg4 : memref<100000x1024xbf16, #tpu.memory_space<hbm>> -> memref<50000x1024xi32, #tpu.memory_space<hbm>>
      %dma_start3A_316 = arith.constant 0 : i32
      %dma_start3A_317 = arith.constant 0 : i32
      %dma_start3A_318 = tpu.memref_slice %dma_start3A_315[%dma_start3A_316, %dma_start3A_317] : memref<50000x1024xi32, #tpu.memory_space<hbm>> -> memref<50000x1024xi32, #tpu.memory_space<hbm>>
      tpu.enqueue_indirect_dma source(%dma_start3A_318 : memref<50000x1024xi32, #tpu.memory_space<hbm>>) target(%arg15 : memref<16x1024xi32, #tpu.memory_space<vmem>>) offsets(%dma_start3A : memref<16xi32, #tpu.memory_space<vmem>>) semaphore(%arg19 : memref<!tpu.dma_semaphore, #tpu.memory_space<semaphore_mem>>)
    } else {
    }
    %eq3A_273 = arith.constant 2 : i32
    %eq3A_274 = arith.cmpi eq, %select_n3A_258, %eq3A_273 : i32
    %convert_element_type3A_275 = arith.extui %eq3A_274 : i1 to i32
    %cond3A_276 = arith.constant 0 : i32
    %cond3A_277 = arith.cmpi ne, %convert_element_type3A_275, %cond3A_276 : i32
    scf.if %cond3A_277 {
      %mul3A_313 = arith.constant 16 : i32
      %mul3A_314 = arith.muli %sub3A_262, %mul3A_313 : i32
      %multiple_of3A = tpu.assume_multiple %mul3A_314, 16 : i32
      %dma_start3A = tpu.memref_slice %arg13[%multiple_of3A] : memref<256xi32, #tpu.memory_space<vmem>> -> memref<16xi32, #tpu.memory_space<vmem>>
      %dma_start3A_315 = tpu.memref_bitcast %arg5 : memref<100000x1024xbf16, #tpu.memory_space<hbm>> -> memref<50000x1024xi32, #tpu.memory_space<hbm>>
      %dma_start3A_316 = arith.constant 0 : i32
      %dma_start3A_317 = arith.constant 0 : i32
      %dma_start3A_318 = tpu.memref_slice %dma_start3A_315[%dma_start3A_316, %dma_start3A_317] : memref<50000x1024xi32, #tpu.memory_space<hbm>> -> memref<50000x1024xi32, #tpu.memory_space<hbm>>
      tpu.enqueue_indirect_dma source(%dma_start3A_318 : memref<50000x1024xi32, #tpu.memory_space<hbm>>) target(%arg15 : memref<16x1024xi32, #tpu.memory_space<vmem>>) offsets(%dma_start3A : memref<16xi32, #tpu.memory_space<vmem>>) semaphore(%arg19 : memref<!tpu.dma_semaphore, #tpu.memory_space<semaphore_mem>>)
    } else {
    }
    %scan3A = arith.constant 0 : i32
    %scan3A_278 = arith.constant 24 : i32
    %scan3A_279 = arith.addi %scan3A, %scan3A_278 : i32
    %scan3A_280 = arith.constant 1 : i32
    scf.for %scan3A_313 = %scan3A to %scan3A_279 step %scan3A_280  : i32 {
      %mul3A_314 = arith.constant 1 : i32
      %mul3A_315 = arith.muli %scan3A_313, %mul3A_314 : i32
      %add3A_316 = arith.constant 0 : i32
      %add3A_317 = arith.addi %add3A_316, %mul3A_315 : i32
      %mul3A_318 = arith.constant 2 : i32
      %mul3A_319 = arith.muli %mul3A_318, %add3A_317 : i32
      %jit3A_320 = arith.constant 16 : i32
      %div3A_321 = arith.divsi %mul3A_319, %jit3A_320 : i32
      %sign3A_322 = arith.constant 0 : i32
      %sign3A_323 = arith.cmpi sgt, %mul3A_319, %sign3A_322 : i32
      %sign3A_324 = arith.extui %sign3A_323 : i1 to i32
      %sign3A_325 = arith.constant 0 : i32
      %sign3A_326 = arith.cmpi slt, %mul3A_319, %sign3A_325 : i32
      %sign3A_327 = arith.extui %sign3A_326 : i1 to i32
      %sign3A_328 = arith.subi %sign3A_324, %sign3A_327 : i32
      %sign3A_329 = arith.constant 0 : i32
      %sign3A_330 = arith.cmpi sgt, %jit3A_320, %sign3A_329 : i32
      %sign3A_331 = arith.extui %sign3A_330 : i1 to i32
      %sign3A_332 = arith.constant 0 : i32
      %sign3A_333 = arith.cmpi slt, %jit3A_320, %sign3A_332 : i32
      %sign3A_334 = arith.extui %sign3A_333 : i1 to i32
      %sign3A_335 = arith.subi %sign3A_331, %sign3A_334 : i32
      %ne3A_336 = arith.cmpi ne, %sign3A_328, %sign3A_335 : i32
      %rem3A_337 = arith.remsi %mul3A_319, %jit3A_320 : i32
      %ne3A_338 = arith.constant 0 : i32
      %ne3A_339 = arith.cmpi ne, %rem3A_337, %ne3A_338 : i32
      %and3A_340 = arith.andi %ne3A_336, %ne3A_339 : i1
      %sub3A_341 = arith.constant 1 : i32
      %sub3A_342 = arith.subi %div3A_321, %sub3A_341 : i32
      %select_n3A_343 = arith.select %and3A_340, %sub3A_342, %div3A_321 : i32
      %mul3A_344 = arith.constant 16 : i32
      %mul3A_345 = arith.muli %select_n3A_343, %mul3A_344 : i32
      %sub3A_346 = arith.subi %mul3A_319, %mul3A_345 : i32
      %mul3A_347 = arith.constant 16 : i32
      %mul3A_348 = arith.muli %sub3A_346, %mul3A_347 : i32
      %multiple_of3A = tpu.assume_multiple %mul3A_348, 16 : i32
      %dma_wait3A_349 = tpu.memref_slice %arg13[%multiple_of3A] : memref<256xi32, #tpu.memory_space<vmem>> -> memref<16xi32, #tpu.memory_space<vmem>>
      %dma_wait3A_350 = tpu.memref_bitcast %arg3 : memref<100000x1024xbf16, #tpu.memory_space<hbm>> -> memref<50000x1024xi32, #tpu.memory_space<hbm>>
      %dma_wait3A_351 = arith.constant 0 : i32
      %dma_wait3A_352 = arith.constant 0 : i32
      %dma_wait3A_353 = tpu.memref_slice %dma_wait3A_350[%dma_wait3A_351, %dma_wait3A_352] : memref<50000x1024xi32, #tpu.memory_space<hbm>> -> memref<50000x1024xi32, #tpu.memory_space<hbm>>
      tpu.wait_indirect_dma semaphore(%arg18 : memref<!tpu.dma_semaphore, #tpu.memory_space<semaphore_mem>>) src(%dma_wait3A_353 : memref<50000x1024xi32, #tpu.memory_space<hbm>>) dst(%arg14 : memref<16x1024xi32, #tpu.memory_space<vmem>>)
      %ge3A = arith.constant 2 : i32
      %ge3A_354 = arith.cmpi sge, %mul3A_319, %ge3A : i32
      %convert_element_type3A_355 = arith.extui %ge3A_354 : i1 to i32
      %cond3A_356 = arith.constant 0 : i32
      %cond3A_357 = arith.cmpi ne, %convert_element_type3A_355, %cond3A_356 : i32
      scf.if %cond3A_357 {
        %dma_wait3A_524 = tpu.memref_bitcast %arg6 : memref<8192x1024xbf16, #tpu.memory_space<hbm>> -> memref<4096x1024xi32, #tpu.memory_space<hbm>>
        %dma_wait3A_525 = arith.constant 0 : i32
        %dma_wait3A_526 = arith.constant 0 : i32
        %dma_wait3A_527 = tpu.memref_slice %dma_wait3A_524[%dma_wait3A_525, %dma_wait3A_526] : memref<4096x1024xi32, #tpu.memory_space<hbm>> -> memref<8x1024xi32, #tpu.memory_space<hbm>>
        %dma_wait3A_528 = tpu.memref_bitcast %arg6 : memref<8192x1024xbf16, #tpu.memory_space<hbm>> -> memref<4096x1024xi32, #tpu.memory_space<hbm>>
        %dma_wait3A_529 = arith.constant 0 : i32
        %dma_wait3A_530 = arith.constant 0 : i32
        %dma_wait3A_531 = tpu.memref_slice %dma_wait3A_528[%dma_wait3A_529, %dma_wait3A_530] : memref<4096x1024xi32, #tpu.memory_space<hbm>> -> memref<8x1024xi32, #tpu.memory_space<hbm>>
        tpu.wait_dma2 semaphore(%arg20 : memref<!tpu.dma_semaphore, #tpu.memory_space<semaphore_mem>>) src(%arg16 : memref<8x1024xi32, #tpu.memory_space<vmem>>) dst(%dma_wait3A_531 : memref<8x1024xi32, #tpu.memory_space<hbm>>)
        %dma_wait3A_532 = tpu.memref_bitcast %arg6 : memref<8192x1024xbf16, #tpu.memory_space<hbm>> -> memref<4096x1024xi32, #tpu.memory_space<hbm>>
        %dma_wait3A_533 = arith.constant 0 : i32
        %dma_wait3A_534 = arith.constant 0 : i32
        %dma_wait3A_535 = tpu.memref_slice %dma_wait3A_532[%dma_wait3A_533, %dma_wait3A_534] : memref<4096x1024xi32, #tpu.memory_space<hbm>> -> memref<8x1024xi32, #tpu.memory_space<hbm>>
        %dma_wait3A_536 = tpu.memref_bitcast %arg6 : memref<8192x1024xbf16, #tpu.memory_space<hbm>> -> memref<4096x1024xi32, #tpu.memory_space<hbm>>
        %dma_wait3A_537 = arith.constant 0 : i32
        %dma_wait3A_538 = arith.constant 0 : i32
        %dma_wait3A_539 = tpu.memref_slice %dma_wait3A_536[%dma_wait3A_537, %dma_wait3A_538] : memref<4096x1024xi32, #tpu.memory_space<hbm>> -> memref<8x1024xi32, #tpu.memory_space<hbm>>
        tpu.wait_dma2 semaphore(%arg20 : memref<!tpu.dma_semaphore, #tpu.memory_space<semaphore_mem>>) src(%arg16 : memref<8x1024xi32, #tpu.memory_space<vmem>>) dst(%dma_wait3A_539 : memref<8x1024xi32, #tpu.memory_space<hbm>>)
      } else {
      }
      %mul3A_358 = arith.constant 16 : i32
      %mul3A_359 = arith.muli %sub3A_346, %mul3A_358 : i32
      %multiple_of3A_360 = tpu.assume_multiple %mul3A_359, 16 : i32
      %get3A_361 = arith.index_cast %multiple_of3A_360 : i32 to index
      %get3A_362 = tpu.vector_load %arg12[%get3A_361] {strides = array<i32>} : memref<256xi32, #tpu.memory_space<vmem>>, vector<16xi32>,
      %get3A_363 = vector.shape_cast %get3A_362 : vector<16xi32> to vector<16xi32>
      %slice3A = vector.extract_strided_slice %get3A_363 {offsets = [0], sizes = [1], strides = [1]} : vector<16xi32> to vector<1xi32>
      %squeeze3A = vector.extract %slice3A[0] : i32 from vector<1xi32>
      %and3A_364 = arith.constant 1 : i32
      %and3A_365 = arith.andi %squeeze3A, %and3A_364 : i32
      %mul3A_366 = arith.constant 16 : i32
      %mul3A_367 = arith.muli %and3A_365, %mul3A_366 : i32
      %slice3A_368 = vector.extract_strided_slice %get3A_363 {offsets = [1], sizes = [1], strides = [1]} : vector<16xi32> to vector<1xi32>
      %squeeze3A_369 = vector.extract %slice3A_368[0] : i32 from vector<1xi32>
      %and3A_370 = arith.constant 1 : i32
      %and3A_371 = arith.andi %squeeze3A_369, %and3A_370 : i32
      %mul3A_372 = arith.constant 16 : i32
      %mul3A_373 = arith.muli %and3A_371, %mul3A_372 : i32
      %scan3A_374 = arith.constant 0 : i32
      %scan3A_375 = arith.constant 8 : i32
      %scan3A_376 = arith.addi %scan3A_374, %scan3A_375 : i32
      %scan3A_377 = arith.constant 1 : i32
      scf.for %scan3A_524 = %scan3A_374 to %scan3A_376 step %scan3A_377  : i32 {
        %mul3A_525 = arith.constant 1 : i32
        %mul3A_526 = arith.muli %scan3A_524, %mul3A_525 : i32
        %add3A_527 = arith.constant 0 : i32
        %add3A_528 = arith.addi %add3A_527, %mul3A_526 : i32
        %mul3A_529 = arith.constant 8 : i32
        %mul3A_530 = arith.muli %add3A_528, %mul3A_529 : i32
        %add3A_531 = arith.constant 0 : i32
        %add3A_532 = arith.addi %mul3A_530, %add3A_531 : i32
        %mul3A_533 = arith.constant 16 : i32
        %mul3A_534 = arith.muli %add3A_532, %mul3A_533 : i32
        %get3A_535 = arith.constant 0 : i32
        %get3A_536 = arith.index_cast %get3A_535 : i32 to index
        %get3A_537 = arith.index_cast %mul3A_534 : i32 to index
        %get3A_538 = tpu.vector_load %arg14[%get3A_536, %get3A_537] {strides = array<i32>} : memref<16x1024xi32, #tpu.memory_space<vmem>>, vector<1x16xi32>,
        %get3A_539 = vector.shape_cast %get3A_538 : vector<1x16xi32> to vector<16xi32>
        %get3A_540 = arith.constant 1 : i32
        %get3A_541 = arith.index_cast %get3A_540 : i32 to index
        %get3A_542 = arith.index_cast %mul3A_534 : i32 to index
        %get3A_543 = tpu.vector_load %arg14[%get3A_541, %get3A_542] {strides = array<i32>} : memref<16x1024xi32, #tpu.memory_space<vmem>>, vector<1x16xi32>,
        %get3A_544 = vector.shape_cast %get3A_543 : vector<1x16xi32> to vector<16xi32>
        %shift_right_arithmetic3A_545 = vector.broadcast %mul3A_367 : i32 to vector<16xi32>
        %shift_right_arithmetic3A_546 = arith.shrsi %get3A_539, %shift_right_arithmetic3A_545 : vector<16xi32>
        %and3A_547 = arith.constant 65535 : i32
        %and3A_548 = vector.broadcast %and3A_547 : i32 to vector<16xi32>
        %and3A_549 = arith.andi %shift_right_arithmetic3A_546, %and3A_548 : vector<16xi32>
        %shift_right_arithmetic3A_550 = vector.broadcast %mul3A_373 : i32 to vector<16xi32>
        %shift_right_arithmetic3A_551 = arith.shrsi %get3A_544, %shift_right_arithmetic3A_550 : vector<16xi32>
        %shift_left3A = arith.constant 16 : i32
        %shift_left3A_552 = vector.broadcast %shift_left3A : i32 to vector<16xi32>
        %shift_left3A_553 = arith.shli %shift_right_arithmetic3A_551, %shift_left3A_552 : vector<16xi32>
        %or3A = arith.ori %and3A_549, %shift_left3A_553 : vector<16xi32>
        %swap3A_554 = arith.constant 0 : i32
        %swap3A_555 = arith.index_cast %swap3A_554 : i32 to index
        %swap3A_556 = arith.index_cast %mul3A_534 : i32 to index
        %swap3A_557 = tpu.vector_load %arg16[%swap3A_555, %swap3A_556] {strides = array<i32>} : memref<8x1024xi32, #tpu.memory_space<vmem>>, vector<1x16xi32>,
        %swap3A_558 = vector.shape_cast %swap3A_557 : vector<1x16xi32> to vector<16xi32>
        %swap3A_559 = vector.shape_cast %or3A : vector<16xi32> to vector<1x16xi32>
        tpu.vector_store %arg16[%swap3A_555, %swap3A_556], %swap3A_559 {strides = array<i32>} : memref<8x1024xi32, #tpu.memory_space<vmem>>, vector<1x16xi32>,
        %mul3A_560 = arith.constant 8 : i32
        %mul3A_561 = arith.muli %add3A_528, %mul3A_560 : i32
        %add3A_562 = arith.constant 1 : i32
        %add3A_563 = arith.addi %mul3A_561, %add3A_562 : i32
        %mul3A_564 = arith.constant 16 : i32
        %mul3A_565 = arith.muli %add3A_563, %mul3A_564 : i32
        %get3A_566 = arith.constant 0 : i32
        %get3A_567 = arith.index_cast %get3A_566 : i32 to index
        %get3A_568 = arith.index_cast %mul3A_565 : i32 to index
        %get3A_569 = tpu.vector_load %arg14[%get3A_567, %get3A_568] {strides = array<i32>} : memref<16x1024xi32, #tpu.memory_space<vmem>>, vector<1x16xi32>,
        %get3A_570 = vector.shape_cast %get3A_569 : vector<1x16xi32> to vector<16xi32>
        %get3A_571 = arith.constant 1 : i32
        %get3A_572 = arith.index_cast %get3A_571 : i32 to index
        %get3A_573 = arith.index_cast %mul3A_565 : i32 to index
        %get3A_574 = tpu.vector_load %arg14[%get3A_572, %get3A_573] {strides = array<i32>} : memref<16x1024xi32, #tpu.memory_space<vmem>>, vector<1x16xi32>,
        %get3A_575 = vector.shape_cast %get3A_574 : vector<1x16xi32> to vector<16xi32>
        %shift_right_arithmetic3A_576 = vector.broadcast %mul3A_367 : i32 to vector<16xi32>
        %shift_right_arithmetic3A_577 = arith.shrsi %get3A_570, %shift_right_arithmetic3A_576 : vector<16xi32>
        %and3A_578 = arith.constant 65535 : i32
        %and3A_579 = vector.broadcast %and3A_578 : i32 to vector<16xi32>
        %and3A_580 = arith.andi %shift_right_arithmetic3A_577, %and3A_579 : vector<16xi32>
        %shift_right_arithmetic3A_581 = vector.broadcast %mul3A_373 : i32 to vector<16xi32>
        %shift_right_arithmetic3A_582 = arith.shrsi %get3A_575, %shift_right_arithmetic3A_581 : vector<16xi32>
        %shift_left3A_583 = arith.constant 16 : i32
        %shift_left3A_584 = vector.broadcast %shift_left3A_583 : i32 to vector<16xi32>
        %shift_left3A_585 = arith.shli %shift_right_arithmetic3A_582, %shift_left3A_584 : vector<16xi32>
        %or3A_586 = arith.ori %and3A_580, %shift_left3A_585 : vector<16xi32>
        %swap3A_587 = arith.constant 0 : i32
        %swap3A_588 = arith.index_cast %swap3A_587 : i32 to index
        %swap3A_589 = arith.index_cast %mul3A_565 : i32 to index
        %swap3A_590 = tpu.vector_load %arg16[%swap3A_588, %swap3A_589] {strides = array<i32>} : memref<8x1024xi32, #tpu.memory_space<vmem>>, vector<1x16xi32>,
        %swap3A_591 = vector.shape_cast %swap3A_590 : vector<1x16xi32> to vector<16xi32>
        %swap3A_592 = vector.shape_cast %or3A_586 : vector<16xi32> to vector<1x16xi32>
        tpu.vector_store %arg16[%swap3A_588, %swap3A_589], %swap3A_592 {strides = array<i32>} : memref<8x1024xi32, #tpu.memory_space<vmem>>, vector<1x16xi32>,
        %mul3A_593 = arith.constant 8 : i32
        %mul3A_594 = arith.muli %add3A_528, %mul3A_593 : i32
        %add3A_595 = arith.constant 2 : i32
        %add3A_596 = arith.addi %mul3A_594, %add3A_595 : i32
        %mul3A_597 = arith.constant 16 : i32
        %mul3A_598 = arith.muli %add3A_596, %mul3A_597 : i32
        %get3A_599 = arith.constant 0 : i32
        %get3A_600 = arith.index_cast %get3A_599 : i32 to index
        %get3A_601 = arith.index_cast %mul3A_598 : i32 to index
        %get3A_602 = tpu.vector_load %arg14[%get3A_600, %get3A_601] {strides = array<i32>} : memref<16x1024xi32, #tpu.memory_space<vmem>>, vector<1x16xi32>,
        %get3A_603 = vector.shape_cast %get3A_602 : vector<1x16xi32> to vector<16xi32>
        %get3A_604 = arith.constant 1 : i32
        %get3A_605 = arith.index_cast %get3A_604 : i32 to index
        %get3A_606 = arith.index_cast %mul3A_598 : i32 to index
        %get3A_607 = tpu.vector_load %arg14[%get3A_605, %get3A_606] {strides = array<i32>} : memref<16x1024xi32, #tpu.memory_space<vmem>>, vector<1x16xi32>,
        %get3A_608 = vector.shape_cast %get3A_607 : vector<1x16xi32> to vector<16xi32>
        %shift_right_arithmetic3A_609 = vector.broadcast %mul3A_367 : i32 to vector<16xi32>
        %shift_right_arithmetic3A_610 = arith.shrsi %get3A_603, %shift_right_arithmetic3A_609 : vector<16xi32>
        %and3A_611 = arith.constant 65535 : i32
        %and3A_612 = vector.broadcast %and3A_611 : i32 to vector<16xi32>
        %and3A_613 = arith.andi %shift_right_arithmetic3A_610, %and3A_612 : vector<16xi32>
        %shift_right_arithmetic3A_614 = vector.broadcast %mul3A_373 : i32 to vector<16xi32>
        %shift_right_arithmetic3A_615 = arith.shrsi %get3A_608, %shift_right_arithmetic3A_614 : vector<16xi32>
        %shift_left3A_616 = arith.constant 16 : i32
        %shift_left3A_617 = vector.broadcast %shift_left3A_616 : i32 to vector<16xi32>
        %shift_left3A_618 = arith.shli %shift_right_arithmetic3A_615, %shift_left3A_617 : vector<16xi32>
        %or3A_619 = arith.ori %and3A_613, %shift_left3A_618 : vector<16xi32>
        %swap3A_620 = arith.constant 0 : i32
        %swap3A_621 = arith.index_cast %swap3A_620 : i32 to index
        %swap3A_622 = arith.index_cast %mul3A_598 : i32 to index
        %swap3A_623 = tpu.vector_load %arg16[%swap3A_621, %swap3A_622] {strides = array<i32>} : memref<8x1024xi32, #tpu.memory_space<vmem>>, vector<1x16xi32>,
        %swap3A_624 = vector.shape_cast %swap3A_623 : vector<1x16xi32> to vector<16xi32>
        %swap3A_625 = vector.shape_cast %or3A_619 : vector<16xi32> to vector<1x16xi32>
        tpu.vector_store %arg16[%swap3A_621, %swap3A_622], %swap3A_625 {strides = array<i32>} : memref<8x1024xi32, #tpu.memory_space<vmem>>, vector<1x16xi32>,
        %mul3A_626 = arith.constant 8 : i32
        %mul3A_627 = arith.muli %add3A_528, %mul3A_626 : i32
        %add3A_628 = arith.constant 3 : i32
        %add3A_629 = arith.addi %mul3A_627, %add3A_628 : i32
        %mul3A_630 = arith.constant 16 : i32
        %mul3A_631 = arith.muli %add3A_629, %mul3A_630 : i32
        %get3A_632 = arith.constant 0 : i32
        %get3A_633 = arith.index_cast %get3A_632 : i32 to index
        %get3A_634 = arith.index_cast %mul3A_631 : i32 to index
        %get3A_635 = tpu.vector_load %arg14[%get3A_633, %get3A_634] {strides = array<i32>} : memref<16x1024xi32, #tpu.memory_space<vmem>>, vector<1x16xi32>,
        %get3A_636 = vector.shape_cast %get3A_635 : vector<1x16xi32> to vector<16xi32>
        %get3A_637 = arith.constant 1 : i32
        %get3A_638 = arith.index_cast %get3A_637 : i32 to index
        %get3A_639 = arith.index_cast %mul3A_631 : i32 to index
        %get3A_640 = tpu.vector_load %arg14[%get3A_638, %get3A_639] {strides = array<i32>} : memref<16x1024xi32, #tpu.memory_space<vmem>>, vector<1x16xi32>,
        %get3A_641 = vector.shape_cast %get3A_640 : vector<1x16xi32> to vector<16xi32>
        %shift_right_arithmetic3A_642 = vector.broadcast %mul3A_367 : i32 to vector<16xi32>
        %shift_right_arithmetic3A_643 = arith.shrsi %get3A_636, %shift_right_arithmetic3A_642 : vector<16xi32>
        %and3A_644 = arith.constant 65535 : i32
        %and3A_645 = vector.broadcast %and3A_644 : i32 to vector<16xi32>
        %and3A_646 = arith.andi %shift_right_arithmetic3A_643, %and3A_645 : vector<16xi32>
        %shift_right_arithmetic3A_647 = vector.broadcast %mul3A_373 : i32 to vector<16xi32>
        %shift_right_arithmetic3A_648 = arith.shrsi %get3A_641, %shift_right_arithmetic3A_647 : vector<16xi32>
        %shift_left3A_649 = arith.constant 16 : i32
        %shift_left3A_650 = vector.broadcast %shift_left3A_649 : i32 to vector<16xi32>
        %shift_left3A_651 = arith.shli %shift_right_arithmetic3A_648, %shift_left3A_650 : vector<16xi32>
        %or3A_652 = arith.ori %and3A_646, %shift_left3A_651 : vector<16xi32>
        %swap3A_653 = arith.constant 0 : i32
        %swap3A_654 = arith.index_cast %swap3A_653 : i32 to index
        %swap3A_655 = arith.index_cast %mul3A_631 : i32 to index
        %swap3A_656 = tpu.vector_load %arg16[%swap3A_654, %swap3A_655] {strides = array<i32>} : memref<8x1024xi32, #tpu.memory_space<vmem>>, vector<1x16xi32>,
        %swap3A_657 = vector.shape_cast %swap3A_656 : vector<1x16xi32> to vector<16xi32>
        %swap3A_658 = vector.shape_cast %or3A_652 : vector<16xi32> to vector<1x16xi32>
        tpu.vector_store %arg16[%swap3A_654, %swap3A_655], %swap3A_658 {strides = array<i32>} : memref<8x1024xi32, #tpu.memory_space<vmem>>, vector<1x16xi32>,
        %mul3A_659 = arith.constant 8 : i32
        %mul3A_660 = arith.muli %add3A_528, %mul3A_659 : i32
        %add3A_661 = arith.constant 4 : i32
        %add3A_662 = arith.addi %mul3A_660, %add3A_661 : i32
        %mul3A_663 = arith.constant 16 : i32
        %mul3A_664 = arith.muli %add3A_662, %mul3A_663 : i32
        %get3A_665 = arith.constant 0 : i32
        %get3A_666 = arith.index_cast %get3A_665 : i32 to index
        %get3A_667 = arith.index_cast %mul3A_664 : i32 to index
        %get3A_668 = tpu.vector_load %arg14[%get3A_666, %get3A_667] {strides = array<i32>} : memref<16x1024xi32, #tpu.memory_space<vmem>>, vector<1x16xi32>,
        %get3A_669 = vector.shape_cast %get3A_668 : vector<1x16xi32> to vector<16xi32>
        %get3A_670 = arith.constant 1 : i32
        %get3A_671 = arith.index_cast %get3A_670 : i32 to index
        %get3A_672 = arith.index_cast %mul3A_664 : i32 to index
        %get3A_673 = tpu.vector_load %arg14[%get3A_671, %get3A_672] {strides = array<i32>} : memref<16x1024xi32, #tpu.memory_space<vmem>>, vector<1x16xi32>,
        %get3A_674 = vector.shape_cast %get3A_673 : vector<1x16xi32> to vector<16xi32>
        %shift_right_arithmetic3A_675 = vector.broadcast %mul3A_367 : i32 to vector<16xi32>
        %shift_right_arithmetic3A_676 = arith.shrsi %get3A_669, %shift_right_arithmetic3A_675 : vector<16xi32>
        %and3A_677 = arith.constant 65535 : i32
        %and3A_678 = vector.broadcast %and3A_677 : i32 to vector<16xi32>
        %and3A_679 = arith.andi %shift_right_arithmetic3A_676, %and3A_678 : vector<16xi32>
        %shift_right_arithmetic3A_680 = vector.broadcast %mul3A_373 : i32 to vector<16xi32>
        %shift_right_arithmetic3A_681 = arith.shrsi %get3A_674, %shift_right_arithmetic3A_680 : vector<16xi32>
        %shift_left3A_682 = arith.constant 16 : i32
        %shift_left3A_683 = vector.broadcast %shift_left3A_682 : i32 to vector<16xi32>
        %shift_left3A_684 = arith.shli %shift_right_arithmetic3A_681, %shift_left3A_683 : vector<16xi32>
        %or3A_685 = arith.ori %and3A_679, %shift_left3A_684 : vector<16xi32>
        %swap3A_686 = arith.constant 0 : i32
        %swap3A_687 = arith.index_cast %swap3A_686 : i32 to index
        %swap3A_688 = arith.index_cast %mul3A_664 : i32 to index
        %swap3A_689 = tpu.vector_load %arg16[%swap3A_687, %swap3A_688] {strides = array<i32>} : memref<8x1024xi32, #tpu.memory_space<vmem>>, vector<1x16xi32>,
        %swap3A_690 = vector.shape_cast %swap3A_689 : vector<1x16xi32> to vector<16xi32>
        %swap3A_691 = vector.shape_cast %or3A_685 : vector<16xi32> to vector<1x16xi32>
        tpu.vector_store %arg16[%swap3A_687, %swap3A_688], %swap3A_691 {strides = array<i32>} : memref<8x1024xi32, #tpu.memory_space<vmem>>, vector<1x16xi32>,
        %mul3A_692 = arith.constant 8 : i32
        %mul3A_693 = arith.muli %add3A_528, %mul3A_692 : i32
        %add3A_694 = arith.constant 5 : i32
        %add3A_695 = arith.addi %mul3A_693, %add3A_694 : i32
        %mul3A_696 = arith.constant 16 : i32
        %mul3A_697 = arith.muli %add3A_695, %mul3A_696 : i32
        %get3A_698 = arith.constant 0 : i32
        %get3A_699 = arith.index_cast %get3A_698 : i32 to index
        %get3A_700 = arith.index_cast %mul3A_697 : i32 to index
        %get3A_701 = tpu.vector_load %arg14[%get3A_699, %get3A_700] {strides = array<i32>} : memref<16x1024xi32, #tpu.memory_space<vmem>>, vector<1x16xi32>,
        %get3A_702 = vector.shape_cast %get3A_701 : vector<1x16xi32> to vector<16xi32>
        %get3A_703 = arith.constant 1 : i32
        %get3A_704 = arith.index_cast %get3A_703 : i32 to index
        %get3A_705 = arith.index_cast %mul3A_697 : i32 to index
        %get3A_706 = tpu.vector_load %arg14[%get3A_704, %get3A_705] {strides = array<i32>} : memref<16x1024xi32, #tpu.memory_space<vmem>>, vector<1x16xi32>,
        %get3A_707 = vector.shape_cast %get3A_706 : vector<1x16xi32> to vector<16xi32>
        %shift_right_arithmetic3A_708 = vector.broadcast %mul3A_367 : i32 to vector<16xi32>
        %shift_right_arithmetic3A_709 = arith.shrsi %get3A_702, %shift_right_arithmetic3A_708 : vector<16xi32>
        %and3A_710 = arith.constant 65535 : i32
        %and3A_711 = vector.broadcast %and3A_710 : i32 to vector<16xi32>
        %and3A_712 = arith.andi %shift_right_arithmetic3A_709, %and3A_711 : vector<16xi32>
        %shift_right_arithmetic3A_713 = vector.broadcast %mul3A_373 : i32 to vector<16xi32>
        %shift_right_arithmetic3A_714 = arith.shrsi %get3A_707, %shift_right_arithmetic3A_713 : vector<16xi32>
        %shift_left3A_715 = arith.constant 16 : i32
        %shift_left3A_716 = vector.broadcast %shift_left3A_715 : i32 to vector<16xi32>
        %shift_left3A_717 = arith.shli %shift_right_arithmetic3A_714, %shift_left3A_716 : vector<16xi32>
        %or3A_718 = arith.ori %and3A_712, %shift_left3A_717 : vector<16xi32>
        %swap3A_719 = arith.constant 0 : i32
        %swap3A_720 = arith.index_cast %swap3A_719 : i32 to index
        %swap3A_721 = arith.index_cast %mul3A_697 : i32 to index
        %swap3A_722 = tpu.vector_load %arg16[%swap3A_720, %swap3A_721] {strides = array<i32>} : memref<8x1024xi32, #tpu.memory_space<vmem>>, vector<1x16xi32>,
        %swap3A_723 = vector.shape_cast %swap3A_722 : vector<1x16xi32> to vector<16xi32>
        %swap3A_724 = vector.shape_cast %or3A_718 : vector<16xi32> to vector<1x16xi32>
        tpu.vector_store %arg16[%swap3A_720, %swap3A_721], %swap3A_724 {strides = array<i32>} : memref<8x1024xi32, #tpu.memory_space<vmem>>, vector<1x16xi32>,
        %mul3A_725 = arith.constant 8 : i32
        %mul3A_726 = arith.muli %add3A_528, %mul3A_725 : i32
        %add3A_727 = arith.constant 6 : i32
        %add3A_728 = arith.addi %mul3A_726, %add3A_727 : i32
        %mul3A_729 = arith.constant 16 : i32
        %mul3A_730 = arith.muli %add3A_728, %mul3A_729 : i32
        %get3A_731 = arith.constant 0 : i32
        %get3A_732 = arith.index_cast %get3A_731 : i32 to index
        %get3A_733 = arith.index_cast %mul3A_730 : i32 to index
        %get3A_734 = tpu.vector_load %arg14[%get3A_732, %get3A_733] {strides = array<i32>} : memref<16x1024xi32, #tpu.memory_space<vmem>>, vector<1x16xi32>,
        %get3A_735 = vector.shape_cast %get3A_734 : vector<1x16xi32> to vector<16xi32>
        %get3A_736 = arith.constant 1 : i32
        %get3A_737 = arith.index_cast %get3A_736 : i32 to index
        %get3A_738 = arith.index_cast %mul3A_730 : i32 to index
        %get3A_739 = tpu.vector_load %arg14[%get3A_737, %get3A_738] {strides = array<i32>} : memref<16x1024xi32, #tpu.memory_space<vmem>>, vector<1x16xi32>,
        %get3A_740 = vector.shape_cast %get3A_739 : vector<1x16xi32> to vector<16xi32>
        %shift_right_arithmetic3A_741 = vector.broadcast %mul3A_367 : i32 to vector<16xi32>
        %shift_right_arithmetic3A_742 = arith.shrsi %get3A_735, %shift_right_arithmetic3A_741 : vector<16xi32>
        %and3A_743 = arith.constant 65535 : i32
        %and3A_744 = vector.broadcast %and3A_743 : i32 to vector<16xi32>
        %and3A_745 = arith.andi %shift_right_arithmetic3A_742, %and3A_744 : vector<16xi32>
        %shift_right_arithmetic3A_746 = vector.broadcast %mul3A_373 : i32 to vector<16xi32>
        %shift_right_arithmetic3A_747 = arith.shrsi %get3A_740, %shift_right_arithmetic3A_746 : vector<16xi32>
        %shift_left3A_748 = arith.constant 16 : i32
        %shift_left3A_749 = vector.broadcast %shift_left3A_748 : i32 to vector<16xi32>
        %shift_left3A_750 = arith.shli %shift_right_arithmetic3A_747, %shift_left3A_749 : vector<16xi32>
        %or3A_751 = arith.ori %and3A_745, %shift_left3A_750 : vector<16xi32>
        %swap3A_752 = arith.constant 0 : i32
        %swap3A_753 = arith.index_cast %swap3A_752 : i32 to index
        %swap3A_754 = arith.index_cast %mul3A_730 : i32 to index
        %swap3A_755 = tpu.vector_load %arg16[%swap3A_753, %swap3A_754] {strides = array<i32>} : memref<8x1024xi32, #tpu.memory_space<vmem>>, vector<1x16xi32>,
        %swap3A_756 = vector.shape_cast %swap3A_755 : vector<1x16xi32> to vector<16xi32>
        %swap3A_757 = vector.shape_cast %or3A_751 : vector<16xi32> to vector<1x16xi32>
        tpu.vector_store %arg16[%swap3A_753, %swap3A_754], %swap3A_757 {strides = array<i32>} : memref<8x1024xi32, #tpu.memory_space<vmem>>, vector<1x16xi32>,
        %mul3A_758 = arith.constant 8 : i32
        %mul3A_759 = arith.muli %add3A_528, %mul3A_758 : i32
        %add3A_760 = arith.constant 7 : i32
        %add3A_761 = arith.addi %mul3A_759, %add3A_760 : i32
        %mul3A_762 = arith.constant 16 : i32
        %mul3A_763 = arith.muli %add3A_761, %mul3A_762 : i32
        %get3A_764 = arith.constant 0 : i32
        %get3A_765 = arith.index_cast %get3A_764 : i32 to index
        %get3A_766 = arith.index_cast %mul3A_763 : i32 to index
        %get3A_767 = tpu.vector_load %arg14[%get3A_765, %get3A_766] {strides = array<i32>} : memref<16x1024xi32, #tpu.memory_space<vmem>>, vector<1x16xi32>,
        %get3A_768 = vector.shape_cast %get3A_767 : vector<1x16xi32> to vector<16xi32>
        %get3A_769 = arith.constant 1 : i32
        %get3A_770 = arith.index_cast %get3A_769 : i32 to index
        %get3A_771 = arith.index_cast %mul3A_763 : i32 to index
        %get3A_772 = tpu.vector_load %arg14[%get3A_770, %get3A_771] {strides = array<i32>} : memref<16x1024xi32, #tpu.memory_space<vmem>>, vector<1x16xi32>,
        %get3A_773 = vector.shape_cast %get3A_772 : vector<1x16xi32> to vector<16xi32>
        %shift_right_arithmetic3A_774 = vector.broadcast %mul3A_367 : i32 to vector<16xi32>
        %shift_right_arithmetic3A_775 = arith.shrsi %get3A_768, %shift_right_arithmetic3A_774 : vector<16xi32>
        %and3A_776 = arith.constant 65535 : i32
        %and3A_777 = vector.broadcast %and3A_776 : i32 to vector<16xi32>
        %and3A_778 = arith.andi %shift_right_arithmetic3A_775, %and3A_777 : vector<16xi32>
        %shift_right_arithmetic3A_779 = vector.broadcast %mul3A_373 : i32 to vector<16xi32>
        %shift_right_arithmetic3A_780 = arith.shrsi %get3A_773, %shift_right_arithmetic3A_779 : vector<16xi32>
        %shift_left3A_781 = arith.constant 16 : i32
        %shift_left3A_782 = vector.broadcast %shift_left3A_781 : i32 to vector<16xi32>
        %shift_left3A_783 = arith.shli %shift_right_arithmetic3A_780, %shift_left3A_782 : vector<16xi32>
        %or3A_784 = arith.ori %and3A_778, %shift_left3A_783 : vector<16xi32>
        %swap3A_785 = arith.constant 0 : i32
        %swap3A_786 = arith.index_cast %swap3A_785 : i32 to index
        %swap3A_787 = arith.index_cast %mul3A_763 : i32 to index
        %swap3A_788 = tpu.vector_load %arg16[%swap3A_786, %swap3A_787] {strides = array<i32>} : memref<8x1024xi32, #tpu.memory_space<vmem>>, vector<1x16xi32>,
        %swap3A_789 = vector.shape_cast %swap3A_788 : vector<1x16xi32> to vector<16xi32>
        %swap3A_790 = vector.shape_cast %or3A_784 : vector<16xi32> to vector<1x16xi32>
        tpu.vector_store %arg16[%swap3A_786, %swap3A_787], %swap3A_790 {strides = array<i32>} : memref<8x1024xi32, #tpu.memory_space<vmem>>, vector<1x16xi32>,
      }
      %scan3A_378 = arith.constant 8 : i32
      %slice3A_379 = vector.extract_strided_slice %get3A_363 {offsets = [2], sizes = [1], strides = [1]} : vector<16xi32> to vector<1xi32>
      %squeeze3A_380 = vector.extract %slice3A_379[0] : i32 from vector<1xi32>
      %and3A_381 = arith.constant 1 : i32
      %and3A_382 = arith.andi %squeeze3A_380, %and3A_381 : i32
      %mul3A_383 = arith.constant 16 : i32
      %mul3A_384 = arith.muli %and3A_382, %mul3A_383 : i32
      %slice3A_385 = vector.extract_strided_slice %get3A_363 {offsets = [3], sizes = [1], strides = [1]} : vector<16xi32> to vector<1xi32>
      %squeeze3A_386 = vector.extract %slice3A_385[0] : i32 from vector<1xi32>
      %and3A_387 = arith.constant 1 : i32
      %and3A_388 = arith.andi %squeeze3A_386, %and3A_387 : i32
      %mul3A_389 = arith.constant 16 : i32
      %mul3A_390 = arith.muli %and3A_388, %mul3A_389 : i32
      %scan3A_391 = arith.constant 0 : i32
      %scan3A_392 = arith.constant 8 : i32
      %scan3A_393 = arith.addi %scan3A_391, %scan3A_392 : i32
      %scan3A_394 = arith.constant 1 : i32
      scf.for %scan3A_524 = %scan3A_391 to %scan3A_393 step %scan3A_394  : i32 {
        %mul3A_525 = arith.constant 1 : i32
        %mul3A_526 = arith.muli %scan3A_524, %mul3A_525 : i32
        %add3A_527 = arith.constant 0 : i32
        %add3A_528 = arith.addi %add3A_527, %mul3A_526 : i32
        %mul3A_529 = arith.constant 8 : i32
        %mul3A_530 = arith.muli %add3A_528, %mul3A_529 : i32
        %add3A_531 = arith.constant 0 : i32
        %add3A_532 = arith.addi %mul3A_530, %add3A_531 : i32
        %mul3A_533 = arith.constant 16 : i32
        %mul3A_534 = arith.muli %add3A_532, %mul3A_533 : i32
        %get3A_535 = arith.constant 2 : i32
        %get3A_536 = arith.index_cast %get3A_535 : i32 to index
        %get3A_537 = arith.index_cast %mul3A_534 : i32 to index
        %get3A_538 = tpu.vector_load %arg14[%get3A_536, %get3A_537] {strides = array<i32>} : memref<16x1024xi32, #tpu.memory_space<vmem>>, vector<1x16xi32>,
        %get3A_539 = vector.shape_cast %get3A_538 : vector<1x16xi32> to vector<16xi32>
        %get3A_540 = arith.constant 3 : i32
        %get3A_541 = arith.index_cast %get3A_540 : i32 to index
        %get3A_542 = arith.index_cast %mul3A_534 : i32 to index
        %get3A_543 = tpu.vector_load %arg14[%get3A_541, %get3A_542] {strides = array<i32>} : memref<16x1024xi32, #tpu.memory_space<vmem>>, vector<1x16xi32>,
        %get3A_544 = vector.shape_cast %get3A_543 : vector<1x16xi32> to vector<16xi32>
        %shift_right_arithmetic3A_545 = vector.broadcast %mul3A_384 : i32 to vector<16xi32>
        %shift_right_arithmetic3A_546 = arith.shrsi %get3A_539, %shift_right_arithmetic3A_545 : vector<16xi32>
        %and3A_547 = arith.constant 65535 : i32
        %and3A_548 = vector.broadcast %and3A_547 : i32 to vector<16xi32>
        %and3A_549 = arith.andi %shift_right_arithmetic3A_546, %and3A_548 : vector<16xi32>
        %shift_right_arithmetic3A_550 = vector.broadcast %mul3A_390 : i32 to vector<16xi32>
        %shift_right_arithmetic3A_551 = arith.shrsi %get3A_544, %shift_right_arithmetic3A_550 : vector<16xi32>
        %shift_left3A = arith.constant 16 : i32
        %shift_left3A_552 = vector.broadcast %shift_left3A : i32 to vector<16xi32>
        %shift_left3A_553 = arith.shli %shift_right_arithmetic3A_551, %shift_left3A_552 : vector<16xi32>
        %or3A = arith.ori %and3A_549, %shift_left3A_553 : vector<16xi32>
        %swap3A_554 = arith.constant 1 : i32
        %swap3A_555 = arith.index_cast %swap3A_554 : i32 to index
        %swap3A_556 = arith.index_cast %mul3A_534 : i32 to index
        %swap3A_557 = tpu.vector_load %arg16[%swap3A_555, %swap3A_556] {strides = array<i32>} : memref<8x1024xi32, #tpu.memory_space<vmem>>, vector<1x16xi32>,
        %swap3A_558 = vector.shape_cast %swap3A_557 : vector<1x16xi32> to vector<16xi32>
        %swap3A_559 = vector.shape_cast %or3A : vector<16xi32> to vector<1x16xi32>
        tpu.vector_store %arg16[%swap3A_555, %swap3A_556], %swap3A_559 {strides = array<i32>} : memref<8x1024xi32, #tpu.memory_space<vmem>>, vector<1x16xi32>,
        %mul3A_560 = arith.constant 8 : i32
        %mul3A_561 = arith.muli %add3A_528, %mul3A_560 : i32
        %add3A_562 = arith.constant 1 : i32
        %add3A_563 = arith.addi %mul3A_561, %add3A_562 : i32
        %mul3A_564 = arith.constant 16 : i32
        %mul3A_565 = arith.muli %add3A_563, %mul3A_564 : i32
        %get3A_566 = arith.constant 2 : i32
        %get3A_567 = arith.index_cast %get3A_566 : i32 to index
        %get3A_568 = arith.index_cast %mul3A_565 : i32 to index
        %get3A_569 = tpu.vector_load %arg14[%get3A_567, %get3A_568] {strides = array<i32>} : memref<16x1024xi32, #tpu.memory_space<vmem>>, vector<1x16xi32>,
        %get3A_570 = vector.shape_cast %get3A_569 : vector<1x16xi32> to vector<16xi32>
        %get3A_571 = arith.constant 3 : i32
        %get3A_572 = arith.index_cast %get3A_571 : i32 to index
        %get3A_573 = arith.index_cast %mul3A_565 : i32 to index
        %get3A_574 = tpu.vector_load %arg14[%get3A_572, %get3A_573] {strides = array<i32>} : memref<16x1024xi32, #tpu.memory_space<vmem>>, vector<1x16xi32>,
        %get3A_575 = vector.shape_cast %get3A_574 : vector<1x16xi32> to vector<16xi32>
        %shift_right_arithmetic3A_576 = vector.broadcast %mul3A_384 : i32 to vector<16xi32>
        %shift_right_arithmetic3A_577 = arith.shrsi %get3A_570, %shift_right_arithmetic3A_576 : vector<16xi32>
        %and3A_578 = arith.constant 65535 : i32
        %and3A_579 = vector.broadcast %and3A_578 : i32 to vector<16xi32>
        %and3A_580 = arith.andi %shift_right_arithmetic3A_577, %and3A_579 : vector<16xi32>
        %shift_right_arithmetic3A_581 = vector.broadcast %mul3A_390 : i32 to vector<16xi32>
        %shift_right_arithmetic3A_582 = arith.shrsi %get3A_575, %shift_right_arithmetic3A_581 : vector<16xi32>
        %shift_left3A_583 = arith.constant 16 : i32
        %shift_left3A_584 = vector.broadcast %shift_left3A_583 : i32 to vector<16xi32>
        %shift_left3A_585 = arith.shli %shift_right_arithmetic3A_582, %shift_left3A_584 : vector<16xi32>
        %or3A_586 = arith.ori %and3A_580, %shift_left3A_585 : vector<16xi32>
        %swap3A_587 = arith.constant 1 : i32
        %swap3A_588 = arith.index_cast %swap3A_587 : i32 to index
        %swap3A_589 = arith.index_cast %mul3A_565 : i32 to index
        %swap3A_590 = tpu.vector_load %arg16[%swap3A_588, %swap3A_589] {strides = array<i32>} : memref<8x1024xi32, #tpu.memory_space<vmem>>, vector<1x16xi32>,
        %swap3A_591 = vector.shape_cast %swap3A_590 : vector<1x16xi32> to vector<16xi32>
        %swap3A_592 = vector.shape_cast %or3A_586 : vector<16xi32> to vector<1x16xi32>
        tpu.vector_store %arg16[%swap3A_588, %swap3A_589], %swap3A_592 {strides = array<i32>} : memref<8x1024xi32, #tpu.memory_space<vmem>>, vector<1x16xi32>,
        %mul3A_593 = arith.constant 8 : i32
        %mul3A_594 = arith.muli %add3A_528, %mul3A_593 : i32
        %add3A_595 = arith.constant 2 : i32
        %add3A_596 = arith.addi %mul3A_594, %add3A_595 : i32
        %mul3A_597 = arith.constant 16 : i32
        %mul3A_598 = arith.muli %add3A_596, %mul3A_597 : i32
        %get3A_599 = arith.constant 2 : i32
        %get3A_600 = arith.index_cast %get3A_599 : i32 to index
        %get3A_601 = arith.index_cast %mul3A_598 : i32 to index
        %get3A_602 = tpu.vector_load %arg14[%get3A_600, %get3A_601] {strides = array<i32>} : memref<16x1024xi32, #tpu.memory_space<vmem>>, vector<1x16xi32>,
        %get3A_603 = vector.shape_cast %get3A_602 : vector<1x16xi32> to vector<16xi32>
        %get3A_604 = arith.constant 3 : i32
        %get3A_605 = arith.index_cast %get3A_604 : i32 to index
        %get3A_606 = arith.index_cast %mul3A_598 : i32 to index
        %get3A_607 = tpu.vector_load %arg14[%get3A_605, %get3A_606] {strides = array<i32>} : memref<16x1024xi32, #tpu.memory_space<vmem>>, vector<1x16xi32>,
        %get3A_608 = vector.shape_cast %get3A_607 : vector<1x16xi32> to vector<16xi32>
        %shift_right_arithmetic3A_609 = vector.broadcast %mul3A_384 : i32 to vector<16xi32>
        %shift_right_arithmetic3A_610 = arith.shrsi %get3A_603, %shift_right_arithmetic3A_609 : vector<16xi32>
        %and3A_611 = arith.constant 65535 : i32
        %and3A_612 = vector.broadcast %and3A_611 : i32 to vector<16xi32>
        %and3A_613 = arith.andi %shift_right_arithmetic3A_610, %and3A_612 : vector<16xi32>
        %shift_right_arithmetic3A_614 = vector.broadcast %mul3A_390 : i32 to vector<16xi32>
        %shift_right_arithmetic3A_615 = arith.shrsi %get3A_608, %shift_right_arithmetic3A_614 : vector<16xi32>
        %shift_left3A_616 = arith.constant 16 : i32
        %shift_left3A_617 = vector.broadcast %shift_left3A_616 : i32 to vector<16xi32>
        %shift_left3A_618 = arith.shli %shift_right_arithmetic3A_615, %shift_left3A_617 : vector<16xi32>
        %or3A_619 = arith.ori %and3A_613, %shift_left3A_618 : vector<16xi32>
        %swap3A_620 = arith.constant 1 : i32
        %swap3A_621 = arith.index_cast %swap3A_620 : i32 to index
        %swap3A_622 = arith.index_cast %mul3A_598 : i32 to index
        %swap3A_623 = tpu.vector_load %arg16[%swap3A_621, %swap3A_622] {strides = array<i32>} : memref<8x1024xi32, #tpu.memory_space<vmem>>, vector<1x16xi32>,
        %swap3A_624 = vector.shape_cast %swap3A_623 : vector<1x16xi32> to vector<16xi32>
        %swap3A_625 = vector.shape_cast %or3A_619 : vector<16xi32> to vector<1x16xi32>
        tpu.vector_store %arg16[%swap3A_621, %swap3A_622], %swap3A_625 {strides = array<i32>} : memref<8x1024xi32, #tpu.memory_space<vmem>>, vector<1x16xi32>,
        %mul3A_626 = arith.constant 8 : i32
        %mul3A_627 = arith.muli %add3A_528, %mul3A_626 : i32
        %add3A_628 = arith.constant 3 : i32
        %add3A_629 = arith.addi %mul3A_627, %add3A_628 : i32
        %mul3A_630 = arith.constant 16 : i32
        %mul3A_631 = arith.muli %add3A_629, %mul3A_630 : i32
        %get3A_632 = arith.constant 2 : i32
        %get3A_633 = arith.index_cast %get3A_632 : i32 to index
        %get3A_634 = arith.index_cast %mul3A_631 : i32 to index
        %get3A_635 = tpu.vector_load %arg14[%get3A_633, %get3A_634] {strides = array<i32>} : memref<16x1024xi32, #tpu.memory_space<vmem>>, vector<1x16xi32>,
        %get3A_636 = vector.shape_cast %get3A_635 : vector<1x16xi32> to vector<16xi32>
        %get3A_637 = arith.constant 3 : i32
        %get3A_638 = arith.index_cast %get3A_637 : i32 to index
        %get3A_639 = arith.index_cast %mul3A_631 : i32 to index
        %get3A_640 = tpu.vector_load %arg14[%get3A_638, %get3A_639] {strides = array<i32>} : memref<16x1024xi32, #tpu.memory_space<vmem>>, vector<1x16xi32>,
        %get3A_641 = vector.shape_cast %get3A_640 : vector<1x16xi32> to vector<16xi32>
        %shift_right_arithmetic3A_642 = vector.broadcast %mul3A_384 : i32 to vector<16xi32>
        %shift_right_arithmetic3A_643 = arith.shrsi %get3A_636, %shift_right_arithmetic3A_642 : vector<16xi32>
        %and3A_644 = arith.constant 65535 : i32
        %and3A_645 = vector.broadcast %and3A_644 : i32 to vector<16xi32>
        %and3A_646 = arith.andi %shift_right_arithmetic3A_643, %and3A_645 : vector<16xi32>
        %shift_right_arithmetic3A_647 = vector.broadcast %mul3A_390 : i32 to vector<16xi32>
        %shift_right_arithmetic3A_648 = arith.shrsi %get3A_641, %shift_right_arithmetic3A_647 : vector<16xi32>
        %shift_left3A_649 = arith.constant 16 : i32
        %shift_left3A_650 = vector.broadcast %shift_left3A_649 : i32 to vector<16xi32>
        %shift_left3A_651 = arith.shli %shift_right_arithmetic3A_648, %shift_left3A_650 : vector<16xi32>
        %or3A_652 = arith.ori %and3A_646, %shift_left3A_651 : vector<16xi32>
        %swap3A_653 = arith.constant 1 : i32
        %swap3A_654 = arith.index_cast %swap3A_653 : i32 to index
        %swap3A_655 = arith.index_cast %mul3A_631 : i32 to index
        %swap3A_656 = tpu.vector_load %arg16[%swap3A_654, %swap3A_655] {strides = array<i32>} : memref<8x1024xi32, #tpu.memory_space<vmem>>, vector<1x16xi32>,
        %swap3A_657 = vector.shape_cast %swap3A_656 : vector<1x16xi32> to vector<16xi32>
        %swap3A_658 = vector.shape_cast %or3A_652 : vector<16xi32> to vector<1x16xi32>
        tpu.vector_store %arg16[%swap3A_654, %swap3A_655], %swap3A_658 {strides = array<i32>} : memref<8x1024xi32, #tpu.memory_space<vmem>>, vector<1x16xi32>,
        %mul3A_659 = arith.constant 8 : i32
        %mul3A_660 = arith.muli %add3A_528, %mul3A_659 : i32
        %add3A_661 = arith.constant 4 : i32
        %add3A_662 = arith.addi %mul3A_660, %add3A_661 : i32
        %mul3A_663 = arith.constant 16 : i32
        %mul3A_664 = arith.muli %add3A_662, %mul3A_663 : i32
        %get3A_665 = arith.constant 2 : i32
        %get3A_666 = arith.index_cast %get3A_665 : i32 to index
        %get3A_667 = arith.index_cast %mul3A_664 : i32 to index
        %get3A_668 = tpu.vector_load %arg14[%get3A_666, %get3A_667] {strides = array<i32>} : memref<16x1024xi32, #tpu.memory_space<vmem>>, vector<1x16xi32>,
        %get3A_669 = vector.shape_cast %get3A_668 : vector<1x16xi32> to vector<16xi32>
        %get3A_670 = arith.constant 3 : i32
        %get3A_671 = arith.index_cast %get3A_670 : i32 to index
        %get3A_672 = arith.index_cast %mul3A_664 : i32 to index
        %get3A_673 = tpu.vector_load %arg14[%get3A_671, %get3A_672] {strides = array<i32>} : memref<16x1024xi32, #tpu.memory_space<vmem>>, vector<1x16xi32>,
        %get3A_674 = vector.shape_cast %get3A_673 : vector<1x16xi32> to vector<16xi32>
        %shift_right_arithmetic3A_675 = vector.broadcast %mul3A_384 : i32 to vector<16xi32>
        %shift_right_arithmetic3A_676 = arith.shrsi %get3A_669, %shift_right_arithmetic3A_675 : vector<16xi32>
        %and3A_677 = arith.constant 65535 : i32
        %and3A_678 = vector.broadcast %and3A_677 : i32 to vector<16xi32>
        %and3A_679 = arith.andi %shift_right_arithmetic3A_676, %and3A_678 : vector<16xi32>
        %shift_right_arithmetic3A_680 = vector.broadcast %mul3A_390 : i32 to vector<16xi32>
        %shift_right_arithmetic3A_681 = arith.shrsi %get3A_674, %shift_right_arithmetic3A_680 : vector<16xi32>
        %shift_left3A_682 = arith.constant 16 : i32
        %shift_left3A_683 = vector.broadcast %shift_left3A_682 : i32 to vector<16xi32>
        %shift_left3A_684 = arith.shli %shift_right_arithmetic3A_681, %shift_left3A_683 : vector<16xi32>
        %or3A_685 = arith.ori %and3A_679, %shift_left3A_684 : vector<16xi32>
        %swap3A_686 = arith.constant 1 : i32
        %swap3A_687 = arith.index_cast %swap3A_686 : i32 to index
        %swap3A_688 = arith.index_cast %mul3A_664 : i32 to index
        %swap3A_689 = tpu.vector_load %arg16[%swap3A_687, %swap3A_688] {strides = array<i32>} : memref<8x1024xi32, #tpu.memory_space<vmem>>, vector<1x16xi32>,
        %swap3A_690 = vector.shape_cast %swap3A_689 : vector<1x16xi32> to vector<16xi32>
        %swap3A_691 = vector.shape_cast %or3A_685 : vector<16xi32> to vector<1x16xi32>
        tpu.vector_store %arg16[%swap3A_687, %swap3A_688], %swap3A_691 {strides = array<i32>} : memref<8x1024xi32, #tpu.memory_space<vmem>>, vector<1x16xi32>,
        %mul3A_692 = arith.constant 8 : i32
        %mul3A_693 = arith.muli %add3A_528, %mul3A_692 : i32
        %add3A_694 = arith.constant 5 : i32
        %add3A_695 = arith.addi %mul3A_693, %add3A_694 : i32
        %mul3A_696 = arith.constant 16 : i32
        %mul3A_697 = arith.muli %add3A_695, %mul3A_696 : i32
        %get3A_698 = arith.constant 2 : i32
        %get3A_699 = arith.index_cast %get3A_698 : i32 to index
        %get3A_700 = arith.index_cast %mul3A_697 : i32 to index
        %get3A_701 = tpu.vector_load %arg14[%get3A_699, %get3A_700] {strides = array<i32>} : memref<16x1024xi32, #tpu.memory_space<vmem>>, vector<1x16xi32>,
        %get3A_702 = vector.shape_cast %get3A_701 : vector<1x16xi32> to vector<16xi32>
        %get3A_703 = arith.constant 3 : i32
        %get3A_704 = arith.index_cast %get3A_703 : i32 to index
        %get3A_705 = arith.index_cast %mul3A_697 : i32 to index
        %get3A_706 = tpu.vector_load %arg14[%get3A_704, %get3A_705] {strides = array<i32>} : memref<16x1024xi32, #tpu.memory_space<vmem>>, vector<1x16xi32>,
        %get3A_707 = vector.shape_cast %get3A_706 : vector<1x16xi32> to vector<16xi32>
        %shift_right_arithmetic3A_708 = vector.broadcast %mul3A_384 : i32 to vector<16xi32>
        %shift_right_arithmetic3A_709 = arith.shrsi %get3A_702, %shift_right_arithmetic3A_708 : vector<16xi32>
        %and3A_710 = arith.constant 65535 : i32
        %and3A_711 = vector.broadcast %and3A_710 : i32 to vector<16xi32>
        %and3A_712 = arith.andi %shift_right_arithmetic3A_709, %and3A_711 : vector<16xi32>
        %shift_right_arithmetic3A_713 = vector.broadcast %mul3A_390 : i32 to vector<16xi32>
        %shift_right_arithmetic3A_714 = arith.shrsi %get3A_707, %shift_right_arithmetic3A_713 : vector<16xi32>
        %shift_left3A_715 = arith.constant 16 : i32
        %shift_left3A_716 = vector.broadcast %shift_left3A_715 : i32 to vector<16xi32>
        %shift_left3A_717 = arith.shli %shift_right_arithmetic3A_714, %shift_left3A_716 : vector<16xi32>
        %or3A_718 = arith.ori %and3A_712, %shift_left3A_717 : vector<16xi32>
        %swap3A_719 = arith.constant 1 : i32
        %swap3A_720 = arith.index_cast %swap3A_719 : i32 to index
        %swap3A_721 = arith.index_cast %mul3A_697 : i32 to index
        %swap3A_722 = tpu.vector_load %arg16[%swap3A_720, %swap3A_721] {strides = array<i32>} : memref<8x1024xi32, #tpu.memory_space<vmem>>, vector<1x16xi32>,
        %swap3A_723 = vector.shape_cast %swap3A_722 : vector<1x16xi32> to vector<16xi32>
        %swap3A_724 = vector.shape_cast %or3A_718 : vector<16xi32> to vector<1x16xi32>
        tpu.vector_store %arg16[%swap3A_720, %swap3A_721], %swap3A_724 {strides = array<i32>} : memref<8x1024xi32, #tpu.memory_space<vmem>>, vector<1x16xi32>,
        %mul3A_725 = arith.constant 8 : i32
        %mul3A_726 = arith.muli %add3A_528, %mul3A_725 : i32
        %add3A_727 = arith.constant 6 : i32
        %add3A_728 = arith.addi %mul3A_726, %add3A_727 : i32
        %mul3A_729 = arith.constant 16 : i32
        %mul3A_730 = arith.muli %add3A_728, %mul3A_729 : i32
        %get3A_731 = arith.constant 2 : i32
        %get3A_732 = arith.index_cast %get3A_731 : i32 to index
        %get3A_733 = arith.index_cast %mul3A_730 : i32 to index
        %get3A_734 = tpu.vector_load %arg14[%get3A_732, %get3A_733] {strides = array<i32>} : memref<16x1024xi32, #tpu.memory_space<vmem>>, vector<1x16xi32>,
        %get3A_735 = vector.shape_cast %get3A_734 : vector<1x16xi32> to vector<16xi32>
        %get3A_736 = arith.constant 3 : i32
        %get3A_737 = arith.index_cast %get3A_736 : i32 to index
        %get3A_738 = arith.index_cast %mul3A_730 : i32 to index
        %get3A_739 = tpu.vector_load %arg14[%get3A_737, %get3A_738] {strides = array<i32>} : memref<16x1024xi32, #tpu.memory_space<vmem>>, vector<1x16xi32>,
        %get3A_740 = vector.shape_cast %get3A_739 : vector<1x16xi32> to vector<16xi32>
        %shift_right_arithmetic3A_741 = vector.broadcast %mul3A_384 : i32 to vector<16xi32>
        %shift_right_arithmetic3A_742 = arith.shrsi %get3A_735, %shift_right_arithmetic3A_741 : vector<16xi32>
        %and3A_743 = arith.constant 65535 : i32
        %and3A_744 = vector.broadcast %and3A_743 : i32 to vector<16xi32>
        %and3A_745 = arith.andi %shift_right_arithmetic3A_742, %and3A_744 : vector<16xi32>
        %shift_right_arithmetic3A_746 = vector.broadcast %mul3A_390 : i32 to vector<16xi32>
        %shift_right_arithmetic3A_747 = arith.shrsi %get3A_740, %shift_right_arithmetic3A_746 : vector<16xi32>
        %shift_left3A_748 = arith.constant 16 : i32
        %shift_left3A_749 = vector.broadcast %shift_left3A_748 : i32 to vector<16xi32>
        %shift_left3A_750 = arith.shli %shift_right_arithmetic3A_747, %shift_left3A_749 : vector<16xi32>
        %or3A_751 = arith.ori %and3A_745, %shift_left3A_750 : vector<16xi32>
        %swap3A_752 = arith.constant 1 : i32
        %swap3A_753 = arith.index_cast %swap3A_752 : i32 to index
        %swap3A_754 = arith.index_cast %mul3A_730 : i32 to index
        %swap3A_755 = tpu.vector_load %arg16[%swap3A_753, %swap3A_754] {strides = array<i32>} : memref<8x1024xi32, #tpu.memory_space<vmem>>, vector<1x16xi32>,
        %swap3A_756 = vector.shape_cast %swap3A_755 : vector<1x16xi32> to vector<16xi32>
        %swap3A_757 = vector.shape_cast %or3A_751 : vector<16xi32> to vector<1x16xi32>
        tpu.vector_store %arg16[%swap3A_753, %swap3A_754], %swap3A_757 {strides = array<i32>} : memref<8x1024xi32, #tpu.memory_space<vmem>>, vector<1x16xi32>,
        %mul3A_758 = arith.constant 8 : i32
        %mul3A_759 = arith.muli %add3A_528, %mul3A_758 : i32
        %add3A_760 = arith.constant 7 : i32
        %add3A_761 = arith.addi %mul3A_759, %add3A_760 : i32
        %mul3A_762 = arith.constant 16 : i32
        %mul3A_763 = arith.muli %add3A_761, %mul3A_762 : i32
        %get3A_764 = arith.constant 2 : i32
        %get3A_765 = arith.index_cast %get3A_764 : i32 to index
        %get3A_766 = arith.index_cast %mul3A_763 : i32 to index
        %get3A_767 = tpu.vector_load %arg14[%get3A_765, %get3A_766] {strides = array<i32>} : memref<16x1024xi32, #tpu.memory_space<vmem>>, vector<1x16xi32>,
        %get3A_768 = vector.shape_cast %get3A_767 : vector<1x16xi32> to vector<16xi32>
        %get3A_769 = arith.constant 3 : i32
        %get3A_770 = arith.index_cast %get3A_769 : i32 to index
        %get3A_771 = arith.index_cast %mul3A_763 : i32 to index
        %get3A_772 = tpu.vector_load %arg14[%get3A_770, %get3A_771] {strides = array<i32>} : memref<16x1024xi32, #tpu.memory_space<vmem>>, vector<1x16xi32>,
        %get3A_773 = vector.shape_cast %get3A_772 : vector<1x16xi32> to vector<16xi32>
        %shift_right_arithmetic3A_774 = vector.broadcast %mul3A_384 : i32 to vector<16xi32>
        %shift_right_arithmetic3A_775 = arith.shrsi %get3A_768, %shift_right_arithmetic3A_774 : vector<16xi32>
        %and3A_776 = arith.constant 65535 : i32
        %and3A_777 = vector.broadcast %and3A_776 : i32 to vector<16xi32>
        %and3A_778 = arith.andi %shift_right_arithmetic3A_775, %and3A_777 : vector<16xi32>
        %shift_right_arithmetic3A_779 = vector.broadcast %mul3A_390 : i32 to vector<16xi32>
        %shift_right_arithmetic3A_780 = arith.shrsi %get3A_773, %shift_right_arithmetic3A_779 : vector<16xi32>
        %shift_left3A_781 = arith.constant 16 : i32
        %shift_left3A_782 = vector.broadcast %shift_left3A_781 : i32 to vector<16xi32>
        %shift_left3A_783 = arith.shli %shift_right_arithmetic3A_780, %shift_left3A_782 : vector<16xi32>
        %or3A_784 = arith.ori %and3A_778, %shift_left3A_783 : vector<16xi32>
        %swap3A_785 = arith.constant 1 : i32
        %swap3A_786 = arith.index_cast %swap3A_785 : i32 to index
        %swap3A_787 = arith.index_cast %mul3A_763 : i32 to index
        %swap3A_788 = tpu.vector_load %arg16[%swap3A_786, %swap3A_787] {strides = array<i32>} : memref<8x1024xi32, #tpu.memory_space<vmem>>, vector<1x16xi32>,
        %swap3A_789 = vector.shape_cast %swap3A_788 : vector<1x16xi32> to vector<16xi32>
        %swap3A_790 = vector.shape_cast %or3A_784 : vector<16xi32> to vector<1x16xi32>
        tpu.vector_store %arg16[%swap3A_786, %swap3A_787], %swap3A_790 {strides = array<i32>} : memref<8x1024xi32, #tpu.memory_space<vmem>>, vector<1x16xi32>,
      }
      %scan3A_395 = arith.constant 8 : i32
      %add3A_396 = arith.constant 2 : i32
      %add3A_397 = arith.addi %mul3A_319, %add3A_396 : i32
      %lt3A_398 = arith.constant 48 : i32
      %lt3A_399 = arith.cmpi slt, %add3A_397, %lt3A_398 : i32
      %convert_element_type3A_400 = arith.extui %lt3A_399 : i1 to i32
      %cond3A_401 = arith.constant 0 : i32
      %cond3A_402 = arith.cmpi ne, %convert_element_type3A_400, %cond3A_401 : i32
      scf.if %cond3A_402 {
        %add3A_524 = arith.constant 2 : i32
        %add3A_525 = arith.addi %mul3A_319, %add3A_524 : i32
        %jit3A_526 = arith.constant 16 : i32
        %div3A_527 = arith.divsi %add3A_525, %jit3A_526 : i32
        %sign3A_528 = arith.constant 0 : i32
        %sign3A_529 = arith.cmpi sgt, %add3A_525, %sign3A_528 : i32
        %sign3A_530 = arith.extui %sign3A_529 : i1 to i32
        %sign3A_531 = arith.constant 0 : i32
        %sign3A_532 = arith.cmpi slt, %add3A_525, %sign3A_531 : i32
        %sign3A_533 = arith.extui %sign3A_532 : i1 to i32
        %sign3A_534 = arith.subi %sign3A_530, %sign3A_533 : i32
        %sign3A_535 = arith.constant 0 : i32
        %sign3A_536 = arith.cmpi sgt, %jit3A_526, %sign3A_535 : i32
        %sign3A_537 = arith.extui %sign3A_536 : i1 to i32
        %sign3A_538 = arith.constant 0 : i32
        %sign3A_539 = arith.cmpi slt, %jit3A_526, %sign3A_538 : i32
        %sign3A_540 = arith.extui %sign3A_539 : i1 to i32
        %sign3A_541 = arith.subi %sign3A_537, %sign3A_540 : i32
        %ne3A_542 = arith.cmpi ne, %sign3A_534, %sign3A_541 : i32
        %rem3A_543 = arith.remsi %add3A_525, %jit3A_526 : i32
        %ne3A_544 = arith.constant 0 : i32
        %ne3A_545 = arith.cmpi ne, %rem3A_543, %ne3A_544 : i32
        %and3A_546 = arith.andi %ne3A_542, %ne3A_545 : i1
        %sub3A_547 = arith.constant 1 : i32
        %sub3A_548 = arith.subi %div3A_527, %sub3A_547 : i32
        %select_n3A_549 = arith.select %and3A_546, %sub3A_548, %div3A_527 : i32
        %mul3A_550 = arith.constant 16 : i32
        %mul3A_551 = arith.muli %select_n3A_549, %mul3A_550 : i32
        %sub3A_552 = arith.subi %add3A_525, %mul3A_551 : i32
        %eq3A_553 = arith.constant 0 : i32
        %eq3A_554 = arith.cmpi eq, %select_n3A_549, %eq3A_553 : i32
        %convert_element_type3A_555 = arith.extui %eq3A_554 : i1 to i32
        %cond3A_556 = arith.constant 0 : i32
        %cond3A_557 = arith.cmpi ne, %convert_element_type3A_555, %cond3A_556 : i32
        scf.if %cond3A_557 {
          %mul3A_568 = arith.constant 16 : i32
          %mul3A_569 = arith.muli %sub3A_552, %mul3A_568 : i32
          %multiple_of3A_570 = tpu.assume_multiple %mul3A_569, 16 : i32
          %dma_start3A = tpu.memref_slice %arg13[%multiple_of3A_570] : memref<256xi32, #tpu.memory_space<vmem>> -> memref<16xi32, #tpu.memory_space<vmem>>
          %dma_start3A_571 = tpu.memref_bitcast %arg3 : memref<100000x1024xbf16, #tpu.memory_space<hbm>> -> memref<50000x1024xi32, #tpu.memory_space<hbm>>
          %dma_start3A_572 = arith.constant 0 : i32
          %dma_start3A_573 = arith.constant 0 : i32
          %dma_start3A_574 = tpu.memref_slice %dma_start3A_571[%dma_start3A_572, %dma_start3A_573] : memref<50000x1024xi32, #tpu.memory_space<hbm>> -> memref<50000x1024xi32, #tpu.memory_space<hbm>>
          tpu.enqueue_indirect_dma source(%dma_start3A_574 : memref<50000x1024xi32, #tpu.memory_space<hbm>>) target(%arg14 : memref<16x1024xi32, #tpu.memory_space<vmem>>) offsets(%dma_start3A : memref<16xi32, #tpu.memory_space<vmem>>) semaphore(%arg18 : memref<!tpu.dma_semaphore, #tpu.memory_space<semaphore_mem>>)
        } else {
        }
        %eq3A_558 = arith.constant 1 : i32
        %eq3A_559 = arith.cmpi eq, %select_n3A_549, %eq3A_558 : i32
        %convert_element_type3A_560 = arith.extui %eq3A_559 : i1 to i32
        %cond3A_561 = arith.constant 0 : i32
        %cond3A_562 = arith.cmpi ne, %convert_element_type3A_560, %cond3A_561 : i32
        scf.if %cond3A_562 {
          %mul3A_568 = arith.constant 16 : i32
          %mul3A_569 = arith.muli %sub3A_552, %mul3A_568 : i32
          %multiple_of3A_570 = tpu.assume_multiple %mul3A_569, 16 : i32
          %dma_start3A = tpu.memref_slice %arg13[%multiple_of3A_570] : memref<256xi32, #tpu.memory_space<vmem>> -> memref<16xi32, #tpu.memory_space<vmem>>
          %dma_start3A_571 = tpu.memref_bitcast %arg4 : memref<100000x1024xbf16, #tpu.memory_space<hbm>> -> memref<50000x1024xi32, #tpu.memory_space<hbm>>
          %dma_start3A_572 = arith.constant 0 : i32
          %dma_start3A_573 = arith.constant 0 : i32
          %dma_start3A_574 = tpu.memref_slice %dma_start3A_571[%dma_start3A_572, %dma_start3A_573] : memref<50000x1024xi32, #tpu.memory_space<hbm>> -> memref<50000x1024xi32, #tpu.memory_space<hbm>>
          tpu.enqueue_indirect_dma source(%dma_start3A_574 : memref<50000x1024xi32, #tpu.memory_space<hbm>>) target(%arg14 : memref<16x1024xi32, #tpu.memory_space<vmem>>) offsets(%dma_start3A : memref<16xi32, #tpu.memory_space<vmem>>) semaphore(%arg18 : memref<!tpu.dma_semaphore, #tpu.memory_space<semaphore_mem>>)
        } else {
        }
        %eq3A_563 = arith.constant 2 : i32
        %eq3A_564 = arith.cmpi eq, %select_n3A_549, %eq3A_563 : i32
        %convert_element_type3A_565 = arith.extui %eq3A_564 : i1 to i32
        %cond3A_566 = arith.constant 0 : i32
        %cond3A_567 = arith.cmpi ne, %convert_element_type3A_565, %cond3A_566 : i32
        scf.if %cond3A_567 {
          %mul3A_568 = arith.constant 16 : i32
          %mul3A_569 = arith.muli %sub3A_552, %mul3A_568 : i32
          %multiple_of3A_570 = tpu.assume_multiple %mul3A_569, 16 : i32
          %dma_start3A = tpu.memref_slice %arg13[%multiple_of3A_570] : memref<256xi32, #tpu.memory_space<vmem>> -> memref<16xi32, #tpu.memory_space<vmem>>
          %dma_start3A_571 = tpu.memref_bitcast %arg5 : memref<100000x1024xbf16, #tpu.memory_space<hbm>> -> memref<50000x1024xi32, #tpu.memory_space<hbm>>
          %dma_start3A_572 = arith.constant 0 : i32
          %dma_start3A_573 = arith.constant 0 : i32
          %dma_start3A_574 = tpu.memref_slice %dma_start3A_571[%dma_start3A_572, %dma_start3A_573] : memref<50000x1024xi32, #tpu.memory_space<hbm>> -> memref<50000x1024xi32, #tpu.memory_space<hbm>>
          tpu.enqueue_indirect_dma source(%dma_start3A_574 : memref<50000x1024xi32, #tpu.memory_space<hbm>>) target(%arg14 : memref<16x1024xi32, #tpu.memory_space<vmem>>) offsets(%dma_start3A : memref<16xi32, #tpu.memory_space<vmem>>) semaphore(%arg18 : memref<!tpu.dma_semaphore, #tpu.memory_space<semaphore_mem>>)
        } else {
        }
      } else {
      }
      %eq3A_403 = arith.constant 0 : i32
      %eq3A_404 = arith.cmpi eq, %select_n3A_343, %eq3A_403 : i32
      %convert_element_type3A_405 = arith.extui %eq3A_404 : i1 to i32
      %cond3A_406 = arith.constant 0 : i32
      %cond3A_407 = arith.cmpi ne, %convert_element_type3A_405, %cond3A_406 : i32
      scf.if %cond3A_407 {
        %mul3A_524 = arith.constant 8 : i32
        %mul3A_525 = arith.muli %sub3A_346, %mul3A_524 : i32
        %add3A_526 = arith.addi %mul3A_191, %mul3A_525 : i32
        %multiple_of3A_527 = tpu.assume_multiple %add3A_526, 8 : i32
        %dma_start3A = tpu.memref_bitcast %arg6 : memref<8192x1024xbf16, #tpu.memory_space<hbm>> -> memref<4096x1024xi32, #tpu.memory_space<hbm>>
        %dma_start3A_528 = arith.constant 0 : i32
        %dma_start3A_529 = tpu.memref_slice %dma_start3A[%multiple_of3A_527, %dma_start3A_528] : memref<4096x1024xi32, #tpu.memory_space<hbm>> -> memref<8x1024xi32, #tpu.memory_space<hbm>>
        %dma_start3A_530 = tpu.memref_bitcast %arg6 : memref<8192x1024xbf16, #tpu.memory_space<hbm>> -> memref<4096x1024xi32, #tpu.memory_space<hbm>>
        %dma_start3A_531 = arith.constant 0 : i32
        %dma_start3A_532 = tpu.memref_slice %dma_start3A_530[%multiple_of3A_527, %dma_start3A_531] : memref<4096x1024xi32, #tpu.memory_space<hbm>> -> memref<8x1024xi32, #tpu.memory_space<hbm>>
        tpu.enqueue_dma source(%arg16 : memref<8x1024xi32, #tpu.memory_space<vmem>>) target(%dma_start3A_532 : memref<8x1024xi32, #tpu.memory_space<hbm>>) target_semaphore(%arg20 : memref<!tpu.dma_semaphore, #tpu.memory_space<semaphore_mem>>)
        %mul3A_533 = arith.constant 8 : i32
        %mul3A_534 = arith.muli %sub3A_346, %mul3A_533 : i32
        %add3A_535 = arith.addi %mul3A_191, %mul3A_534 : i32
        %multiple_of3A_536 = tpu.assume_multiple %add3A_535, 8 : i32
        %dma_start3A_537 = tpu.memref_bitcast %arg9 : memref<8192x1024xbf16, #tpu.memory_space<hbm>> -> memref<4096x1024xi32, #tpu.memory_space<hbm>>
        %dma_start3A_538 = arith.constant 0 : i32
        %dma_start3A_539 = tpu.memref_slice %dma_start3A_537[%multiple_of3A_536, %dma_start3A_538] : memref<4096x1024xi32, #tpu.memory_space<hbm>> -> memref<8x1024xi32, #tpu.memory_space<hbm>>
        %dma_start3A_540 = tpu.memref_bitcast %arg9 : memref<8192x1024xbf16, #tpu.memory_space<hbm>> -> memref<4096x1024xi32, #tpu.memory_space<hbm>>
        %dma_start3A_541 = arith.constant 0 : i32
        %dma_start3A_542 = tpu.memref_slice %dma_start3A_540[%multiple_of3A_536, %dma_start3A_541] : memref<4096x1024xi32, #tpu.memory_space<hbm>> -> memref<8x1024xi32, #tpu.memory_space<hbm>>
        tpu.enqueue_dma source(%arg16 : memref<8x1024xi32, #tpu.memory_space<vmem>>) target(%dma_start3A_542 : memref<8x1024xi32, #tpu.memory_space<hbm>>) target_semaphore(%arg20 : memref<!tpu.dma_semaphore, #tpu.memory_space<semaphore_mem>>)
      } else {
      }
      %eq3A_408 = arith.constant 1 : i32
      %eq3A_409 = arith.cmpi eq, %select_n3A_343, %eq3A_408 : i32
      %convert_element_type3A_410 = arith.extui %eq3A_409 : i1 to i32
      %cond3A_411 = arith.constant 0 : i32
      %cond3A_412 = arith.cmpi ne, %convert_element_type3A_410, %cond3A_411 : i32
      scf.if %cond3A_412 {
        %mul3A_524 = arith.constant 8 : i32
        %mul3A_525 = arith.muli %sub3A_346, %mul3A_524 : i32
        %add3A_526 = arith.addi %mul3A_191, %mul3A_525 : i32
        %multiple_of3A_527 = tpu.assume_multiple %add3A_526, 8 : i32
        %dma_start3A = tpu.memref_bitcast %arg7 : memref<8192x1024xbf16, #tpu.memory_space<hbm>> -> memref<4096x1024xi32, #tpu.memory_space<hbm>>
        %dma_start3A_528 = arith.constant 0 : i32
        %dma_start3A_529 = tpu.memref_slice %dma_start3A[%multiple_of3A_527, %dma_start3A_528] : memref<4096x1024xi32, #tpu.memory_space<hbm>> -> memref<8x1024xi32, #tpu.memory_space<hbm>>
        %dma_start3A_530 = tpu.memref_bitcast %arg7 : memref<8192x1024xbf16, #tpu.memory_space<hbm>> -> memref<4096x1024xi32, #tpu.memory_space<hbm>>
        %dma_start3A_531 = arith.constant 0 : i32
        %dma_start3A_532 = tpu.memref_slice %dma_start3A_530[%multiple_of3A_527, %dma_start3A_531] : memref<4096x1024xi32, #tpu.memory_space<hbm>> -> memref<8x1024xi32, #tpu.memory_space<hbm>>
        tpu.enqueue_dma source(%arg16 : memref<8x1024xi32, #tpu.memory_space<vmem>>) target(%dma_start3A_532 : memref<8x1024xi32, #tpu.memory_space<hbm>>) target_semaphore(%arg20 : memref<!tpu.dma_semaphore, #tpu.memory_space<semaphore_mem>>)
        %mul3A_533 = arith.constant 8 : i32
        %mul3A_534 = arith.muli %sub3A_346, %mul3A_533 : i32
        %add3A_535 = arith.addi %mul3A_191, %mul3A_534 : i32
        %multiple_of3A_536 = tpu.assume_multiple %add3A_535, 8 : i32
        %dma_start3A_537 = tpu.memref_bitcast %arg10 : memref<8192x1024xbf16, #tpu.memory_space<hbm>> -> memref<4096x1024xi32, #tpu.memory_space<hbm>>
        %dma_start3A_538 = arith.constant 0 : i32
        %dma_start3A_539 = tpu.memref_slice %dma_start3A_537[%multiple_of3A_536, %dma_start3A_538] : memref<4096x1024xi32, #tpu.memory_space<hbm>> -> memref<8x1024xi32, #tpu.memory_space<hbm>>
        %dma_start3A_540 = tpu.memref_bitcast %arg10 : memref<8192x1024xbf16, #tpu.memory_space<hbm>> -> memref<4096x1024xi32, #tpu.memory_space<hbm>>
        %dma_start3A_541 = arith.constant 0 : i32
        %dma_start3A_542 = tpu.memref_slice %dma_start3A_540[%multiple_of3A_536, %dma_start3A_541] : memref<4096x1024xi32, #tpu.memory_space<hbm>> -> memref<8x1024xi32, #tpu.memory_space<hbm>>
        tpu.enqueue_dma source(%arg16 : memref<8x1024xi32, #tpu.memory_space<vmem>>) target(%dma_start3A_542 : memref<8x1024xi32, #tpu.memory_space<hbm>>) target_semaphore(%arg20 : memref<!tpu.dma_semaphore, #tpu.memory_space<semaphore_mem>>)
      } else {
      }
      %eq3A_413 = arith.constant 2 : i32
      %eq3A_414 = arith.cmpi eq, %select_n3A_343, %eq3A_413 : i32
      %convert_element_type3A_415 = arith.extui %eq3A_414 : i1 to i32
      %cond3A_416 = arith.constant 0 : i32
      %cond3A_417 = arith.cmpi ne, %convert_element_type3A_415, %cond3A_416 : i32
      scf.if %cond3A_417 {
        %mul3A_524 = arith.constant 8 : i32
        %mul3A_525 = arith.muli %sub3A_346, %mul3A_524 : i32
        %add3A_526 = arith.addi %mul3A_191, %mul3A_525 : i32
        %multiple_of3A_527 = tpu.assume_multiple %add3A_526, 8 : i32
        %dma_start3A = tpu.memref_bitcast %arg8 : memref<8192x1024xbf16, #tpu.memory_space<hbm>> -> memref<4096x1024xi32, #tpu.memory_space<hbm>>
        %dma_start3A_528 = arith.constant 0 : i32
        %dma_start3A_529 = tpu.memref_slice %dma_start3A[%multiple_of3A_527, %dma_start3A_528] : memref<4096x1024xi32, #tpu.memory_space<hbm>> -> memref<8x1024xi32, #tpu.memory_space<hbm>>
        %dma_start3A_530 = tpu.memref_bitcast %arg8 : memref<8192x1024xbf16, #tpu.memory_space<hbm>> -> memref<4096x1024xi32, #tpu.memory_space<hbm>>
        %dma_start3A_531 = arith.constant 0 : i32
        %dma_start3A_532 = tpu.memref_slice %dma_start3A_530[%multiple_of3A_527, %dma_start3A_531] : memref<4096x1024xi32, #tpu.memory_space<hbm>> -> memref<8x1024xi32, #tpu.memory_space<hbm>>
        tpu.enqueue_dma source(%arg16 : memref<8x1024xi32, #tpu.memory_space<vmem>>) target(%dma_start3A_532 : memref<8x1024xi32, #tpu.memory_space<hbm>>) target_semaphore(%arg20 : memref<!tpu.dma_semaphore, #tpu.memory_space<semaphore_mem>>)
        %mul3A_533 = arith.constant 8 : i32
        %mul3A_534 = arith.muli %sub3A_346, %mul3A_533 : i32
        %add3A_535 = arith.addi %mul3A_191, %mul3A_534 : i32
        %multiple_of3A_536 = tpu.assume_multiple %add3A_535, 8 : i32
        %dma_start3A_537 = tpu.memref_bitcast %arg11 : memref<8192x1024xbf16, #tpu.memory_space<hbm>> -> memref<4096x1024xi32, #tpu.memory_space<hbm>>
        %dma_start3A_538 = arith.constant 0 : i32
        %dma_start3A_539 = tpu.memref_slice %dma_start3A_537[%multiple_of3A_536, %dma_start3A_538] : memref<4096x1024xi32, #tpu.memory_space<hbm>> -> memref<8x1024xi32, #tpu.memory_space<hbm>>
        %dma_start3A_540 = tpu.memref_bitcast %arg11 : memref<8192x1024xbf16, #tpu.memory_space<hbm>> -> memref<4096x1024xi32, #tpu.memory_space<hbm>>
        %dma_start3A_541 = arith.constant 0 : i32
        %dma_start3A_542 = tpu.memref_slice %dma_start3A_540[%multiple_of3A_536, %dma_start3A_541] : memref<4096x1024xi32, #tpu.memory_space<hbm>> -> memref<8x1024xi32, #tpu.memory_space<hbm>>
        tpu.enqueue_dma source(%arg16 : memref<8x1024xi32, #tpu.memory_space<vmem>>) target(%dma_start3A_542 : memref<8x1024xi32, #tpu.memory_space<hbm>>) target_semaphore(%arg20 : memref<!tpu.dma_semaphore, #tpu.memory_space<semaphore_mem>>)
      } else {
      }
      %mul3A_418 = arith.constant 2 : i32
      %mul3A_419 = arith.muli %mul3A_418, %add3A_317 : i32
      %add3A_420 = arith.constant 1 : i32
      %add3A_421 = arith.addi %mul3A_419, %add3A_420 : i32
      %jit3A_422 = arith.constant 16 : i32
      %div3A_423 = arith.divsi %add3A_421, %jit3A_422 : i32
      %sign3A_424 = arith.constant 0 : i32
      %sign3A_425 = arith.cmpi sgt, %add3A_421, %sign3A_424 : i32
      %sign3A_426 = arith.extui %sign3A_425 : i1 to i32
      %sign3A_427 = arith.constant 0 : i32
      %sign3A_428 = arith.cmpi slt, %add3A_421, %sign3A_427 : i32
      %sign3A_429 = arith.extui %sign3A_428 : i1 to i32
      %sign3A_430 = arith.subi %sign3A_426, %sign3A_429 : i32
      %sign3A_431 = arith.constant 0 : i32
      %sign3A_432 = arith.cmpi sgt, %jit3A_422, %sign3A_431 : i32
      %sign3A_433 = arith.extui %sign3A_432 : i1 to i32
      %sign3A_434 = arith.constant 0 : i32
      %sign3A_435 = arith.cmpi slt, %jit3A_422, %sign3A_434 : i32
      %sign3A_436 = arith.extui %sign3A_435 : i1 to i32
      %sign3A_437 = arith.subi %sign3A_433, %sign3A_436 : i32
      %ne3A_438 = arith.cmpi ne, %sign3A_430, %sign3A_437 : i32
      %rem3A_439 = arith.remsi %add3A_421, %jit3A_422 : i32
      %ne3A_440 = arith.constant 0 : i32
      %ne3A_441 = arith.cmpi ne, %rem3A_439, %ne3A_440 : i32
      %and3A_442 = arith.andi %ne3A_438, %ne3A_441 : i1
      %sub3A_443 = arith.constant 1 : i32
      %sub3A_444 = arith.subi %div3A_423, %sub3A_443 : i32
      %select_n3A_445 = arith.select %and3A_442, %sub3A_444, %div3A_423 : i32
      %mul3A_446 = arith.constant 16 : i32
      %mul3A_447 = arith.muli %select_n3A_445, %mul3A_446 : i32
      %sub3A_448 = arith.subi %add3A_421, %mul3A_447 : i32
      %mul3A_449 = arith.constant 16 : i32
      %mul3A_450 = arith.muli %sub3A_448, %mul3A_449 : i32
      %multiple_of3A_451 = tpu.assume_multiple %mul3A_450, 16 : i32
      %dma_wait3A_452 = tpu.memref_slice %arg13[%multiple_of3A_451] : memref<256xi32, #tpu.memory_space<vmem>> -> memref<16xi32, #tpu.memory_space<vmem>>
      %dma_wait3A_453 = tpu.memref_bitcast %arg3 : memref<100000x1024xbf16, #tpu.memory_space<hbm>> -> memref<50000x1024xi32, #tpu.memory_space<hbm>>
      %dma_wait3A_454 = arith.constant 0 : i32
      %dma_wait3A_455 = arith.constant 0 : i32
      %dma_wait3A_456 = tpu.memref_slice %dma_wait3A_453[%dma_wait3A_454, %dma_wait3A_455] : memref<50000x1024xi32, #tpu.memory_space<hbm>> -> memref<50000x1024xi32, #tpu.memory_space<hbm>>
      tpu.wait_indirect_dma semaphore(%arg19 : memref<!tpu.dma_semaphore, #tpu.memory_space<semaphore_mem>>) src(%dma_wait3A_456 : memref<50000x1024xi32, #tpu.memory_space<hbm>>) dst(%arg15 : memref<16x1024xi32, #tpu.memory_space<vmem>>)
      %ge3A_457 = arith.constant 2 : i32
      %ge3A_458 = arith.cmpi sge, %add3A_421, %ge3A_457 : i32
      %convert_element_type3A_459 = arith.extui %ge3A_458 : i1 to i32
      %cond3A_460 = arith.constant 0 : i32
      %cond3A_461 = arith.cmpi ne, %convert_element_type3A_459, %cond3A_460 : i32
      scf.if %cond3A_461 {
        %dma_wait3A_524 = tpu.memref_bitcast %arg6 : memref<8192x1024xbf16, #tpu.memory_space<hbm>> -> memref<4096x1024xi32, #tpu.memory_space<hbm>>
        %dma_wait3A_525 = arith.constant 0 : i32
        %dma_wait3A_526 = arith.constant 0 : i32
        %dma_wait3A_527 = tpu.memref_slice %dma_wait3A_524[%dma_wait3A_525, %dma_wait3A_526] : memref<4096x1024xi32, #tpu.memory_space<hbm>> -> memref<8x1024xi32, #tpu.memory_space<hbm>>
        %dma_wait3A_528 = tpu.memref_bitcast %arg6 : memref<8192x1024xbf16, #tpu.memory_space<hbm>> -> memref<4096x1024xi32, #tpu.memory_space<hbm>>
        %dma_wait3A_529 = arith.constant 0 : i32
        %dma_wait3A_530 = arith.constant 0 : i32
        %dma_wait3A_531 = tpu.memref_slice %dma_wait3A_528[%dma_wait3A_529, %dma_wait3A_530] : memref<4096x1024xi32, #tpu.memory_space<hbm>> -> memref<8x1024xi32, #tpu.memory_space<hbm>>
        tpu.wait_dma2 semaphore(%arg21 : memref<!tpu.dma_semaphore, #tpu.memory_space<semaphore_mem>>) src(%arg17 : memref<8x1024xi32, #tpu.memory_space<vmem>>) dst(%dma_wait3A_531 : memref<8x1024xi32, #tpu.memory_space<hbm>>)
        %dma_wait3A_532 = tpu.memref_bitcast %arg6 : memref<8192x1024xbf16, #tpu.memory_space<hbm>> -> memref<4096x1024xi32, #tpu.memory_space<hbm>>
        %dma_wait3A_533 = arith.constant 0 : i32
        %dma_wait3A_534 = arith.constant 0 : i32
        %dma_wait3A_535 = tpu.memref_slice %dma_wait3A_532[%dma_wait3A_533, %dma_wait3A_534] : memref<4096x1024xi32, #tpu.memory_space<hbm>> -> memref<8x1024xi32, #tpu.memory_space<hbm>>
        %dma_wait3A_536 = tpu.memref_bitcast %arg6 : memref<8192x1024xbf16, #tpu.memory_space<hbm>> -> memref<4096x1024xi32, #tpu.memory_space<hbm>>
        %dma_wait3A_537 = arith.constant 0 : i32
        %dma_wait3A_538 = arith.constant 0 : i32
        %dma_wait3A_539 = tpu.memref_slice %dma_wait3A_536[%dma_wait3A_537, %dma_wait3A_538] : memref<4096x1024xi32, #tpu.memory_space<hbm>> -> memref<8x1024xi32, #tpu.memory_space<hbm>>
        tpu.wait_dma2 semaphore(%arg21 : memref<!tpu.dma_semaphore, #tpu.memory_space<semaphore_mem>>) src(%arg17 : memref<8x1024xi32, #tpu.memory_space<vmem>>) dst(%dma_wait3A_539 : memref<8x1024xi32, #tpu.memory_space<hbm>>)
      } else {
      }
      %mul3A_462 = arith.constant 16 : i32
      %mul3A_463 = arith.muli %sub3A_448, %mul3A_462 : i32
      %multiple_of3A_464 = tpu.assume_multiple %mul3A_463, 16 : i32
      %get3A_465 = arith.index_cast %multiple_of3A_464 : i32 to index
      %get3A_466 = tpu.vector_load %arg12[%get3A_465] {strides = array<i32>} : memref<256xi32, #tpu.memory_space<vmem>>, vector<16xi32>,
      %get3A_467 = vector.shape_cast %get3A_466 : vector<16xi32> to vector<16xi32>
      %slice3A_468 = vector.extract_strided_slice %get3A_467 {offsets = [0], sizes = [1], strides = [1]} : vector<16xi32> to vector<1xi32>
      %squeeze3A_469 = vector.extract %slice3A_468[0] : i32 from vector<1xi32>
      %and3A_470 = arith.constant 1 : i32
      %and3A_471 = arith.andi %squeeze3A_469, %and3A_470 : i32
      %mul3A_472 = arith.constant 16 : i32
      %mul3A_473 = arith.muli %and3A_471, %mul3A_472 : i32
      %slice3A_474 = vector.extract_strided_slice %get3A_467 {offsets = [1], sizes = [1], strides = [1]} : vector<16xi32> to vector<1xi32>
      %squeeze3A_475 = vector.extract %slice3A_474[0] : i32 from vector<1xi32>
      %and3A_476 = arith.constant 1 : i32
      %and3A_477 = arith.andi %squeeze3A_475, %and3A_476 : i32
      %mul3A_478 = arith.constant 16 : i32
      %mul3A_479 = arith.muli %and3A_477, %mul3A_478 : i32
      %scan3A_480 = arith.constant 0 : i32
      %scan3A_481 = arith.constant 8 : i32
      %scan3A_482 = arith.addi %scan3A_480, %scan3A_481 : i32
      %scan3A_483 = arith.constant 1 : i32
      scf.for %scan3A_524 = %scan3A_480 to %scan3A_482 step %scan3A_483  : i32 {
        %mul3A_525 = arith.constant 1 : i32
        %mul3A_526 = arith.muli %scan3A_524, %mul3A_525 : i32
        %add3A_527 = arith.constant 0 : i32
        %add3A_528 = arith.addi %add3A_527, %mul3A_526 : i32
        %mul3A_529 = arith.constant 8 : i32
        %mul3A_530 = arith.muli %add3A_528, %mul3A_529 : i32
        %add3A_531 = arith.constant 0 : i32
        %add3A_532 = arith.addi %mul3A_530, %add3A_531 : i32
        %mul3A_533 = arith.constant 16 : i32
        %mul3A_534 = arith.muli %add3A_532, %mul3A_533 : i32
        %get3A_535 = arith.constant 0 : i32
        %get3A_536 = arith.index_cast %get3A_535 : i32 to index
        %get3A_537 = arith.index_cast %mul3A_534 : i32 to index
        %get3A_538 = tpu.vector_load %arg15[%get3A_536, %get3A_537] {strides = array<i32>} : memref<16x1024xi32, #tpu.memory_space<vmem>>, vector<1x16xi32>,
        %get3A_539 = vector.shape_cast %get3A_538 : vector<1x16xi32> to vector<16xi32>
        %get3A_540 = arith.constant 1 : i32
        %get3A_541 = arith.index_cast %get3A_540 : i32 to index
        %get3A_542 = arith.index_cast %mul3A_534 : i32 to index
        %get3A_543 = tpu.vector_load %arg15[%get3A_541, %get3A_542] {strides = array<i32>} : memref<16x1024xi32, #tpu.memory_space<vmem>>, vector<1x16xi32>,
        %get3A_544 = vector.shape_cast %get3A_543 : vector<1x16xi32> to vector<16xi32>
        %shift_right_arithmetic3A_545 = vector.broadcast %mul3A_473 : i32 to vector<16xi32>
        %shift_right_arithmetic3A_546 = arith.shrsi %get3A_539, %shift_right_arithmetic3A_545 : vector<16xi32>
        %and3A_547 = arith.constant 65535 : i32
        %and3A_548 = vector.broadcast %and3A_547 : i32 to vector<16xi32>
        %and3A_549 = arith.andi %shift_right_arithmetic3A_546, %and3A_548 : vector<16xi32>
        %shift_right_arithmetic3A_550 = vector.broadcast %mul3A_479 : i32 to vector<16xi32>
        %shift_right_arithmetic3A_551 = arith.shrsi %get3A_544, %shift_right_arithmetic3A_550 : vector<16xi32>
        %shift_left3A = arith.constant 16 : i32
        %shift_left3A_552 = vector.broadcast %shift_left3A : i32 to vector<16xi32>
        %shift_left3A_553 = arith.shli %shift_right_arithmetic3A_551, %shift_left3A_552 : vector<16xi32>
        %or3A = arith.ori %and3A_549, %shift_left3A_553 : vector<16xi32>
        %swap3A_554 = arith.constant 0 : i32
        %swap3A_555 = arith.index_cast %swap3A_554 : i32 to index
        %swap3A_556 = arith.index_cast %mul3A_534 : i32 to index
        %swap3A_557 = tpu.vector_load %arg17[%swap3A_555, %swap3A_556] {strides = array<i32>} : memref<8x1024xi32, #tpu.memory_space<vmem>>, vector<1x16xi32>,
        %swap3A_558 = vector.shape_cast %swap3A_557 : vector<1x16xi32> to vector<16xi32>
        %swap3A_559 = vector.shape_cast %or3A : vector<16xi32> to vector<1x16xi32>
        tpu.vector_store %arg17[%swap3A_555, %swap3A_556], %swap3A_559 {strides = array<i32>} : memref<8x1024xi32, #tpu.memory_space<vmem>>, vector<1x16xi32>,
        %mul3A_560 = arith.constant 8 : i32
        %mul3A_561 = arith.muli %add3A_528, %mul3A_560 : i32
        %add3A_562 = arith.constant 1 : i32
        %add3A_563 = arith.addi %mul3A_561, %add3A_562 : i32
        %mul3A_564 = arith.constant 16 : i32
        %mul3A_565 = arith.muli %add3A_563, %mul3A_564 : i32
        %get3A_566 = arith.constant 0 : i32
        %get3A_567 = arith.index_cast %get3A_566 : i32 to index
        %get3A_568 = arith.index_cast %mul3A_565 : i32 to index
        %get3A_569 = tpu.vector_load %arg15[%get3A_567, %get3A_568] {strides = array<i32>} : memref<16x1024xi32, #tpu.memory_space<vmem>>, vector<1x16xi32>,
        %get3A_570 = vector.shape_cast %get3A_569 : vector<1x16xi32> to vector<16xi32>
        %get3A_571 = arith.constant 1 : i32
        %get3A_572 = arith.index_cast %get3A_571 : i32 to index
        %get3A_573 = arith.index_cast %mul3A_565 : i32 to index
        %get3A_574 = tpu.vector_load %arg15[%get3A_572, %get3A_573] {strides = array<i32>} : memref<16x1024xi32, #tpu.memory_space<vmem>>, vector<1x16xi32>,
        %get3A_575 = vector.shape_cast %get3A_574 : vector<1x16xi32> to vector<16xi32>
        %shift_right_arithmetic3A_576 = vector.broadcast %mul3A_473 : i32 to vector<16xi32>
        %shift_right_arithmetic3A_577 = arith.shrsi %get3A_570, %shift_right_arithmetic3A_576 : vector<16xi32>
        %and3A_578 = arith.constant 65535 : i32
        %and3A_579 = vector.broadcast %and3A_578 : i32 to vector<16xi32>
        %and3A_580 = arith.andi %shift_right_arithmetic3A_577, %and3A_579 : vector<16xi32>
        %shift_right_arithmetic3A_581 = vector.broadcast %mul3A_479 : i32 to vector<16xi32>
        %shift_right_arithmetic3A_582 = arith.shrsi %get3A_575, %shift_right_arithmetic3A_581 : vector<16xi32>
        %shift_left3A_583 = arith.constant 16 : i32
        %shift_left3A_584 = vector.broadcast %shift_left3A_583 : i32 to vector<16xi32>
        %shift_left3A_585 = arith.shli %shift_right_arithmetic3A_582, %shift_left3A_584 : vector<16xi32>
        %or3A_586 = arith.ori %and3A_580, %shift_left3A_585 : vector<16xi32>
        %swap3A_587 = arith.constant 0 : i32
        %swap3A_588 = arith.index_cast %swap3A_587 : i32 to index
        %swap3A_589 = arith.index_cast %mul3A_565 : i32 to index
        %swap3A_590 = tpu.vector_load %arg17[%swap3A_588, %swap3A_589] {strides = array<i32>} : memref<8x1024xi32, #tpu.memory_space<vmem>>, vector<1x16xi32>,
        %swap3A_591 = vector.shape_cast %swap3A_590 : vector<1x16xi32> to vector<16xi32>
        %swap3A_592 = vector.shape_cast %or3A_586 : vector<16xi32> to vector<1x16xi32>
        tpu.vector_store %arg17[%swap3A_588, %swap3A_589], %swap3A_592 {strides = array<i32>} : memref<8x1024xi32, #tpu.memory_space<vmem>>, vector<1x16xi32>,
        %mul3A_593 = arith.constant 8 : i32
        %mul3A_594 = arith.muli %add3A_528, %mul3A_593 : i32
        %add3A_595 = arith.constant 2 : i32
        %add3A_596 = arith.addi %mul3A_594, %add3A_595 : i32
        %mul3A_597 = arith.constant 16 : i32
        %mul3A_598 = arith.muli %add3A_596, %mul3A_597 : i32
        %get3A_599 = arith.constant 0 : i32
        %get3A_600 = arith.index_cast %get3A_599 : i32 to index
        %get3A_601 = arith.index_cast %mul3A_598 : i32 to index
        %get3A_602 = tpu.vector_load %arg15[%get3A_600, %get3A_601] {strides = array<i32>} : memref<16x1024xi32, #tpu.memory_space<vmem>>, vector<1x16xi32>,
        %get3A_603 = vector.shape_cast %get3A_602 : vector<1x16xi32> to vector<16xi32>
        %get3A_604 = arith.constant 1 : i32
        %get3A_605 = arith.index_cast %get3A_604 : i32 to index
        %get3A_606 = arith.index_cast %mul3A_598 : i32 to index
        %get3A_607 = tpu.vector_load %arg15[%get3A_605, %get3A_606] {strides = array<i32>} : memref<16x1024xi32, #tpu.memory_space<vmem>>, vector<1x16xi32>,
        %get3A_608 = vector.shape_cast %get3A_607 : vector<1x16xi32> to vector<16xi32>
        %shift_right_arithmetic3A_609 = vector.broadcast %mul3A_473 : i32 to vector<16xi32>
        %shift_right_arithmetic3A_610 = arith.shrsi %get3A_603, %shift_right_arithmetic3A_609 : vector<16xi32>
        %and3A_611 = arith.constant 65535 : i32
        %and3A_612 = vector.broadcast %and3A_611 : i32 to vector<16xi32>
        %and3A_613 = arith.andi %shift_right_arithmetic3A_610, %and3A_612 : vector<16xi32>
        %shift_right_arithmetic3A_614 = vector.broadcast %mul3A_479 : i32 to vector<16xi32>
        %shift_right_arithmetic3A_615 = arith.shrsi %get3A_608, %shift_right_arithmetic3A_614 : vector<16xi32>
        %shift_left3A_616 = arith.constant 16 : i32
        %shift_left3A_617 = vector.broadcast %shift_left3A_616 : i32 to vector<16xi32>
        %shift_left3A_618 = arith.shli %shift_right_arithmetic3A_615, %shift_left3A_617 : vector<16xi32>
        %or3A_619 = arith.ori %and3A_613, %shift_left3A_618 : vector<16xi32>
        %swap3A_620 = arith.constant 0 : i32
        %swap3A_621 = arith.index_cast %swap3A_620 : i32 to index
        %swap3A_622 = arith.index_cast %mul3A_598 : i32 to index
        %swap3A_623 = tpu.vector_load %arg17[%swap3A_621, %swap3A_622] {strides = array<i32>} : memref<8x1024xi32, #tpu.memory_space<vmem>>, vector<1x16xi32>,
        %swap3A_624 = vector.shape_cast %swap3A_623 : vector<1x16xi32> to vector<16xi32>
        %swap3A_625 = vector.shape_cast %or3A_619 : vector<16xi32> to vector<1x16xi32>
        tpu.vector_store %arg17[%swap3A_621, %swap3A_622], %swap3A_625 {strides = array<i32>} : memref<8x1024xi32, #tpu.memory_space<vmem>>, vector<1x16xi32>,
        %mul3A_626 = arith.constant 8 : i32
        %mul3A_627 = arith.muli %add3A_528, %mul3A_626 : i32
        %add3A_628 = arith.constant 3 : i32
        %add3A_629 = arith.addi %mul3A_627, %add3A_628 : i32
        %mul3A_630 = arith.constant 16 : i32
        %mul3A_631 = arith.muli %add3A_629, %mul3A_630 : i32
        %get3A_632 = arith.constant 0 : i32
        %get3A_633 = arith.index_cast %get3A_632 : i32 to index
        %get3A_634 = arith.index_cast %mul3A_631 : i32 to index
        %get3A_635 = tpu.vector_load %arg15[%get3A_633, %get3A_634] {strides = array<i32>} : memref<16x1024xi32, #tpu.memory_space<vmem>>, vector<1x16xi32>,
        %get3A_636 = vector.shape_cast %get3A_635 : vector<1x16xi32> to vector<16xi32>
        %get3A_637 = arith.constant 1 : i32
        %get3A_638 = arith.index_cast %get3A_637 : i32 to index
        %get3A_639 = arith.index_cast %mul3A_631 : i32 to index
        %get3A_640 = tpu.vector_load %arg15[%get3A_638, %get3A_639] {strides = array<i32>} : memref<16x1024xi32, #tpu.memory_space<vmem>>, vector<1x16xi32>,
        %get3A_641 = vector.shape_cast %get3A_640 : vector<1x16xi32> to vector<16xi32>
        %shift_right_arithmetic3A_642 = vector.broadcast %mul3A_473 : i32 to vector<16xi32>
        %shift_right_arithmetic3A_643 = arith.shrsi %get3A_636, %shift_right_arithmetic3A_642 : vector<16xi32>
        %and3A_644 = arith.constant 65535 : i32
        %and3A_645 = vector.broadcast %and3A_644 : i32 to vector<16xi32>
        %and3A_646 = arith.andi %shift_right_arithmetic3A_643, %and3A_645 : vector<16xi32>
        %shift_right_arithmetic3A_647 = vector.broadcast %mul3A_479 : i32 to vector<16xi32>
        %shift_right_arithmetic3A_648 = arith.shrsi %get3A_641, %shift_right_arithmetic3A_647 : vector<16xi32>
        %shift_left3A_649 = arith.constant 16 : i32
        %shift_left3A_650 = vector.broadcast %shift_left3A_649 : i32 to vector<16xi32>
        %shift_left3A_651 = arith.shli %shift_right_arithmetic3A_648, %shift_left3A_650 : vector<16xi32>
        %or3A_652 = arith.ori %and3A_646, %shift_left3A_651 : vector<16xi32>
        %swap3A_653 = arith.constant 0 : i32
        %swap3A_654 = arith.index_cast %swap3A_653 : i32 to index
        %swap3A_655 = arith.index_cast %mul3A_631 : i32 to index
        %swap3A_656 = tpu.vector_load %arg17[%swap3A_654, %swap3A_655] {strides = array<i32>} : memref<8x1024xi32, #tpu.memory_space<vmem>>, vector<1x16xi32>,
        %swap3A_657 = vector.shape_cast %swap3A_656 : vector<1x16xi32> to vector<16xi32>
        %swap3A_658 = vector.shape_cast %or3A_652 : vector<16xi32> to vector<1x16xi32>
        tpu.vector_store %arg17[%swap3A_654, %swap3A_655], %swap3A_658 {strides = array<i32>} : memref<8x1024xi32, #tpu.memory_space<vmem>>, vector<1x16xi32>,
        %mul3A_659 = arith.constant 8 : i32
        %mul3A_660 = arith.muli %add3A_528, %mul3A_659 : i32
        %add3A_661 = arith.constant 4 : i32
        %add3A_662 = arith.addi %mul3A_660, %add3A_661 : i32
        %mul3A_663 = arith.constant 16 : i32
        %mul3A_664 = arith.muli %add3A_662, %mul3A_663 : i32
        %get3A_665 = arith.constant 0 : i32
        %get3A_666 = arith.index_cast %get3A_665 : i32 to index
        %get3A_667 = arith.index_cast %mul3A_664 : i32 to index
        %get3A_668 = tpu.vector_load %arg15[%get3A_666, %get3A_667] {strides = array<i32>} : memref<16x1024xi32, #tpu.memory_space<vmem>>, vector<1x16xi32>,
        %get3A_669 = vector.shape_cast %get3A_668 : vector<1x16xi32> to vector<16xi32>
        %get3A_670 = arith.constant 1 : i32
        %get3A_671 = arith.index_cast %get3A_670 : i32 to index
        %get3A_672 = arith.index_cast %mul3A_664 : i32 to index
        %get3A_673 = tpu.vector_load %arg15[%get3A_671, %get3A_672] {strides = array<i32>} : memref<16x1024xi32, #tpu.memory_space<vmem>>, vector<1x16xi32>,
        %get3A_674 = vector.shape_cast %get3A_673 : vector<1x16xi32> to vector<16xi32>
        %shift_right_arithmetic3A_675 = vector.broadcast %mul3A_473 : i32 to vector<16xi32>
        %shift_right_arithmetic3A_676 = arith.shrsi %get3A_669, %shift_right_arithmetic3A_675 : vector<16xi32>
        %and3A_677 = arith.constant 65535 : i32
        %and3A_678 = vector.broadcast %and3A_677 : i32 to vector<16xi32>
        %and3A_679 = arith.andi %shift_right_arithmetic3A_676, %and3A_678 : vector<16xi32>
        %shift_right_arithmetic3A_680 = vector.broadcast %mul3A_479 : i32 to vector<16xi32>
        %shift_right_arithmetic3A_681 = arith.shrsi %get3A_674, %shift_right_arithmetic3A_680 : vector<16xi32>
        %shift_left3A_682 = arith.constant 16 : i32
        %shift_left3A_683 = vector.broadcast %shift_left3A_682 : i32 to vector<16xi32>
        %shift_left3A_684 = arith.shli %shift_right_arithmetic3A_681, %shift_left3A_683 : vector<16xi32>
        %or3A_685 = arith.ori %and3A_679, %shift_left3A_684 : vector<16xi32>
        %swap3A_686 = arith.constant 0 : i32
        %swap3A_687 = arith.index_cast %swap3A_686 : i32 to index
        %swap3A_688 = arith.index_cast %mul3A_664 : i32 to index
        %swap3A_689 = tpu.vector_load %arg17[%swap3A_687, %swap3A_688] {strides = array<i32>} : memref<8x1024xi32, #tpu.memory_space<vmem>>, vector<1x16xi32>,
        %swap3A_690 = vector.shape_cast %swap3A_689 : vector<1x16xi32> to vector<16xi32>
        %swap3A_691 = vector.shape_cast %or3A_685 : vector<16xi32> to vector<1x16xi32>
        tpu.vector_store %arg17[%swap3A_687, %swap3A_688], %swap3A_691 {strides = array<i32>} : memref<8x1024xi32, #tpu.memory_space<vmem>>, vector<1x16xi32>,
        %mul3A_692 = arith.constant 8 : i32
        %mul3A_693 = arith.muli %add3A_528, %mul3A_692 : i32
        %add3A_694 = arith.constant 5 : i32
        %add3A_695 = arith.addi %mul3A_693, %add3A_694 : i32
        %mul3A_696 = arith.constant 16 : i32
        %mul3A_697 = arith.muli %add3A_695, %mul3A_696 : i32
        %get3A_698 = arith.constant 0 : i32
        %get3A_699 = arith.index_cast %get3A_698 : i32 to index
        %get3A_700 = arith.index_cast %mul3A_697 : i32 to index
        %get3A_701 = tpu.vector_load %arg15[%get3A_699, %get3A_700] {strides = array<i32>} : memref<16x1024xi32, #tpu.memory_space<vmem>>, vector<1x16xi32>,
        %get3A_702 = vector.shape_cast %get3A_701 : vector<1x16xi32> to vector<16xi32>
        %get3A_703 = arith.constant 1 : i32
        %get3A_704 = arith.index_cast %get3A_703 : i32 to index
        %get3A_705 = arith.index_cast %mul3A_697 : i32 to index
        %get3A_706 = tpu.vector_load %arg15[%get3A_704, %get3A_705] {strides = array<i32>} : memref<16x1024xi32, #tpu.memory_space<vmem>>, vector<1x16xi32>,
        %get3A_707 = vector.shape_cast %get3A_706 : vector<1x16xi32> to vector<16xi32>
        %shift_right_arithmetic3A_708 = vector.broadcast %mul3A_473 : i32 to vector<16xi32>
        %shift_right_arithmetic3A_709 = arith.shrsi %get3A_702, %shift_right_arithmetic3A_708 : vector<16xi32>
        %and3A_710 = arith.constant 65535 : i32
        %and3A_711 = vector.broadcast %and3A_710 : i32 to vector<16xi32>
        %and3A_712 = arith.andi %shift_right_arithmetic3A_709, %and3A_711 : vector<16xi32>
        %shift_right_arithmetic3A_713 = vector.broadcast %mul3A_479 : i32 to vector<16xi32>
        %shift_right_arithmetic3A_714 = arith.shrsi %get3A_707, %shift_right_arithmetic3A_713 : vector<16xi32>
        %shift_left3A_715 = arith.constant 16 : i32
        %shift_left3A_716 = vector.broadcast %shift_left3A_715 : i32 to vector<16xi32>
        %shift_left3A_717 = arith.shli %shift_right_arithmetic3A_714, %shift_left3A_716 : vector<16xi32>
        %or3A_718 = arith.ori %and3A_712, %shift_left3A_717 : vector<16xi32>
        %swap3A_719 = arith.constant 0 : i32
        %swap3A_720 = arith.index_cast %swap3A_719 : i32 to index
        %swap3A_721 = arith.index_cast %mul3A_697 : i32 to index
        %swap3A_722 = tpu.vector_load %arg17[%swap3A_720, %swap3A_721] {strides = array<i32>} : memref<8x1024xi32, #tpu.memory_space<vmem>>, vector<1x16xi32>,
        %swap3A_723 = vector.shape_cast %swap3A_722 : vector<1x16xi32> to vector<16xi32>
        %swap3A_724 = vector.shape_cast %or3A_718 : vector<16xi32> to vector<1x16xi32>
        tpu.vector_store %arg17[%swap3A_720, %swap3A_721], %swap3A_724 {strides = array<i32>} : memref<8x1024xi32, #tpu.memory_space<vmem>>, vector<1x16xi32>,
        %mul3A_725 = arith.constant 8 : i32
        %mul3A_726 = arith.muli %add3A_528, %mul3A_725 : i32
        %add3A_727 = arith.constant 6 : i32
        %add3A_728 = arith.addi %mul3A_726, %add3A_727 : i32
        %mul3A_729 = arith.constant 16 : i32
        %mul3A_730 = arith.muli %add3A_728, %mul3A_729 : i32
        %get3A_731 = arith.constant 0 : i32
        %get3A_732 = arith.index_cast %get3A_731 : i32 to index
        %get3A_733 = arith.index_cast %mul3A_730 : i32 to index
        %get3A_734 = tpu.vector_load %arg15[%get3A_732, %get3A_733] {strides = array<i32>} : memref<16x1024xi32, #tpu.memory_space<vmem>>, vector<1x16xi32>,
        %get3A_735 = vector.shape_cast %get3A_734 : vector<1x16xi32> to vector<16xi32>
        %get3A_736 = arith.constant 1 : i32
        %get3A_737 = arith.index_cast %get3A_736 : i32 to index
        %get3A_738 = arith.index_cast %mul3A_730 : i32 to index
        %get3A_739 = tpu.vector_load %arg15[%get3A_737, %get3A_738] {strides = array<i32>} : memref<16x1024xi32, #tpu.memory_space<vmem>>, vector<1x16xi32>,
        %get3A_740 = vector.shape_cast %get3A_739 : vector<1x16xi32> to vector<16xi32>
        %shift_right_arithmetic3A_741 = vector.broadcast %mul3A_473 : i32 to vector<16xi32>
        %shift_right_arithmetic3A_742 = arith.shrsi %get3A_735, %shift_right_arithmetic3A_741 : vector<16xi32>
        %and3A_743 = arith.constant 65535 : i32
        %and3A_744 = vector.broadcast %and3A_743 : i32 to vector<16xi32>
        %and3A_745 = arith.andi %shift_right_arithmetic3A_742, %and3A_744 : vector<16xi32>
        %shift_right_arithmetic3A_746 = vector.broadcast %mul3A_479 : i32 to vector<16xi32>
        %shift_right_arithmetic3A_747 = arith.shrsi %get3A_740, %shift_right_arithmetic3A_746 : vector<16xi32>
        %shift_left3A_748 = arith.constant 16 : i32
        %shift_left3A_749 = vector.broadcast %shift_left3A_748 : i32 to vector<16xi32>
        %shift_left3A_750 = arith.shli %shift_right_arithmetic3A_747, %shift_left3A_749 : vector<16xi32>
        %or3A_751 = arith.ori %and3A_745, %shift_left3A_750 : vector<16xi32>
        %swap3A_752 = arith.constant 0 : i32
        %swap3A_753 = arith.index_cast %swap3A_752 : i32 to index
        %swap3A_754 = arith.index_cast %mul3A_730 : i32 to index
        %swap3A_755 = tpu.vector_load %arg17[%swap3A_753, %swap3A_754] {strides = array<i32>} : memref<8x1024xi32, #tpu.memory_space<vmem>>, vector<1x16xi32>,
        %swap3A_756 = vector.shape_cast %swap3A_755 : vector<1x16xi32> to vector<16xi32>
        %swap3A_757 = vector.shape_cast %or3A_751 : vector<16xi32> to vector<1x16xi32>
        tpu.vector_store %arg17[%swap3A_753, %swap3A_754], %swap3A_757 {strides = array<i32>} : memref<8x1024xi32, #tpu.memory_space<vmem>>, vector<1x16xi32>,
        %mul3A_758 = arith.constant 8 : i32
        %mul3A_759 = arith.muli %add3A_528, %mul3A_758 : i32
        %add3A_760 = arith.constant 7 : i32
        %add3A_761 = arith.addi %mul3A_759, %add3A_760 : i32
        %mul3A_762 = arith.constant 16 : i32
        %mul3A_763 = arith.muli %add3A_761, %mul3A_762 : i32
        %get3A_764 = arith.constant 0 : i32
        %get3A_765 = arith.index_cast %get3A_764 : i32 to index
        %get3A_766 = arith.index_cast %mul3A_763 : i32 to index
        %get3A_767 = tpu.vector_load %arg15[%get3A_765, %get3A_766] {strides = array<i32>} : memref<16x1024xi32, #tpu.memory_space<vmem>>, vector<1x16xi32>,
        %get3A_768 = vector.shape_cast %get3A_767 : vector<1x16xi32> to vector<16xi32>
        %get3A_769 = arith.constant 1 : i32
        %get3A_770 = arith.index_cast %get3A_769 : i32 to index
        %get3A_771 = arith.index_cast %mul3A_763 : i32 to index
        %get3A_772 = tpu.vector_load %arg15[%get3A_770, %get3A_771] {strides = array<i32>} : memref<16x1024xi32, #tpu.memory_space<vmem>>, vector<1x16xi32>,
        %get3A_773 = vector.shape_cast %get3A_772 : vector<1x16xi32> to vector<16xi32>
        %shift_right_arithmetic3A_774 = vector.broadcast %mul3A_473 : i32 to vector<16xi32>
        %shift_right_arithmetic3A_775 = arith.shrsi %get3A_768, %shift_right_arithmetic3A_774 : vector<16xi32>
        %and3A_776 = arith.constant 65535 : i32
        %and3A_777 = vector.broadcast %and3A_776 : i32 to vector<16xi32>
        %and3A_778 = arith.andi %shift_right_arithmetic3A_775, %and3A_777 : vector<16xi32>
        %shift_right_arithmetic3A_779 = vector.broadcast %mul3A_479 : i32 to vector<16xi32>
        %shift_right_arithmetic3A_780 = arith.shrsi %get3A_773, %shift_right_arithmetic3A_779 : vector<16xi32>
        %shift_left3A_781 = arith.constant 16 : i32
        %shift_left3A_782 = vector.broadcast %shift_left3A_781 : i32 to vector<16xi32>
        %shift_left3A_783 = arith.shli %shift_right_arithmetic3A_780, %shift_left3A_782 : vector<16xi32>
        %or3A_784 = arith.ori %and3A_778, %shift_left3A_783 : vector<16xi32>
        %swap3A_785 = arith.constant 0 : i32
        %swap3A_786 = arith.index_cast %swap3A_785 : i32 to index
        %swap3A_787 = arith.index_cast %mul3A_763 : i32 to index
        %swap3A_788 = tpu.vector_load %arg17[%swap3A_786, %swap3A_787] {strides = array<i32>} : memref<8x1024xi32, #tpu.memory_space<vmem>>, vector<1x16xi32>,
        %swap3A_789 = vector.shape_cast %swap3A_788 : vector<1x16xi32> to vector<16xi32>
        %swap3A_790 = vector.shape_cast %or3A_784 : vector<16xi32> to vector<1x16xi32>
        tpu.vector_store %arg17[%swap3A_786, %swap3A_787], %swap3A_790 {strides = array<i32>} : memref<8x1024xi32, #tpu.memory_space<vmem>>, vector<1x16xi32>,
      }
      %scan3A_484 = arith.constant 8 : i32
      %slice3A_485 = vector.extract_strided_slice %get3A_467 {offsets = [2], sizes = [1], strides = [1]} : vector<16xi32> to vector<1xi32>
      %squeeze3A_486 = vector.extract %slice3A_485[0] : i32 from vector<1xi32>
      %and3A_487 = arith.constant 1 : i32
      %and3A_488 = arith.andi %squeeze3A_486, %and3A_487 : i32
      %mul3A_489 = arith.constant 16 : i32
      %mul3A_490 = arith.muli %and3A_488, %mul3A_489 : i32
      %slice3A_491 = vector.extract_strided_slice %get3A_467 {offsets = [3], sizes = [1], strides = [1]} : vector<16xi32> to vector<1xi32>
      %squeeze3A_492 = vector.extract %slice3A_491[0] : i32 from vector<1xi32>
      %and3A_493 = arith.constant 1 : i32
      %and3A_494 = arith.andi %squeeze3A_492, %and3A_493 : i32
      %mul3A_495 = arith.constant 16 : i32
      %mul3A_496 = arith.muli %and3A_494, %mul3A_495 : i32
      %scan3A_497 = arith.constant 0 : i32
      %scan3A_498 = arith.constant 8 : i32
      %scan3A_499 = arith.addi %scan3A_497, %scan3A_498 : i32
      %scan3A_500 = arith.constant 1 : i32
      scf.for %scan3A_524 = %scan3A_497 to %scan3A_499 step %scan3A_500  : i32 {
        %mul3A_525 = arith.constant 1 : i32
        %mul3A_526 = arith.muli %scan3A_524, %mul3A_525 : i32
        %add3A_527 = arith.constant 0 : i32
        %add3A_528 = arith.addi %add3A_527, %mul3A_526 : i32
        %mul3A_529 = arith.constant 8 : i32
        %mul3A_530 = arith.muli %add3A_528, %mul3A_529 : i32
        %add3A_531 = arith.constant 0 : i32
        %add3A_532 = arith.addi %mul3A_530, %add3A_531 : i32
        %mul3A_533 = arith.constant 16 : i32
        %mul3A_534 = arith.muli %add3A_532, %mul3A_533 : i32
        %get3A_535 = arith.constant 2 : i32
        %get3A_536 = arith.index_cast %get3A_535 : i32 to index
        %get3A_537 = arith.index_cast %mul3A_534 : i32 to index
        %get3A_538 = tpu.vector_load %arg15[%get3A_536, %get3A_537] {strides = array<i32>} : memref<16x1024xi32, #tpu.memory_space<vmem>>, vector<1x16xi32>,
        %get3A_539 = vector.shape_cast %get3A_538 : vector<1x16xi32> to vector<16xi32>
        %get3A_540 = arith.constant 3 : i32
        %get3A_541 = arith.index_cast %get3A_540 : i32 to index
        %get3A_542 = arith.index_cast %mul3A_534 : i32 to index
        %get3A_543 = tpu.vector_load %arg15[%get3A_541, %get3A_542] {strides = array<i32>} : memref<16x1024xi32, #tpu.memory_space<vmem>>, vector<1x16xi32>,
        %get3A_544 = vector.shape_cast %get3A_543 : vector<1x16xi32> to vector<16xi32>
        %shift_right_arithmetic3A_545 = vector.broadcast %mul3A_490 : i32 to vector<16xi32>
        %shift_right_arithmetic3A_546 = arith.shrsi %get3A_539, %shift_right_arithmetic3A_545 : vector<16xi32>
        %and3A_547 = arith.constant 65535 : i32
        %and3A_548 = vector.broadcast %and3A_547 : i32 to vector<16xi32>
        %and3A_549 = arith.andi %shift_right_arithmetic3A_546, %and3A_548 : vector<16xi32>
        %shift_right_arithmetic3A_550 = vector.broadcast %mul3A_496 : i32 to vector<16xi32>
        %shift_right_arithmetic3A_551 = arith.shrsi %get3A_544, %shift_right_arithmetic3A_550 : vector<16xi32>
        %shift_left3A = arith.constant 16 : i32
        %shift_left3A_552 = vector.broadcast %shift_left3A : i32 to vector<16xi32>
        %shift_left3A_553 = arith.shli %shift_right_arithmetic3A_551, %shift_left3A_552 : vector<16xi32>
        %or3A = arith.ori %and3A_549, %shift_left3A_553 : vector<16xi32>
        %swap3A_554 = arith.constant 1 : i32
        %swap3A_555 = arith.index_cast %swap3A_554 : i32 to index
        %swap3A_556 = arith.index_cast %mul3A_534 : i32 to index
        %swap3A_557 = tpu.vector_load %arg17[%swap3A_555, %swap3A_556] {strides = array<i32>} : memref<8x1024xi32, #tpu.memory_space<vmem>>, vector<1x16xi32>,
        %swap3A_558 = vector.shape_cast %swap3A_557 : vector<1x16xi32> to vector<16xi32>
        %swap3A_559 = vector.shape_cast %or3A : vector<16xi32> to vector<1x16xi32>
        tpu.vector_store %arg17[%swap3A_555, %swap3A_556], %swap3A_559 {strides = array<i32>} : memref<8x1024xi32, #tpu.memory_space<vmem>>, vector<1x16xi32>,
        %mul3A_560 = arith.constant 8 : i32
        %mul3A_561 = arith.muli %add3A_528, %mul3A_560 : i32
        %add3A_562 = arith.constant 1 : i32
        %add3A_563 = arith.addi %mul3A_561, %add3A_562 : i32
        %mul3A_564 = arith.constant 16 : i32
        %mul3A_565 = arith.muli %add3A_563, %mul3A_564 : i32
        %get3A_566 = arith.constant 2 : i32
        %get3A_567 = arith.index_cast %get3A_566 : i32 to index
        %get3A_568 = arith.index_cast %mul3A_565 : i32 to index
        %get3A_569 = tpu.vector_load %arg15[%get3A_567, %get3A_568] {strides = array<i32>} : memref<16x1024xi32, #tpu.memory_space<vmem>>, vector<1x16xi32>,
        %get3A_570 = vector.shape_cast %get3A_569 : vector<1x16xi32> to vector<16xi32>
        %get3A_571 = arith.constant 3 : i32
        %get3A_572 = arith.index_cast %get3A_571 : i32 to index
        %get3A_573 = arith.index_cast %mul3A_565 : i32 to index
        %get3A_574 = tpu.vector_load %arg15[%get3A_572, %get3A_573] {strides = array<i32>} : memref<16x1024xi32, #tpu.memory_space<vmem>>, vector<1x16xi32>,
        %get3A_575 = vector.shape_cast %get3A_574 : vector<1x16xi32> to vector<16xi32>
        %shift_right_arithmetic3A_576 = vector.broadcast %mul3A_490 : i32 to vector<16xi32>
        %shift_right_arithmetic3A_577 = arith.shrsi %get3A_570, %shift_right_arithmetic3A_576 : vector<16xi32>
        %and3A_578 = arith.constant 65535 : i32
        %and3A_579 = vector.broadcast %and3A_578 : i32 to vector<16xi32>
        %and3A_580 = arith.andi %shift_right_arithmetic3A_577, %and3A_579 : vector<16xi32>
        %shift_right_arithmetic3A_581 = vector.broadcast %mul3A_496 : i32 to vector<16xi32>
        %shift_right_arithmetic3A_582 = arith.shrsi %get3A_575, %shift_right_arithmetic3A_581 : vector<16xi32>
        %shift_left3A_583 = arith.constant 16 : i32
        %shift_left3A_584 = vector.broadcast %shift_left3A_583 : i32 to vector<16xi32>
        %shift_left3A_585 = arith.shli %shift_right_arithmetic3A_582, %shift_left3A_584 : vector<16xi32>
        %or3A_586 = arith.ori %and3A_580, %shift_left3A_585 : vector<16xi32>
        %swap3A_587 = arith.constant 1 : i32
        %swap3A_588 = arith.index_cast %swap3A_587 : i32 to index
        %swap3A_589 = arith.index_cast %mul3A_565 : i32 to index
        %swap3A_590 = tpu.vector_load %arg17[%swap3A_588, %swap3A_589] {strides = array<i32>} : memref<8x1024xi32, #tpu.memory_space<vmem>>, vector<1x16xi32>,
        %swap3A_591 = vector.shape_cast %swap3A_590 : vector<1x16xi32> to vector<16xi32>
        %swap3A_592 = vector.shape_cast %or3A_586 : vector<16xi32> to vector<1x16xi32>
        tpu.vector_store %arg17[%swap3A_588, %swap3A_589], %swap3A_592 {strides = array<i32>} : memref<8x1024xi32, #tpu.memory_space<vmem>>, vector<1x16xi32>,
        %mul3A_593 = arith.constant 8 : i32
        %mul3A_594 = arith.muli %add3A_528, %mul3A_593 : i32
        %add3A_595 = arith.constant 2 : i32
        %add3A_596 = arith.addi %mul3A_594, %add3A_595 : i32
        %mul3A_597 = arith.constant 16 : i32
        %mul3A_598 = arith.muli %add3A_596, %mul3A_597 : i32
        %get3A_599 = arith.constant 2 : i32
        %get3A_600 = arith.index_cast %get3A_599 : i32 to index
        %get3A_601 = arith.index_cast %mul3A_598 : i32 to index
        %get3A_602 = tpu.vector_load %arg15[%get3A_600, %get3A_601] {strides = array<i32>} : memref<16x1024xi32, #tpu.memory_space<vmem>>, vector<1x16xi32>,
        %get3A_603 = vector.shape_cast %get3A_602 : vector<1x16xi32> to vector<16xi32>
        %get3A_604 = arith.constant 3 : i32
        %get3A_605 = arith.index_cast %get3A_604 : i32 to index
        %get3A_606 = arith.index_cast %mul3A_598 : i32 to index
        %get3A_607 = tpu.vector_load %arg15[%get3A_605, %get3A_606] {strides = array<i32>} : memref<16x1024xi32, #tpu.memory_space<vmem>>, vector<1x16xi32>,
        %get3A_608 = vector.shape_cast %get3A_607 : vector<1x16xi32> to vector<16xi32>
        %shift_right_arithmetic3A_609 = vector.broadcast %mul3A_490 : i32 to vector<16xi32>
        %shift_right_arithmetic3A_610 = arith.shrsi %get3A_603, %shift_right_arithmetic3A_609 : vector<16xi32>
        %and3A_611 = arith.constant 65535 : i32
        %and3A_612 = vector.broadcast %and3A_611 : i32 to vector<16xi32>
        %and3A_613 = arith.andi %shift_right_arithmetic3A_610, %and3A_612 : vector<16xi32>
        %shift_right_arithmetic3A_614 = vector.broadcast %mul3A_496 : i32 to vector<16xi32>
        %shift_right_arithmetic3A_615 = arith.shrsi %get3A_608, %shift_right_arithmetic3A_614 : vector<16xi32>
        %shift_left3A_616 = arith.constant 16 : i32
        %shift_left3A_617 = vector.broadcast %shift_left3A_616 : i32 to vector<16xi32>
        %shift_left3A_618 = arith.shli %shift_right_arithmetic3A_615, %shift_left3A_617 : vector<16xi32>
        %or3A_619 = arith.ori %and3A_613, %shift_left3A_618 : vector<16xi32>
        %swap3A_620 = arith.constant 1 : i32
        %swap3A_621 = arith.index_cast %swap3A_620 : i32 to index
        %swap3A_622 = arith.index_cast %mul3A_598 : i32 to index
        %swap3A_623 = tpu.vector_load %arg17[%swap3A_621, %swap3A_622] {strides = array<i32>} : memref<8x1024xi32, #tpu.memory_space<vmem>>, vector<1x16xi32>,
        %swap3A_624 = vector.shape_cast %swap3A_623 : vector<1x16xi32> to vector<16xi32>
        %swap3A_625 = vector.shape_cast %or3A_619 : vector<16xi32> to vector<1x16xi32>
        tpu.vector_store %arg17[%swap3A_621, %swap3A_622], %swap3A_625 {strides = array<i32>} : memref<8x1024xi32, #tpu.memory_space<vmem>>, vector<1x16xi32>,
        %mul3A_626 = arith.constant 8 : i32
        %mul3A_627 = arith.muli %add3A_528, %mul3A_626 : i32
        %add3A_628 = arith.constant 3 : i32
        %add3A_629 = arith.addi %mul3A_627, %add3A_628 : i32
        %mul3A_630 = arith.constant 16 : i32
        %mul3A_631 = arith.muli %add3A_629, %mul3A_630 : i32
        %get3A_632 = arith.constant 2 : i32
        %get3A_633 = arith.index_cast %get3A_632 : i32 to index
        %get3A_634 = arith.index_cast %mul3A_631 : i32 to index
        %get3A_635 = tpu.vector_load %arg15[%get3A_633, %get3A_634] {strides = array<i32>} : memref<16x1024xi32, #tpu.memory_space<vmem>>, vector<1x16xi32>,
        %get3A_636 = vector.shape_cast %get3A_635 : vector<1x16xi32> to vector<16xi32>
        %get3A_637 = arith.constant 3 : i32
        %get3A_638 = arith.index_cast %get3A_637 : i32 to index
        %get3A_639 = arith.index_cast %mul3A_631 : i32 to index
        %get3A_640 = tpu.vector_load %arg15[%get3A_638, %get3A_639] {strides = array<i32>} : memref<16x1024xi32, #tpu.memory_space<vmem>>, vector<1x16xi32>,
        %get3A_641 = vector.shape_cast %get3A_640 : vector<1x16xi32> to vector<16xi32>
        %shift_right_arithmetic3A_642 = vector.broadcast %mul3A_490 : i32 to vector<16xi32>
        %shift_right_arithmetic3A_643 = arith.shrsi %get3A_636, %shift_right_arithmetic3A_642 : vector<16xi32>
        %and3A_644 = arith.constant 65535 : i32
        %and3A_645 = vector.broadcast %and3A_644 : i32 to vector<16xi32>
        %and3A_646 = arith.andi %shift_right_arithmetic3A_643, %and3A_645 : vector<16xi32>
        %shift_right_arithmetic3A_647 = vector.broadcast %mul3A_496 : i32 to vector<16xi32>
        %shift_right_arithmetic3A_648 = arith.shrsi %get3A_641, %shift_right_arithmetic3A_647 : vector<16xi32>
        %shift_left3A_649 = arith.constant 16 : i32
        %shift_left3A_650 = vector.broadcast %shift_left3A_649 : i32 to vector<16xi32>
        %shift_left3A_651 = arith.shli %shift_right_arithmetic3A_648, %shift_left3A_650 : vector<16xi32>
        %or3A_652 = arith.ori %and3A_646, %shift_left3A_651 : vector<16xi32>
        %swap3A_653 = arith.constant 1 : i32
        %swap3A_654 = arith.index_cast %swap3A_653 : i32 to index
        %swap3A_655 = arith.index_cast %mul3A_631 : i32 to index
        %swap3A_656 = tpu.vector_load %arg17[%swap3A_654, %swap3A_655] {strides = array<i32>} : memref<8x1024xi32, #tpu.memory_space<vmem>>, vector<1x16xi32>,
        %swap3A_657 = vector.shape_cast %swap3A_656 : vector<1x16xi32> to vector<16xi32>
        %swap3A_658 = vector.shape_cast %or3A_652 : vector<16xi32> to vector<1x16xi32>
        tpu.vector_store %arg17[%swap3A_654, %swap3A_655], %swap3A_658 {strides = array<i32>} : memref<8x1024xi32, #tpu.memory_space<vmem>>, vector<1x16xi32>,
        %mul3A_659 = arith.constant 8 : i32
        %mul3A_660 = arith.muli %add3A_528, %mul3A_659 : i32
        %add3A_661 = arith.constant 4 : i32
        %add3A_662 = arith.addi %mul3A_660, %add3A_661 : i32
        %mul3A_663 = arith.constant 16 : i32
        %mul3A_664 = arith.muli %add3A_662, %mul3A_663 : i32
        %get3A_665 = arith.constant 2 : i32
        %get3A_666 = arith.index_cast %get3A_665 : i32 to index
        %get3A_667 = arith.index_cast %mul3A_664 : i32 to index
        %get3A_668 = tpu.vector_load %arg15[%get3A_666, %get3A_667] {strides = array<i32>} : memref<16x1024xi32, #tpu.memory_space<vmem>>, vector<1x16xi32>,
        %get3A_669 = vector.shape_cast %get3A_668 : vector<1x16xi32> to vector<16xi32>
        %get3A_670 = arith.constant 3 : i32
        %get3A_671 = arith.index_cast %get3A_670 : i32 to index
        %get3A_672 = arith.index_cast %mul3A_664 : i32 to index
        %get3A_673 = tpu.vector_load %arg15[%get3A_671, %get3A_672] {strides = array<i32>} : memref<16x1024xi32, #tpu.memory_space<vmem>>, vector<1x16xi32>,
        %get3A_674 = vector.shape_cast %get3A_673 : vector<1x16xi32> to vector<16xi32>
        %shift_right_arithmetic3A_675 = vector.broadcast %mul3A_490 : i32 to vector<16xi32>
        %shift_right_arithmetic3A_676 = arith.shrsi %get3A_669, %shift_right_arithmetic3A_675 : vector<16xi32>
        %and3A_677 = arith.constant 65535 : i32
        %and3A_678 = vector.broadcast %and3A_677 : i32 to vector<16xi32>
        %and3A_679 = arith.andi %shift_right_arithmetic3A_676, %and3A_678 : vector<16xi32>
        %shift_right_arithmetic3A_680 = vector.broadcast %mul3A_496 : i32 to vector<16xi32>
        %shift_right_arithmetic3A_681 = arith.shrsi %get3A_674, %shift_right_arithmetic3A_680 : vector<16xi32>
        %shift_left3A_682 = arith.constant 16 : i32
        %shift_left3A_683 = vector.broadcast %shift_left3A_682 : i32 to vector<16xi32>
        %shift_left3A_684 = arith.shli %shift_right_arithmetic3A_681, %shift_left3A_683 : vector<16xi32>
        %or3A_685 = arith.ori %and3A_679, %shift_left3A_684 : vector<16xi32>
        %swap3A_686 = arith.constant 1 : i32
        %swap3A_687 = arith.index_cast %swap3A_686 : i32 to index
        %swap3A_688 = arith.index_cast %mul3A_664 : i32 to index
        %swap3A_689 = tpu.vector_load %arg17[%swap3A_687, %swap3A_688] {strides = array<i32>} : memref<8x1024xi32, #tpu.memory_space<vmem>>, vector<1x16xi32>,
        %swap3A_690 = vector.shape_cast %swap3A_689 : vector<1x16xi32> to vector<16xi32>
        %swap3A_691 = vector.shape_cast %or3A_685 : vector<16xi32> to vector<1x16xi32>
        tpu.vector_store %arg17[%swap3A_687, %swap3A_688], %swap3A_691 {strides = array<i32>} : memref<8x1024xi32, #tpu.memory_space<vmem>>, vector<1x16xi32>,
        %mul3A_692 = arith.constant 8 : i32
        %mul3A_693 = arith.muli %add3A_528, %mul3A_692 : i32
        %add3A_694 = arith.constant 5 : i32
        %add3A_695 = arith.addi %mul3A_693, %add3A_694 : i32
        %mul3A_696 = arith.constant 16 : i32
        %mul3A_697 = arith.muli %add3A_695, %mul3A_696 : i32
        %get3A_698 = arith.constant 2 : i32
        %get3A_699 = arith.index_cast %get3A_698 : i32 to index
        %get3A_700 = arith.index_cast %mul3A_697 : i32 to index
        %get3A_701 = tpu.vector_load %arg15[%get3A_699, %get3A_700] {strides = array<i32>} : memref<16x1024xi32, #tpu.memory_space<vmem>>, vector<1x16xi32>,
        %get3A_702 = vector.shape_cast %get3A_701 : vector<1x16xi32> to vector<16xi32>
        %get3A_703 = arith.constant 3 : i32
        %get3A_704 = arith.index_cast %get3A_703 : i32 to index
        %get3A_705 = arith.index_cast %mul3A_697 : i32 to index
        %get3A_706 = tpu.vector_load %arg15[%get3A_704, %get3A_705] {strides = array<i32>} : memref<16x1024xi32, #tpu.memory_space<vmem>>, vector<1x16xi32>,
        %get3A_707 = vector.shape_cast %get3A_706 : vector<1x16xi32> to vector<16xi32>
        %shift_right_arithmetic3A_708 = vector.broadcast %mul3A_490 : i32 to vector<16xi32>
        %shift_right_arithmetic3A_709 = arith.shrsi %get3A_702, %shift_right_arithmetic3A_708 : vector<16xi32>
        %and3A_710 = arith.constant 65535 : i32
        %and3A_711 = vector.broadcast %and3A_710 : i32 to vector<16xi32>
        %and3A_712 = arith.andi %shift_right_arithmetic3A_709, %and3A_711 : vector<16xi32>
        %shift_right_arithmetic3A_713 = vector.broadcast %mul3A_496 : i32 to vector<16xi32>
        %shift_right_arithmetic3A_714 = arith.shrsi %get3A_707, %shift_right_arithmetic3A_713 : vector<16xi32>
        %shift_left3A_715 = arith.constant 16 : i32
        %shift_left3A_716 = vector.broadcast %shift_left3A_715 : i32 to vector<16xi32>
        %shift_left3A_717 = arith.shli %shift_right_arithmetic3A_714, %shift_left3A_716 : vector<16xi32>
        %or3A_718 = arith.ori %and3A_712, %shift_left3A_717 : vector<16xi32>
        %swap3A_719 = arith.constant 1 : i32
        %swap3A_720 = arith.index_cast %swap3A_719 : i32 to index
        %swap3A_721 = arith.index_cast %mul3A_697 : i32 to index
        %swap3A_722 = tpu.vector_load %arg17[%swap3A_720, %swap3A_721] {strides = array<i32>} : memref<8x1024xi32, #tpu.memory_space<vmem>>, vector<1x16xi32>,
        %swap3A_723 = vector.shape_cast %swap3A_722 : vector<1x16xi32> to vector<16xi32>
        %swap3A_724 = vector.shape_cast %or3A_718 : vector<16xi32> to vector<1x16xi32>
        tpu.vector_store %arg17[%swap3A_720, %swap3A_721], %swap3A_724 {strides = array<i32>} : memref<8x1024xi32, #tpu.memory_space<vmem>>, vector<1x16xi32>,
        %mul3A_725 = arith.constant 8 : i32
        %mul3A_726 = arith.muli %add3A_528, %mul3A_725 : i32
        %add3A_727 = arith.constant 6 : i32
        %add3A_728 = arith.addi %mul3A_726, %add3A_727 : i32
        %mul3A_729 = arith.constant 16 : i32
        %mul3A_730 = arith.muli %add3A_728, %mul3A_729 : i32
        %get3A_731 = arith.constant 2 : i32
        %get3A_732 = arith.index_cast %get3A_731 : i32 to index
        %get3A_733 = arith.index_cast %mul3A_730 : i32 to index
        %get3A_734 = tpu.vector_load %arg15[%get3A_732, %get3A_733] {strides = array<i32>} : memref<16x1024xi32, #tpu.memory_space<vmem>>, vector<1x16xi32>,
        %get3A_735 = vector.shape_cast %get3A_734 : vector<1x16xi32> to vector<16xi32>
        %get3A_736 = arith.constant 3 : i32
        %get3A_737 = arith.index_cast %get3A_736 : i32 to index
        %get3A_738 = arith.index_cast %mul3A_730 : i32 to index
        %get3A_739 = tpu.vector_load %arg15[%get3A_737, %get3A_738] {strides = array<i32>} : memref<16x1024xi32, #tpu.memory_space<vmem>>, vector<1x16xi32>,
        %get3A_740 = vector.shape_cast %get3A_739 : vector<1x16xi32> to vector<16xi32>
        %shift_right_arithmetic3A_741 = vector.broadcast %mul3A_490 : i32 to vector<16xi32>
        %shift_right_arithmetic3A_742 = arith.shrsi %get3A_735, %shift_right_arithmetic3A_741 : vector<16xi32>
        %and3A_743 = arith.constant 65535 : i32
        %and3A_744 = vector.broadcast %and3A_743 : i32 to vector<16xi32>
        %and3A_745 = arith.andi %shift_right_arithmetic3A_742, %and3A_744 : vector<16xi32>
        %shift_right_arithmetic3A_746 = vector.broadcast %mul3A_496 : i32 to vector<16xi32>
        %shift_right_arithmetic3A_747 = arith.shrsi %get3A_740, %shift_right_arithmetic3A_746 : vector<16xi32>
        %shift_left3A_748 = arith.constant 16 : i32
        %shift_left3A_749 = vector.broadcast %shift_left3A_748 : i32 to vector<16xi32>
        %shift_left3A_750 = arith.shli %shift_right_arithmetic3A_747, %shift_left3A_749 : vector<16xi32>
        %or3A_751 = arith.ori %and3A_745, %shift_left3A_750 : vector<16xi32>
        %swap3A_752 = arith.constant 1 : i32
        %swap3A_753 = arith.index_cast %swap3A_752 : i32 to index
        %swap3A_754 = arith.index_cast %mul3A_730 : i32 to index
        %swap3A_755 = tpu.vector_load %arg17[%swap3A_753, %swap3A_754] {strides = array<i32>} : memref<8x1024xi32, #tpu.memory_space<vmem>>, vector<1x16xi32>,
        %swap3A_756 = vector.shape_cast %swap3A_755 : vector<1x16xi32> to vector<16xi32>
        %swap3A_757 = vector.shape_cast %or3A_751 : vector<16xi32> to vector<1x16xi32>
        tpu.vector_store %arg17[%swap3A_753, %swap3A_754], %swap3A_757 {strides = array<i32>} : memref<8x1024xi32, #tpu.memory_space<vmem>>, vector<1x16xi32>,
        %mul3A_758 = arith.constant 8 : i32
        %mul3A_759 = arith.muli %add3A_528, %mul3A_758 : i32
        %add3A_760 = arith.constant 7 : i32
        %add3A_761 = arith.addi %mul3A_759, %add3A_760 : i32
        %mul3A_762 = arith.constant 16 : i32
        %mul3A_763 = arith.muli %add3A_761, %mul3A_762 : i32
        %get3A_764 = arith.constant 2 : i32
        %get3A_765 = arith.index_cast %get3A_764 : i32 to index
        %get3A_766 = arith.index_cast %mul3A_763 : i32 to index
        %get3A_767 = tpu.vector_load %arg15[%get3A_765, %get3A_766] {strides = array<i32>} : memref<16x1024xi32, #tpu.memory_space<vmem>>, vector<1x16xi32>,
        %get3A_768 = vector.shape_cast %get3A_767 : vector<1x16xi32> to vector<16xi32>
        %get3A_769 = arith.constant 3 : i32
        %get3A_770 = arith.index_cast %get3A_769 : i32 to index
        %get3A_771 = arith.index_cast %mul3A_763 : i32 to index
        %get3A_772 = tpu.vector_load %arg15[%get3A_770, %get3A_771] {strides = array<i32>} : memref<16x1024xi32, #tpu.memory_space<vmem>>, vector<1x16xi32>,
        %get3A_773 = vector.shape_cast %get3A_772 : vector<1x16xi32> to vector<16xi32>
        %shift_right_arithmetic3A_774 = vector.broadcast %mul3A_490 : i32 to vector<16xi32>
        %shift_right_arithmetic3A_775 = arith.shrsi %get3A_768, %shift_right_arithmetic3A_774 : vector<16xi32>
        %and3A_776 = arith.constant 65535 : i32
        %and3A_777 = vector.broadcast %and3A_776 : i32 to vector<16xi32>
        %and3A_778 = arith.andi %shift_right_arithmetic3A_775, %and3A_777 : vector<16xi32>
        %shift_right_arithmetic3A_779 = vector.broadcast %mul3A_496 : i32 to vector<16xi32>
        %shift_right_arithmetic3A_780 = arith.shrsi %get3A_773, %shift_right_arithmetic3A_779 : vector<16xi32>
        %shift_left3A_781 = arith.constant 16 : i32
        %shift_left3A_782 = vector.broadcast %shift_left3A_781 : i32 to vector<16xi32>
        %shift_left3A_783 = arith.shli %shift_right_arithmetic3A_780, %shift_left3A_782 : vector<16xi32>
        %or3A_784 = arith.ori %and3A_778, %shift_left3A_783 : vector<16xi32>
        %swap3A_785 = arith.constant 1 : i32
        %swap3A_786 = arith.index_cast %swap3A_785 : i32 to index
        %swap3A_787 = arith.index_cast %mul3A_763 : i32 to index
        %swap3A_788 = tpu.vector_load %arg17[%swap3A_786, %swap3A_787] {strides = array<i32>} : memref<8x1024xi32, #tpu.memory_space<vmem>>, vector<1x16xi32>,
        %swap3A_789 = vector.shape_cast %swap3A_788 : vector<1x16xi32> to vector<16xi32>
        %swap3A_790 = vector.shape_cast %or3A_784 : vector<16xi32> to vector<1x16xi32>
        tpu.vector_store %arg17[%swap3A_786, %swap3A_787], %swap3A_790 {strides = array<i32>} : memref<8x1024xi32, #tpu.memory_space<vmem>>, vector<1x16xi32>,
      }
      %scan3A_501 = arith.constant 8 : i32
      %add3A_502 = arith.constant 2 : i32
      %add3A_503 = arith.addi %add3A_421, %add3A_502 : i32
      %lt3A_504 = arith.constant 48 : i32
      %lt3A_505 = arith.cmpi slt, %add3A_503, %lt3A_504 : i32
      %convert_element_type3A_506 = arith.extui %lt3A_505 : i1 to i32
      %cond3A_507 = arith.constant 0 : i32
      %cond3A_508 = arith.cmpi ne, %convert_element_type3A_506, %cond3A_507 : i32
      scf.if %cond3A_508 {
        %add3A_524 = arith.constant 2 : i32
        %add3A_525 = arith.addi %add3A_421, %add3A_524 : i32
        %jit3A_526 = arith.constant 16 : i32
        %div3A_527 = arith.divsi %add3A_525, %jit3A_526 : i32
        %sign3A_528 = arith.constant 0 : i32
        %sign3A_529 = arith.cmpi sgt, %add3A_525, %sign3A_528 : i32
        %sign3A_530 = arith.extui %sign3A_529 : i1 to i32
        %sign3A_531 = arith.constant 0 : i32
        %sign3A_532 = arith.cmpi slt, %add3A_525, %sign3A_531 : i32
        %sign3A_533 = arith.extui %sign3A_532 : i1 to i32
        %sign3A_534 = arith.subi %sign3A_530, %sign3A_533 : i32
        %sign3A_535 = arith.constant 0 : i32
        %sign3A_536 = arith.cmpi sgt, %jit3A_526, %sign3A_535 : i32
        %sign3A_537 = arith.extui %sign3A_536 : i1 to i32
        %sign3A_538 = arith.constant 0 : i32
        %sign3A_539 = arith.cmpi slt, %jit3A_526, %sign3A_538 : i32
        %sign3A_540 = arith.extui %sign3A_539 : i1 to i32
        %sign3A_541 = arith.subi %sign3A_537, %sign3A_540 : i32
        %ne3A_542 = arith.cmpi ne, %sign3A_534, %sign3A_541 : i32
        %rem3A_543 = arith.remsi %add3A_525, %jit3A_526 : i32
        %ne3A_544 = arith.constant 0 : i32
        %ne3A_545 = arith.cmpi ne, %rem3A_543, %ne3A_544 : i32
        %and3A_546 = arith.andi %ne3A_542, %ne3A_545 : i1
        %sub3A_547 = arith.constant 1 : i32
        %sub3A_548 = arith.subi %div3A_527, %sub3A_547 : i32
        %select_n3A_549 = arith.select %and3A_546, %sub3A_548, %div3A_527 : i32
        %mul3A_550 = arith.constant 16 : i32
        %mul3A_551 = arith.muli %select_n3A_549, %mul3A_550 : i32
        %sub3A_552 = arith.subi %add3A_525, %mul3A_551 : i32
        %eq3A_553 = arith.constant 0 : i32
        %eq3A_554 = arith.cmpi eq, %select_n3A_549, %eq3A_553 : i32
        %convert_element_type3A_555 = arith.extui %eq3A_554 : i1 to i32
        %cond3A_556 = arith.constant 0 : i32
        %cond3A_557 = arith.cmpi ne, %convert_element_type3A_555, %cond3A_556 : i32
        scf.if %cond3A_557 {
          %mul3A_568 = arith.constant 16 : i32
          %mul3A_569 = arith.muli %sub3A_552, %mul3A_568 : i32
          %multiple_of3A_570 = tpu.assume_multiple %mul3A_569, 16 : i32
          %dma_start3A = tpu.memref_slice %arg13[%multiple_of3A_570] : memref<256xi32, #tpu.memory_space<vmem>> -> memref<16xi32, #tpu.memory_space<vmem>>
          %dma_start3A_571 = tpu.memref_bitcast %arg3 : memref<100000x1024xbf16, #tpu.memory_space<hbm>> -> memref<50000x1024xi32, #tpu.memory_space<hbm>>
          %dma_start3A_572 = arith.constant 0 : i32
          %dma_start3A_573 = arith.constant 0 : i32
          %dma_start3A_574 = tpu.memref_slice %dma_start3A_571[%dma_start3A_572, %dma_start3A_573] : memref<50000x1024xi32, #tpu.memory_space<hbm>> -> memref<50000x1024xi32, #tpu.memory_space<hbm>>
          tpu.enqueue_indirect_dma source(%dma_start3A_574 : memref<50000x1024xi32, #tpu.memory_space<hbm>>) target(%arg15 : memref<16x1024xi32, #tpu.memory_space<vmem>>) offsets(%dma_start3A : memref<16xi32, #tpu.memory_space<vmem>>) semaphore(%arg19 : memref<!tpu.dma_semaphore, #tpu.memory_space<semaphore_mem>>)
        } else {
        }
        %eq3A_558 = arith.constant 1 : i32
        %eq3A_559 = arith.cmpi eq, %select_n3A_549, %eq3A_558 : i32
        %convert_element_type3A_560 = arith.extui %eq3A_559 : i1 to i32
        %cond3A_561 = arith.constant 0 : i32
        %cond3A_562 = arith.cmpi ne, %convert_element_type3A_560, %cond3A_561 : i32
        scf.if %cond3A_562 {
          %mul3A_568 = arith.constant 16 : i32
          %mul3A_569 = arith.muli %sub3A_552, %mul3A_568 : i32
          %multiple_of3A_570 = tpu.assume_multiple %mul3A_569, 16 : i32
          %dma_start3A = tpu.memref_slice %arg13[%multiple_of3A_570] : memref<256xi32, #tpu.memory_space<vmem>> -> memref<16xi32, #tpu.memory_space<vmem>>
          %dma_start3A_571 = tpu.memref_bitcast %arg4 : memref<100000x1024xbf16, #tpu.memory_space<hbm>> -> memref<50000x1024xi32, #tpu.memory_space<hbm>>
          %dma_start3A_572 = arith.constant 0 : i32
          %dma_start3A_573 = arith.constant 0 : i32
          %dma_start3A_574 = tpu.memref_slice %dma_start3A_571[%dma_start3A_572, %dma_start3A_573] : memref<50000x1024xi32, #tpu.memory_space<hbm>> -> memref<50000x1024xi32, #tpu.memory_space<hbm>>
          tpu.enqueue_indirect_dma source(%dma_start3A_574 : memref<50000x1024xi32, #tpu.memory_space<hbm>>) target(%arg15 : memref<16x1024xi32, #tpu.memory_space<vmem>>) offsets(%dma_start3A : memref<16xi32, #tpu.memory_space<vmem>>) semaphore(%arg19 : memref<!tpu.dma_semaphore, #tpu.memory_space<semaphore_mem>>)
        } else {
        }
        %eq3A_563 = arith.constant 2 : i32
        %eq3A_564 = arith.cmpi eq, %select_n3A_549, %eq3A_563 : i32
        %convert_element_type3A_565 = arith.extui %eq3A_564 : i1 to i32
        %cond3A_566 = arith.constant 0 : i32
        %cond3A_567 = arith.cmpi ne, %convert_element_type3A_565, %cond3A_566 : i32
        scf.if %cond3A_567 {
          %mul3A_568 = arith.constant 16 : i32
          %mul3A_569 = arith.muli %sub3A_552, %mul3A_568 : i32
          %multiple_of3A_570 = tpu.assume_multiple %mul3A_569, 16 : i32
          %dma_start3A = tpu.memref_slice %arg13[%multiple_of3A_570] : memref<256xi32, #tpu.memory_space<vmem>> -> memref<16xi32, #tpu.memory_space<vmem>>
          %dma_start3A_571 = tpu.memref_bitcast %arg5 : memref<100000x1024xbf16, #tpu.memory_space<hbm>> -> memref<50000x1024xi32, #tpu.memory_space<hbm>>
          %dma_start3A_572 = arith.constant 0 : i32
          %dma_start3A_573 = arith.constant 0 : i32
          %dma_start3A_574 = tpu.memref_slice %dma_start3A_571[%dma_start3A_572, %dma_start3A_573] : memref<50000x1024xi32, #tpu.memory_space<hbm>> -> memref<50000x1024xi32, #tpu.memory_space<hbm>>
          tpu.enqueue_indirect_dma source(%dma_start3A_574 : memref<50000x1024xi32, #tpu.memory_space<hbm>>) target(%arg15 : memref<16x1024xi32, #tpu.memory_space<vmem>>) offsets(%dma_start3A : memref<16xi32, #tpu.memory_space<vmem>>) semaphore(%arg19 : memref<!tpu.dma_semaphore, #tpu.memory_space<semaphore_mem>>)
        } else {
        }
      } else {
      }
      %eq3A_509 = arith.constant 0 : i32
      %eq3A_510 = arith.cmpi eq, %select_n3A_445, %eq3A_509 : i32
      %convert_element_type3A_511 = arith.extui %eq3A_510 : i1 to i32
      %cond3A_512 = arith.constant 0 : i32
      %cond3A_513 = arith.cmpi ne, %convert_element_type3A_511, %cond3A_512 : i32
      scf.if %cond3A_513 {
        %mul3A_524 = arith.constant 8 : i32
        %mul3A_525 = arith.muli %sub3A_448, %mul3A_524 : i32
        %add3A_526 = arith.addi %mul3A_191, %mul3A_525 : i32
        %multiple_of3A_527 = tpu.assume_multiple %add3A_526, 8 : i32
        %dma_start3A = tpu.memref_bitcast %arg6 : memref<8192x1024xbf16, #tpu.memory_space<hbm>> -> memref<4096x1024xi32, #tpu.memory_space<hbm>>
        %dma_start3A_528 = arith.constant 0 : i32
        %dma_start3A_529 = tpu.memref_slice %dma_start3A[%multiple_of3A_527, %dma_start3A_528] : memref<4096x1024xi32, #tpu.memory_space<hbm>> -> memref<8x1024xi32, #tpu.memory_space<hbm>>
        %dma_start3A_530 = tpu.memref_bitcast %arg6 : memref<8192x1024xbf16, #tpu.memory_space<hbm>> -> memref<4096x1024xi32, #tpu.memory_space<hbm>>
        %dma_start3A_531 = arith.constant 0 : i32
        %dma_start3A_532 = tpu.memref_slice %dma_start3A_530[%multiple_of3A_527, %dma_start3A_531] : memref<4096x1024xi32, #tpu.memory_space<hbm>> -> memref<8x1024xi32, #tpu.memory_space<hbm>>
        tpu.enqueue_dma source(%arg17 : memref<8x1024xi32, #tpu.memory_space<vmem>>) target(%dma_start3A_532 : memref<8x1024xi32, #tpu.memory_space<hbm>>) target_semaphore(%arg21 : memref<!tpu.dma_semaphore, #tpu.memory_space<semaphore_mem>>)
        %mul3A_533 = arith.constant 8 : i32
        %mul3A_534 = arith.muli %sub3A_448, %mul3A_533 : i32
        %add3A_535 = arith.addi %mul3A_191, %mul3A_534 : i32
        %multiple_of3A_536 = tpu.assume_multiple %add3A_535, 8 : i32
        %dma_start3A_537 = tpu.memref_bitcast %arg9 : memref<8192x1024xbf16, #tpu.memory_space<hbm>> -> memref<4096x1024xi32, #tpu.memory_space<hbm>>
        %dma_start3A_538 = arith.constant 0 : i32
        %dma_start3A_539 = tpu.memref_slice %dma_start3A_537[%multiple_of3A_536, %dma_start3A_538] : memref<4096x1024xi32, #tpu.memory_space<hbm>> -> memref<8x1024xi32, #tpu.memory_space<hbm>>
        %dma_start3A_540 = tpu.memref_bitcast %arg9 : memref<8192x1024xbf16, #tpu.memory_space<hbm>> -> memref<4096x1024xi32, #tpu.memory_space<hbm>>
        %dma_start3A_541 = arith.constant 0 : i32
        %dma_start3A_542 = tpu.memref_slice %dma_start3A_540[%multiple_of3A_536, %dma_start3A_541] : memref<4096x1024xi32, #tpu.memory_space<hbm>> -> memref<8x1024xi32, #tpu.memory_space<hbm>>
        tpu.enqueue_dma source(%arg17 : memref<8x1024xi32, #tpu.memory_space<vmem>>) target(%dma_start3A_542 : memref<8x1024xi32, #tpu.memory_space<hbm>>) target_semaphore(%arg21 : memref<!tpu.dma_semaphore, #tpu.memory_space<semaphore_mem>>)
      } else {
      }
      %eq3A_514 = arith.constant 1 : i32
      %eq3A_515 = arith.cmpi eq, %select_n3A_445, %eq3A_514 : i32
      %convert_element_type3A_516 = arith.extui %eq3A_515 : i1 to i32
      %cond3A_517 = arith.constant 0 : i32
      %cond3A_518 = arith.cmpi ne, %convert_element_type3A_516, %cond3A_517 : i32
      scf.if %cond3A_518 {
        %mul3A_524 = arith.constant 8 : i32
        %mul3A_525 = arith.muli %sub3A_448, %mul3A_524 : i32
        %add3A_526 = arith.addi %mul3A_191, %mul3A_525 : i32
        %multiple_of3A_527 = tpu.assume_multiple %add3A_526, 8 : i32
        %dma_start3A = tpu.memref_bitcast %arg7 : memref<8192x1024xbf16, #tpu.memory_space<hbm>> -> memref<4096x1024xi32, #tpu.memory_space<hbm>>
        %dma_start3A_528 = arith.constant 0 : i32
        %dma_start3A_529 = tpu.memref_slice %dma_start3A[%multiple_of3A_527, %dma_start3A_528] : memref<4096x1024xi32, #tpu.memory_space<hbm>> -> memref<8x1024xi32, #tpu.memory_space<hbm>>
        %dma_start3A_530 = tpu.memref_bitcast %arg7 : memref<8192x1024xbf16, #tpu.memory_space<hbm>> -> memref<4096x1024xi32, #tpu.memory_space<hbm>>
        %dma_start3A_531 = arith.constant 0 : i32
        %dma_start3A_532 = tpu.memref_slice %dma_start3A_530[%multiple_of3A_527, %dma_start3A_531] : memref<4096x1024xi32, #tpu.memory_space<hbm>> -> memref<8x1024xi32, #tpu.memory_space<hbm>>
        tpu.enqueue_dma source(%arg17 : memref<8x1024xi32, #tpu.memory_space<vmem>>) target(%dma_start3A_532 : memref<8x1024xi32, #tpu.memory_space<hbm>>) target_semaphore(%arg21 : memref<!tpu.dma_semaphore, #tpu.memory_space<semaphore_mem>>)
        %mul3A_533 = arith.constant 8 : i32
        %mul3A_534 = arith.muli %sub3A_448, %mul3A_533 : i32
        %add3A_535 = arith.addi %mul3A_191, %mul3A_534 : i32
        %multiple_of3A_536 = tpu.assume_multiple %add3A_535, 8 : i32
        %dma_start3A_537 = tpu.memref_bitcast %arg10 : memref<8192x1024xbf16, #tpu.memory_space<hbm>> -> memref<4096x1024xi32, #tpu.memory_space<hbm>>
        %dma_start3A_538 = arith.constant 0 : i32
        %dma_start3A_539 = tpu.memref_slice %dma_start3A_537[%multiple_of3A_536, %dma_start3A_538] : memref<4096x1024xi32, #tpu.memory_space<hbm>> -> memref<8x1024xi32, #tpu.memory_space<hbm>>
        %dma_start3A_540 = tpu.memref_bitcast %arg10 : memref<8192x1024xbf16, #tpu.memory_space<hbm>> -> memref<4096x1024xi32, #tpu.memory_space<hbm>>
        %dma_start3A_541 = arith.constant 0 : i32
        %dma_start3A_542 = tpu.memref_slice %dma_start3A_540[%multiple_of3A_536, %dma_start3A_541] : memref<4096x1024xi32, #tpu.memory_space<hbm>> -> memref<8x1024xi32, #tpu.memory_space<hbm>>
        tpu.enqueue_dma source(%arg17 : memref<8x1024xi32, #tpu.memory_space<vmem>>) target(%dma_start3A_542 : memref<8x1024xi32, #tpu.memory_space<hbm>>) target_semaphore(%arg21 : memref<!tpu.dma_semaphore, #tpu.memory_space<semaphore_mem>>)
      } else {
      }
      %eq3A_519 = arith.constant 2 : i32
      %eq3A_520 = arith.cmpi eq, %select_n3A_445, %eq3A_519 : i32
      %convert_element_type3A_521 = arith.extui %eq3A_520 : i1 to i32
      %cond3A_522 = arith.constant 0 : i32
      %cond3A_523 = arith.cmpi ne, %convert_element_type3A_521, %cond3A_522 : i32
      scf.if %cond3A_523 {
        %mul3A_524 = arith.constant 8 : i32
        %mul3A_525 = arith.muli %sub3A_448, %mul3A_524 : i32
        %add3A_526 = arith.addi %mul3A_191, %mul3A_525 : i32
        %multiple_of3A_527 = tpu.assume_multiple %add3A_526, 8 : i32
        %dma_start3A = tpu.memref_bitcast %arg8 : memref<8192x1024xbf16, #tpu.memory_space<hbm>> -> memref<4096x1024xi32, #tpu.memory_space<hbm>>
        %dma_start3A_528 = arith.constant 0 : i32
        %dma_start3A_529 = tpu.memref_slice %dma_start3A[%multiple_of3A_527, %dma_start3A_528] : memref<4096x1024xi32, #tpu.memory_space<hbm>> -> memref<8x1024xi32, #tpu.memory_space<hbm>>
        %dma_start3A_530 = tpu.memref_bitcast %arg8 : memref<8192x1024xbf16, #tpu.memory_space<hbm>> -> memref<4096x1024xi32, #tpu.memory_space<hbm>>
        %dma_start3A_531 = arith.constant 0 : i32
        %dma_start3A_532 = tpu.memref_slice %dma_start3A_530[%multiple_of3A_527, %dma_start3A_531] : memref<4096x1024xi32, #tpu.memory_space<hbm>> -> memref<8x1024xi32, #tpu.memory_space<hbm>>
        tpu.enqueue_dma source(%arg17 : memref<8x1024xi32, #tpu.memory_space<vmem>>) target(%dma_start3A_532 : memref<8x1024xi32, #tpu.memory_space<hbm>>) target_semaphore(%arg21 : memref<!tpu.dma_semaphore, #tpu.memory_space<semaphore_mem>>)
        %mul3A_533 = arith.constant 8 : i32
        %mul3A_534 = arith.muli %sub3A_448, %mul3A_533 : i32
        %add3A_535 = arith.addi %mul3A_191, %mul3A_534 : i32
        %multiple_of3A_536 = tpu.assume_multiple %add3A_535, 8 : i32
        %dma_start3A_537 = tpu.memref_bitcast %arg11 : memref<8192x1024xbf16, #tpu.memory_space<hbm>> -> memref<4096x1024xi32, #tpu.memory_space<hbm>>
        %dma_start3A_538 = arith.constant 0 : i32
        %dma_start3A_539 = tpu.memref_slice %dma_start3A_537[%multiple_of3A_536, %dma_start3A_538] : memref<4096x1024xi32, #tpu.memory_space<hbm>> -> memref<8x1024xi32, #tpu.memory_space<hbm>>
        %dma_start3A_540 = tpu.memref_bitcast %arg11 : memref<8192x1024xbf16, #tpu.memory_space<hbm>> -> memref<4096x1024xi32, #tpu.memory_space<hbm>>
        %dma_start3A_541 = arith.constant 0 : i32
        %dma_start3A_542 = tpu.memref_slice %dma_start3A_540[%multiple_of3A_536, %dma_start3A_541] : memref<4096x1024xi32, #tpu.memory_space<hbm>> -> memref<8x1024xi32, #tpu.memory_space<hbm>>
        tpu.enqueue_dma source(%arg17 : memref<8x1024xi32, #tpu.memory_space<vmem>>) target(%dma_start3A_542 : memref<8x1024xi32, #tpu.memory_space<hbm>>) target_semaphore(%arg21 : memref<!tpu.dma_semaphore, #tpu.memory_space<semaphore_mem>>)
      } else {
      }
    }
    %scan3A_281 = arith.constant 24 : i32
    %dma_wait3A = tpu.memref_bitcast %arg6 : memref<8192x1024xbf16, #tpu.memory_space<hbm>> -> memref<4096x1024xi32, #tpu.memory_space<hbm>>
    %dma_wait3A_282 = arith.constant 0 : i32
    %dma_wait3A_283 = arith.constant 0 : i32
    %dma_wait3A_284 = tpu.memref_slice %dma_wait3A[%dma_wait3A_282, %dma_wait3A_283] : memref<4096x1024xi32, #tpu.memory_space<hbm>> -> memref<8x1024xi32, #tpu.memory_space<hbm>>
    %dma_wait3A_285 = tpu.memref_bitcast %arg6 : memref<8192x1024xbf16, #tpu.memory_space<hbm>> -> memref<4096x1024xi32, #tpu.memory_space<hbm>>
    %dma_wait3A_286 = arith.constant 0 : i32
    %dma_wait3A_287 = arith.constant 0 : i32
    %dma_wait3A_288 = tpu.memref_slice %dma_wait3A_285[%dma_wait3A_286, %dma_wait3A_287] : memref<4096x1024xi32, #tpu.memory_space<hbm>> -> memref<8x1024xi32, #tpu.memory_space<hbm>>
    tpu.wait_dma2 semaphore(%arg20 : memref<!tpu.dma_semaphore, #tpu.memory_space<semaphore_mem>>) src(%arg16 : memref<8x1024xi32, #tpu.memory_space<vmem>>) dst(%dma_wait3A_288 : memref<8x1024xi32, #tpu.memory_space<hbm>>)
    %dma_wait3A_289 = tpu.memref_bitcast %arg6 : memref<8192x1024xbf16, #tpu.memory_space<hbm>> -> memref<4096x1024xi32, #tpu.memory_space<hbm>>
    %dma_wait3A_290 = arith.constant 0 : i32
    %dma_wait3A_291 = arith.constant 0 : i32
    %dma_wait3A_292 = tpu.memref_slice %dma_wait3A_289[%dma_wait3A_290, %dma_wait3A_291] : memref<4096x1024xi32, #tpu.memory_space<hbm>> -> memref<8x1024xi32, #tpu.memory_space<hbm>>
    %dma_wait3A_293 = tpu.memref_bitcast %arg6 : memref<8192x1024xbf16, #tpu.memory_space<hbm>> -> memref<4096x1024xi32, #tpu.memory_space<hbm>>
    %dma_wait3A_294 = arith.constant 0 : i32
    %dma_wait3A_295 = arith.constant 0 : i32
    %dma_wait3A_296 = tpu.memref_slice %dma_wait3A_293[%dma_wait3A_294, %dma_wait3A_295] : memref<4096x1024xi32, #tpu.memory_space<hbm>> -> memref<8x1024xi32, #tpu.memory_space<hbm>>
    tpu.wait_dma2 semaphore(%arg20 : memref<!tpu.dma_semaphore, #tpu.memory_space<semaphore_mem>>) src(%arg16 : memref<8x1024xi32, #tpu.memory_space<vmem>>) dst(%dma_wait3A_296 : memref<8x1024xi32, #tpu.memory_space<hbm>>)
    %dma_wait3A_297 = tpu.memref_bitcast %arg6 : memref<8192x1024xbf16, #tpu.memory_space<hbm>> -> memref<4096x1024xi32, #tpu.memory_space<hbm>>
    %dma_wait3A_298 = arith.constant 0 : i32
    %dma_wait3A_299 = arith.constant 0 : i32
    %dma_wait3A_300 = tpu.memref_slice %dma_wait3A_297[%dma_wait3A_298, %dma_wait3A_299] : memref<4096x1024xi32, #tpu.memory_space<hbm>> -> memref<8x1024xi32, #tpu.memory_space<hbm>>
    %dma_wait3A_301 = tpu.memref_bitcast %arg6 : memref<8192x1024xbf16, #tpu.memory_space<hbm>> -> memref<4096x1024xi32, #tpu.memory_space<hbm>>
    %dma_wait3A_302 = arith.constant 0 : i32
    %dma_wait3A_303 = arith.constant 0 : i32
    %dma_wait3A_304 = tpu.memref_slice %dma_wait3A_301[%dma_wait3A_302, %dma_wait3A_303] : memref<4096x1024xi32, #tpu.memory_space<hbm>> -> memref<8x1024xi32, #tpu.memory_space<hbm>>
    tpu.wait_dma2 semaphore(%arg21 : memref<!tpu.dma_semaphore, #tpu.memory_space<semaphore_mem>>) src(%arg17 : memref<8x1024xi32, #tpu.memory_space<vmem>>) dst(%dma_wait3A_304 : memref<8x1024xi32, #tpu.memory_space<hbm>>)
    %dma_wait3A_305 = tpu.memref_bitcast %arg6 : memref<8192x1024xbf16, #tpu.memory_space<hbm>> -> memref<4096x1024xi32, #tpu.memory_space<hbm>>
    %dma_wait3A_306 = arith.constant 0 : i32
    %dma_wait3A_307 = arith.constant 0 : i32
    %dma_wait3A_308 = tpu.memref_slice %dma_wait3A_305[%dma_wait3A_306, %dma_wait3A_307] : memref<4096x1024xi32, #tpu.memory_space<hbm>> -> memref<8x1024xi32, #tpu.memory_space<hbm>>
    %dma_wait3A_309 = tpu.memref_bitcast %arg6 : memref<8192x1024xbf16, #tpu.memory_space<hbm>> -> memref<4096x1024xi32, #tpu.memory_space<hbm>>
    %dma_wait3A_310 = arith.constant 0 : i32
    %dma_wait3A_311 = arith.constant 0 : i32
    %dma_wait3A_312 = tpu.memref_slice %dma_wait3A_309[%dma_wait3A_310, %dma_wait3A_311] : memref<4096x1024xi32, #tpu.memory_space<hbm>> -> memref<8x1024xi32, #tpu.memory_space<hbm>>
    tpu.wait_dma2 semaphore(%arg21 : memref<!tpu.dma_semaphore, #tpu.memory_space<semaphore_mem>>) src(%arg17 : memref<8x1024xi32, #tpu.memory_space<vmem>>) dst(%dma_wait3A_312 : memref<8x1024xi32, #tpu.memory_space<hbm>>)
    return
  }
}

</mosaic_0001>

<sc_bundles>
// kernel: _gather3.3.cloned.1.call-start
scs
__scs_entry_jumppad:
0x0: {  	(pc) =	sbr.rel $0x88, $3  }
0x1: {  	(tag) =	ssettag $0x0;
	lr =	simm.s32 $0x1  }
0x2: {  	[smem:$0x3F9D] =	sst lr;
	_ =	strace $0xD0000000  }
0x3: {  	_ = 	snop  }
0x4: {  	_ = 	snop  }
0x5: {  	_ = 	snop  }
0x6: {  	_ = 	snop  }
0x7: {  	_ = 	snop  }
__scs_overlays_trampoline_lowered:
0x8: {  	[smem:$0x3FAC] =	sst s0  }
0x9: {  	[smem:$0x3FAD] =	sst s1  }
0xa: {  	[smem:$0x3FAE] =	sst s2  }
0xb: {  	[smem:$0x3FAF] =	sst s3  }
0xc: {  	[smem:$0x3FB0] =	sst s4  }
0xd: {  	[smem:$0x3FB1] =	sst s5  }
0xe: {  	[smem:$0x3FB2] =	sst s6  }
0xf: {  	[smem:$0x3FB3] =	sst s7  }
0x10: {  	[smem:$0x3FB4] =	sst s8  }
0x11: {  	[smem:$0x3FB5] =	sst s9;
	s0 =	simm.s32 @!p0 $0x0  }
0x12: {  	s1 =	sld [smem:$0x3F9B];
	s0 =	simm.s32 @p0 $0x1  }
0x13: {  	[smem:$0x3FB6] =	sst s0;
	s0 =	simm.s32 @!p1 $0x0  }
0x14: {  	s2 =	sld [smem:$0x3F9A];
	s0 =	simm.s32 @p1 $0x1  }
0x15: {  	[smem:$0x3FB7] =	sst s0;
	s0 =	simm.s32 @!p2 $0x0  }
0x16: {  	s3 =	sld [smem:$0x3FDB];
	s0 =	simm.s32 @p2 $0x1  }
0x17: {  	s4 =	simm.s32 $0x1BF5;
	[smem:$0x3FB9] =	sst s0  }
0x18: {  	s0 =	sld [smem:$0x3F9C];
	_ =	swait.ge [sflag:s4], $0x0  }
0x19: {  	s7 =	sld [smem:$0x3F9D]  }
0x1a: {  	s8 =	sadd.s32 $0xFFFFE003, lr  }
0x1b: {  	s9 =	sadd.s32 $0xFFFFFEF7, lr;
	s5 =	simm.s32 $0xFFFFFFFF;
	p2 =	slt.u32 s8, $0xFFFFF086  }
0x1c: {  	p1 =	slt.u32 s9, $0xF7A;
	s5 =	simm.s32 @!p2 $0x0  }
0x1d: {  	s5 =	simm.s32 @p1 $0x1;
	p0 =	seq.s32 s7, s2  }
0x1e: {  	s7 =	smul.u32 @!p0 $0xF7A, s2;
	p2 =	seq.s32 @!p0 s5, $0x0  }
0x1f: {  	s9 =	smul.u32 $0xF7A, s1;
	s8 =	simm.s32 @!p0 $0x1BF5;
	p2 =	por !p2, p0  }
0x20: {  	[sflag:s8] =	ssyncset.s32 @!p0 $0xFFFFF086;
	s6 =	sadd.s32 @!p0 s3, s7;
	s7 =	simm.s32 @!p0 $0x108  }
0x21: {  	s3 =	sadd.s32 s3, s9;
	s6 =	sadd.s32 @!p0 $0x88, s6;
	s7 =	simm.s32 @p2 $0x1082  }
0x22: {  	[simem:s7], [sflag:s8] =	dma.local @!p0 [hbm:s6], $0xF7A  }
0x23: {  	s9 =	sor.u32 $0xD0000000, s2;
	s6 =	simm.s32 $0x108;
	_ =	swait.ge @!p0 [sflag:s8], $0x0  }
0x24: {  	s3 =	sadd.s32 $0x88, s3;
	s6 =	simm.s32 @!p1 $0x1082;
	[sflag:s4] =	ssyncset.s32 $0xFFFFF086  }
0x25: {  	[simem:s6], [sflag:s4] =	dma.local [hbm:s3], $0xF7A  }
0x26: {  	[smem:$0x3F9D] =	sst s1;
	(tag) =	ssettag s2;
	_ =	strace s9  }
0x27: {  	s1 =	sld [smem:$0x3FAD]  }
0x28: {  	s2 =	sld [smem:$0x3FAE]  }
0x29: {  	s4 =	sld [smem:$0x3FB0]  }
0x2a: {  	p0 =	seq.s32 s5, $0x0;
	s5 =	sld [smem:$0x3FB1]  }
0x2b: {  	s6 =	sld [smem:$0x3FB2]  }
0x2c: {  	s7 =	sld [smem:$0x3FB3]  }
0x2d: {  	s3 =	simm.s32 $0x108;
	s8 =	sld [smem:$0x3FB4]  }
0x2e: {  	s3 =	simm.s32 @!p0 $0x1082;
	s9 =	sld [smem:$0x3FB5]  }
0x2f: {  	lr =	sadd.s32 s0, s3;
	s0 =	sld [smem:$0x3FAC]  }
0x30: {  	s3 =	sld [smem:$0x3FAF]  }
0x31: {  	[smem:$0x3FB8] =	sst s10  }
0x32: {  	s10 =	sld [smem:$0x3FB6];
	_ =	sdelay $0x3  }
0x33: {  	p0 =	seq.s32 s10, $0x1;
	s10 =	sld [smem:$0x3FB8];
	_ =	sdelay $0x3  }
0x34: {  	[smem:$0x3FB8] =	sst s10  }
0x35: {  	s10 =	sld [smem:$0x3FB7];
	_ =	sdelay $0x3  }
0x36: {  	p1 =	seq.s32 s10, $0x1;
	s10 =	sld [smem:$0x3FB8];
	_ =	sdelay $0x3  }
0x37: {  	[smem:$0x3FB8] =	sst s10  }
0x38: {  	s10 =	sld [smem:$0x3FB9]  }
0x39: {  	_ = 	snop;
	(pc) =	sbr.ind lr, $3  }
0x3a: {  	_ = 	snop  }
0x3b: {  	_ = 	snop  }
0x3c: {  	p2 =	seq.s32 s10, $0x1;
	s10 =	sld [smem:$0x3FB8]  }
0x3d: {  	_ =	shalt  }
0x3e: {  	_ =	shalt  }
0x3f: {  	_ =	shalt  }
0x40: {  	_ =	shalt  }
0x41: {  	_ =	shalt  }
0x42: {  	_ =	shalt  }
0x43: {  	_ =	shalt  }
0x44: {  	_ =	shalt  }
0x45: {  	_ =	shalt  }
0x46: {  	_ =	shalt  }
0x47: {  	_ =	shalt  }
0x48: {  	_ =	shalt  }
0x49: {  	_ =	shalt  }
0x4a: {  	_ =	shalt  }
0x4b: {  	_ =	shalt  }
0x4c: {  	_ =	shalt  }
0x4d: {  	_ =	shalt  }
0x4e: {  	_ =	shalt  }
0x4f: {  	_ =	shalt  }
0x50: {  	_ =	shalt  }
0x51: {  	_ =	shalt  }
0x52: {  	_ =	shalt  }
0x53: {  	_ =	shalt  }
0x54: {  	_ =	shalt  }
0x55: {  	_ =	shalt  }
0x56: {  	_ =	shalt  }
0x57: {  	_ =	shalt  }
0x58: {  	_ =	shalt  }
0x59: {  	_ =	shalt  }
0x5a: {  	_ =	shalt  }
0x5b: {  	_ =	shalt  }
0x5c: {  	_ =	shalt  }
0x5d: {  	_ =	shalt  }
0x5e: {  	_ =	shalt  }
0x5f: {  	_ =	shalt  }
0x60: {  	_ =	shalt  }
0x61: {  	_ =	shalt  }
0x62: {  	_ =	shalt  }
0x63: {  	_ =	shalt  }
0x64: {  	_ =	shalt  }
0x65: {  	_ =	shalt  }
0x66: {  	_ =	shalt  }
0x67: {  	_ =	shalt  }
0x68: {  	_ =	shalt  }
0x69: {  	_ =	shalt  }
0x6a: {  	_ =	shalt  }
0x6b: {  	_ =	shalt  }
0x6c: {  	_ =	shalt  }
0x6d: {  	_ =	shalt  }
0x6e: {  	_ =	shalt  }
0x6f: {  	_ =	shalt  }
0x70: {  	_ =	shalt  }
0x71: {  	_ =	shalt  }
0x72: {  	_ =	shalt  }
0x73: {  	_ =	shalt  }
0x74: {  	_ =	shalt  }
0x75: {  	_ =	shalt  }
0x76: {  	_ =	shalt  }
0x77: {  	_ =	shalt  }
0x78: {  	_ =	shalt  }
0x79: {  	_ =	shalt  }
0x7a: {  	_ =	shalt  }
0x7b: {  	_ =	shalt  }
0x7c: {  	_ =	shalt  }
0x7d: {  	_ =	shalt  }
0x7e: {  	_ =	shalt  }
0x7f: {  	_ =	shalt  }
0x80: {  	_ =	shalt  }
0x81: {  	_ =	shalt  }
0x82: {  	_ =	shalt  }
0x83: {  	_ =	shalt  }
0x84: {  	_ =	shalt  }
0x85: {  	_ =	shalt  }
0x86: {  	_ =	shalt  }
0x87: {  	_ =	shalt  }
.Lfunc_end0:
.L_simem_size_0:
called_computation_lowered:
.L_overlay_start_0:
0x88: {  	s2 =	sld [smem:$0x3FD9]  }
0x89: {  	s3 =	sld [smem:$0x3FFE];
	_ =	sdelay $0x1  }
0x8a: {  	s1 =	srdreg.scid  }
0x8b: {  	s0 =	sand.u32 $0x1, s1  }
0x8c: {  	s15 =	sshll.u32 s0, $0xA;
	s2 =	sadd.s32 s3, s2  }
0x8d: {  	s2 =	sadd.s32 s2, s15  }
0x8e: {  	[smem:$0x3FC4] =	sst s2  }
0x8f: {  	_ = 	snop  }
0x90: {  	s2 =	sld [smem:$0x3FC9]  }
0x91: {  	s16 =	sld [smem:$0x3FD0]  }
0x92: {  	s4 =	sld [smem:$0x3FC8]  }
0x93: {  	s5 =	sld [smem:$0x3FC7]  }
0x94: {  	s7 =	simm.s32 $0xA;
	s8 =	simm.s32 $0x10;
	s6 =	sld [smem:$0x3FC6]  }
0x95: {  	[smem:s8], [sflag:s7] =	dma.local [hbm:s16], $0x1  }
0x96: {  	_ =	swait.eq [sflag:s7], $0x1  }
0x97: {  	s17 =	sld [smem:$0x10]  }
0x98: {  	s18 =	sld [smem:$0x11]  }
0x99: {  	s9 =	sld [smem:$0x12]  }
0x9a: {  	s10 =	sld [smem:$0x13];
	[sflag:s7] =	ssyncset.done $0x0  }
0x9b: {  	s11 =	sld [smem:$0x14];
	[sflag:s7] =	ssyncadd.s32 $0xFFFFFFFF  }
0x9c: {  	s19 =	sld [smem:$0x15];
	(tm) =	ssettm $0x1  }
0x9d: {  	s12 =	sld [smem:$0x3FFB];
	_ =	sdelay $0x3  }
0x9e: {  	_ =	strace s12  }
0x9f: {  	s12 =	sld [smem:$0x3FFC];
	_ =	sdelay $0x3  }
0xa0: {  	_ =	strace s12  }
0xa1: {  	s12 =	sld [smem:$0x3FFD];
	_ =	sdelay $0x3  }
0xa2: {  	_ =	strace s12  }
0xa3: {  	_ =	strace $0x8FFFFFFF  }
0xa4: {  	s20 =	sld [smem:$0x3FDB];
	_ =	sdelay $0x1  }
0xa5: {  	s13 =	simm.s32 $_scs_section_size  }
0xa6: {  	s14 =	simm.s32 $_size__tile_overlayer_lowered;
	s15 =	simm.s32 $_tile_overlayer_lowered  }
0xa7: {  	s23 =	simm.s32 $0x1BFF;
	s22 =	sshll.u32 s15, $0x1;
	s12 =	sadd.s32 s13, s20  }
0xa8: {  	s21 =	sshll.u32 s14, $0x1;
	s16 =	simm.s32 $0x0;
	s14 =	sadd.s32 s22, s12  }
0xa9: {  	[timem:s16], [sflag:s23] =	dma.local [hbm:s14], s21  }
0xaa: {  	_ =	swait.ge [sflag:s23], s21  }
0xab: {  	s13 =	ssub.s32 $0x0, s21;
	[sflag:s23] =	ssyncset.done $0x0  }
0xac: {  	[sflag:s23] =	ssyncadd.s32 s13;
	_ =	sdelay $0x1  }
0xad: {  	s24 =	simm.s32 $0x1B8B  }
0xae: {  	_ =	swait.ge [sflag:s24], $0x1  }
0xaf: {  	[sflag:s24] =	ssyncset.done $0x0  }
0xb0: {  	s25 =	simm.s32 $0x1B8E;
	[sflag:s24] =	ssyncadd.s32 $0xFFFFFFFF  }
0xb1: {  	s26 =	simm.s32 $execute0_lowered;
	[smem:$0x3FD2] =	sst s25  }
0xb2: {  	s13 =	sshll.u32 s26, $0x1;
	_ =	strace $0x80000046;
	[dreg:$0x1] =	wrdreg $0xFFFFFFFF  }
0xb3: {  	s28 =	simm.s32 $_size_execute0_lowered;
	s12 =	sadd.s32 s12, s13;
	[dreg:$0x0] =	wrdreg $0x0  }
0xb4: {  	s13 =	sshll.u32 s28, $0x1;
	[dreg:$0x2] =	wrdreg s12  }
0xb5: {  	[dreg:$0x3] =	wrdreg s13  }
0xb6: {  	[dreg:$0x4] =	wrdreg $0xC0  }
0xb7: {  	_ =	task [dreg:s16], $0x5FFFF  }
0xb8: {  	[dreg:$0x1] =	wrdreg $0xFFFFFFFF  }
0xb9: {  	[dreg:$0x0] =	wrdreg $0x60  }
0xba: {  	[dreg:$0x2] =	wrdreg s2  }
0xbb: {  	[dreg:$0x3] =	wrdreg s4  }
0xbc: {  	[dreg:$0x4] =	wrdreg s5  }
0xbd: {  	[dreg:$0x5] =	wrdreg s6  }
0xbe: {  	[dreg:$0x6] =	wrdreg s17  }
0xbf: {  	[dreg:$0x7] =	wrdreg s18  }
0xc0: {  	[dreg:$0x8] =	wrdreg s9  }
0xc1: {  	[dreg:$0x9] =	wrdreg s10  }
0xc2: {  	[dreg:$0xa] =	wrdreg s11  }
0xc3: {  	[dreg:$0xb] =	wrdreg s19  }
0xc4: {  	[dreg:$0xc] =	wrdreg $0x9  }
0xc5: {  	_ =	task.clear_ibuf [dreg:s16], $0xDFFFF;
	_ =	strace $0x90000046  }
0xc6: {  	s29 =	simm.s32 $0x9;
	_ =	strace $0x80000048  }
0xc7: {  	_ =	swait.ge [sflag:s29], $0x1  }
0xc8: {  	[sflag:s29] =	ssyncadd.s32 $0xFFFFFFFF  }
0xc9: {  	_ =	strace $0x90000048  }
0xca: {  	_ =	sfence  }
0xcb: {  	s30 =	sld [smem:$0x0];
	_ =	sdelay $0x2  }
0xcc: {  	s31 =	sshll.u32 s1, $0xD;
	s1 =	sshrl.u32 s1, $0x2  }
0xcd: {  	s3 =	sand.u32 $0x4000, s31;
	s1 =	sadd.s32 s1, s30  }
0xce: {  	s0 =	sor.u32 s3, s0;
	s1 =	sshll.u32 s1, $0x11  }
0xcf: {  	s0 =	sor.u32 s1, s0  }
0xd0: {  	s0 =	sadd.s32 $0x8F2B, s0  }
0xd1: {  	[sflag:s0] =	ssyncadd.remote.s32 $0x1  }
0xd2: {  	_ =	sfence.sel $0xFFFF  }
0xd3: {  	[dreg:$0x0] =	wrdreg $0xFFFFFFFF;
	(pc) =	sbr.abs _section_cstart, $3  }
0xd4: {  	[dreg:$0x1] =	wrdreg $0xFFFFFFFF  }
0xd5: {  	_ =	task.clear_ibuf [dreg:s16], $0x2FFFF;
	_ =	strace $0x9FFFFFFF  }
0xd6: {  	(tm) =	ssettm $0x7FFFFFFF  }
0xd7: {  	_ =	shalt  }
tec
execute0_lowered:
.L_overlay_start_1:
0x0: {  	(tag) =	ssettag $0x1  }
0x1: {  	s0 =	rddreg [dreg:$0x0]  }
0x2: {  	s6 =	rddreg [dreg:$0x1]  }
0x3: {  	s7 =	rddreg [dreg:$0x2]  }
0x4: {  	s8 =	rddreg [dreg:$0x3]  }
0x5: {  	s1 =	srdreg.scid;
	s3 =	stileid.u32;
	s11 =	simm.s32 $0x0  }
0x6: {  	s28 =	simm.s32 $0x8E00;
	s29 =	simm.s32 $0x9200;
	s30 =	simm.s32 $0x9600  }
0x7: {  	s31 =	simm.s32 $0x9A00;
	s9 =	simm.s32 $0xA200;
	s12 =	simm.s32 $0x0  }
0x8: {  	s1 =	sand.u32 $0x1, s1;
	[smem:$0x7FF] =	sst s11;
	s17 =	sadd.s32 $0x80, s6  }
0x9: {  	s18 =	sadd.s32 $0x100, s6;
	_ =	strace $0x80000047;
	[dreg:$0xc] =	wrdreg s17  }
0xa: {  	s2 =	sshll.u32 s3, $0x1;
	s19 =	sadd.s32 $0x180, s6;
	[dreg:$0xd] =	wrdreg s18  }
0xb: {  	s3 =	sshll.u32 s3, $0x2;
	s20 =	sadd.s32 $0x80, s8;
	[dreg:$0xe] =	wrdreg s19  }
0xc: {  	s21 =	sadd.s32 $0x100, s8;
	s22 =	sadd.s32 $0x180, s8;
	[dreg:$0xf] =	wrdreg s20  }
0xd: {  	s23 =	sadd.s32 $0x80, s7;
	s24 =	sadd.s32 $0x100, s7;
	[dreg:$0x10] =	wrdreg s21  }
0xe: {  	s25 =	sadd.s32 $0x180, s7;
	s8 =	simm.s32 $0x1;
	[dreg:$0x11] =	wrdreg s22  }
0xf: {  	s7 =	simm.s32 $0xB600;
	s2 =	sor.u32 s1, s2;
	[dreg:$0x12] =	wrdreg s23  }
0x10: {  	s1 =	ssub.s32 $0x2, s1;
	s3 =	sand.u32 $0x30, s3;
	[dreg:$0x13] =	wrdreg s24  }
0x11: {  	[dreg:$0x14] =	wrdreg s25;
	s25 =	simm.s32 $0x200;
	s24 =	simm.s32 $0x1000  }
0x12: {  	s23 =	simm.s32 $0x8600;
	s17 =	simm.s32 $0xBA00;
	s18 =	simm.s32 $0xBE00  }
0x13: {  	s4 =	sshll.u32 s2, $0x7;
	s5 =	sshrl.u32 s1, $0x1;
	s0 =	sadd.s32 s0, s3  }
.Ltmp0:
0x14: {  	s13 =	sshll.u32 s2, $0x11;
	s3 =	simm.s32 $0x9E00;
	(pc) =	sbr.rel .LBB2_1-.Ltmp0, $4  }
0x15: {  	s2 =	simm.s32 $0xAA00;
	s4 =	sand.u32 $0x380, s4;
	s1 =	ssub.s32 s1, s5  }
0x16: {  	v2 =	vlaneseq.u32;
	s5 =	simm.s32 $0x2;
	s0 =	sadd.s32 s4, s0;
	s26 =	smax.u32 s1, $0x1  }
0x17: {  	vm0 =	vmmov $0xffff;
	v1 =	vshrl.u32 v2, $0x3;
	s1 =	simm.s32 $0xA600;
	s4 =	simm.s32 $0xB200;
	[dreg:$0xb] =	wrdreg s0  }
0x18: {  	v0 =	vand.u32 $0x7, v2;
	v2 =	vor.u32 $0x8, v2;
	v1 =	vmul.u32 $0x4, v1;
	[dreg:$0x15] =	wrdreg s26;
	s26 =	simm.s32 $0x8A00;
	s0 =	simm.s32 $0xAE00  }
.LBB2_37:
0x19: {  	s6 =	simm.s32 $0x3  }
0x1a: {  	_ =	swait.ge [sflag:s6], $0x2000  }
0x1b: {  	[sflag:s6] =	ssyncset.done $0x0  }
0x1c: {  	[sflag:s6] =	ssyncadd.s32 $0xFFFFE000  }
0x1d: {  	_ =	swait.ge [sflag:s6], $0x2000  }
0x1e: {  	[sflag:s6] =	ssyncset.done $0x0  }
0x1f: {  	s10 =	simm.s32 $0x4;
	[sflag:s6] =	ssyncadd.s32 $0xFFFFE000  }
0x20: {  	_ =	swait.ge [sflag:s10], $0x2000  }
0x21: {  	[sflag:s10] =	ssyncset.done $0x0  }
0x22: {  	[sflag:s10] =	ssyncadd.s32 $0xFFFFE000  }
0x23: {  	_ =	swait.ge [sflag:s10], $0x2000  }
0x24: {  	s12 =	rddreg [dreg:$0x16]  }
0x25: {  	s22 =	rddreg [dreg:$0x15];
	s12 =	sadd.s32 $0x1, s12  }
0x26: {  	p0 =	sne.s32 s12, s22  }
.Ltmp1:
0x27: {  	_ = 	snop;
	(pc) =	sbr.rel @!p0 .LBB2_38-.Ltmp1, $3  }
0x28: {  	_ =	sdelay $0x1  }
0x29: {  	[sflag:s10] =	ssyncset.done $0x0  }
0x2a: {  	[sflag:s10] =	ssyncadd.s32 $0xFFFFE000  }
.LBB2_1:
0x2b: {  	[dreg:$0x16] =	wrdreg s12  }
0x2c: {  	s6 =	rddreg [dreg:$0xb];
	s10 =	simm.s32 $0x80;
	s20 =	simm.s32 $0x5  }
0x2d: {  	[tilespmem:s11], [sflag:$0x5] =	stream.strided.gather [hbm4b:s6+s10], $0x100, s25, s10, $0x38;
	[tilespmem:$0xC200] =	vst v63  }
0x2e: {  	_ =	swait.ge [sflag:s20], $0x100  }
0x2f: {  	[sflag:s20] =	ssyncset.done $0x0  }
0x30: {  	[sflag:s20] =	ssyncadd.s32 $0xFFFFFF00  }
0x31: {  	v3 =	vld [tilespmem:$0x0]  }
0x32: {  	v4 =	vld [tilespmem:$0x10]  }
0x33: {  	v5 =	vld [tilespmem:$0x20]  }
0x34: {  	v6 =	vld [tilespmem:$0x30]  }
0x35: {  	v7 =	vld [tilespmem:$0x40]  }
0x36: {  	v8 =	vld [tilespmem:$0x50];
	v3 =	vshra.s32 v3, $0x1  }
0x37: {  	v9 =	vld [tilespmem:$0x60];
	v4 =	vshra.s32 v4, $0x1;
	[tilespmem:$0x100] =	vst v3  }
0x38: {  	v40 =	vld [tilespmem:$0x70];
	v39 =	vshra.s32 v5, $0x1;
	[tilespmem:$0x110] =	vst v4  }
0x39: {  	v42 =	vld [tilespmem:$0x80];
	v41 =	vshra.s32 v6, $0x1;
	[tilespmem:$0x120] =	vst v39  }
0x3a: {  	v44 =	vld [tilespmem:$0x90];
	v43 =	vshra.s32 v7, $0x1;
	[tilespmem:$0x130] =	vst v41  }
0x3b: {  	v46 =	vld [tilespmem:$0xA0];
	v45 =	vshra.s32 v8, $0x1;
	[tilespmem:$0x140] =	vst v43  }
0x3c: {  	v48 =	vld [tilespmem:$0xB0];
	v47 =	vshra.s32 v9, $0x1;
	[tilespmem:$0x150] =	vst v45  }
0x3d: {  	v50 =	vld [tilespmem:$0xC0];
	v49 =	vshra.s32 v40, $0x1;
	[tilespmem:$0x160] =	vst v47;
	v10 =	vshll.u32 v3, $0x3  }
0x3e: {  	v52 =	vld [tilespmem:$0xD0];
	v51 =	vshra.s32 v42, $0x1;
	[tilespmem:$0x170] =	vst v49;
	v3 =	vand.u32 $0x3, v3;
	v10 =	vand.u32 $0xFFFFFFE0, v10  }
0x3f: {  	v54 =	vld [tilespmem:$0xE0];
	v53 =	vshra.s32 v44, $0x1;
	[tilespmem:$0x180] =	vst v51;
	v3 =	vor.u32 v3, v10  }
0x40: {  	v56 =	vld [tilespmem:$0xF0];
	v55 =	vshra.s32 v46, $0x1;
	[tilespmem:$0x190] =	vst v53;
	v10 =	vperm.xlane v3, v0  }
0x41: {  	v57 =	vshra.s32 v48, $0x1;
	[tilespmem:$0x1A0] =	vst v55  }
0x42: {  	v58 =	vshra.s32 v50, $0x1;
	[tilespmem:$0x1B0] =	vst v57;
	v59 =	vadd.s32 v1, v10  }
0x43: {  	v60 =	vshra.s32 v52, $0x1;
	[tilespmem:$0x1C0] =	vst v58  }
0x44: {  	v61 =	vshra.s32 v54, $0x1;
	[tilespmem:$0x1D0] =	vst v60  }
0x45: {  	v62 =	vshra.s32 v56, $0x1;
	[tilespmem:$0x1E0] =	vst v61  }
0x46: {  	s6 =	rddreg [dreg:$0x1];
	[tilespmem:$0x1F0] =	vst v62  }
0x47: {  	[tilespmem:s25], [sflag:$0x1] =	stream.indirect_vreg.gather [hbm4b:s6+s11], $0x80, v59, vm0, $0xb8;
	[tilespmem:$0xC200] =	vst v63  }
0x48: {  	s14 =	simm.s32 $0xA00;
	s10 =	rddreg [dreg:$0xc];
	v3 =	vperm.xlane v3, v2  }
0x49: {  	[tilespmem:s14], [sflag:$0x1] =	stream.indirect_vreg.gather [hbm4b:s10+s11], $0x80, v59, vm0, $0xb8;
	[tilespmem:$0xC200] =	vst v63  }
0x4a: {  	s15 =	simm.s32 $0x1200;
	v3 =	vadd.s32 v1, v3;
	s14 =	rddreg [dreg:$0xd]  }
0x4b: {  	[tilespmem:s15], [sflag:$0x1] =	stream.indirect_vreg.gather [hbm4b:s14+s11], $0x80, v59, vm0, $0xb8;
	[tilespmem:$0xC200] =	vst v63  }
0x4c: {  	s16 =	simm.s32 $0x1A00;
	s15 =	rddreg [dreg:$0xe]  }
0x4d: {  	[tilespmem:s16], [sflag:$0x1] =	stream.indirect_vreg.gather [hbm4b:s15+s11], $0x80, v59, vm0, $0xb8;
	[tilespmem:$0xC200] =	vst v63  }
0x4e: {  	s21 =	simm.s32 $0x2200  }
0x4f: {  	[tilespmem:s21], [sflag:$0x1] =	stream.indirect_vreg.gather [hbm4b:s6+s11], $0x80, v3, vm0, $0xb8;
	[tilespmem:$0xC200] =	vst v63  }
0x50: {  	s22 =	simm.s32 $0x2A00  }
0x51: {  	[tilespmem:s22], [sflag:$0x1] =	stream.indirect_vreg.gather [hbm4b:s10+s11], $0x80, v3, vm0, $0xb8;
	[tilespmem:$0xC200] =	vst v63  }
0x52: {  	s16 =	simm.s32 $0x3200  }
0x53: {  	[tilespmem:s16], [sflag:$0x1] =	stream.indirect_vreg.gather [hbm4b:s14+s11], $0x80, v3, vm0, $0xb8;
	[tilespmem:$0xC200] =	vst v63  }
0x54: {  	s19 =	simm.s32 $0x3A00  }
0x55: {  	[tilespmem:s19], [sflag:$0x1] =	stream.indirect_vreg.gather [hbm4b:s15+s11], $0x80, v3, vm0, $0xb8;
	[tilespmem:$0xC200] =	vst v63  }
0x56: {  	v3 =	vld [tilespmem:$0x110];
	_ =	sdelay $0x4  }
0x57: {  	v63 =	vshll.u32 v3, $0x3  }
0x58: {  	v3 =	vand.u32 $0x3, v3;
	v4 =	vand.u32 $0xFFFFFFE0, v63  }
0x59: {  	v3 =	vor.u32 v3, v4  }
0x5a: {  	v4 =	vperm.xlane v3, v0;
	_ =	sdelay $0x1  }
0x5b: {  	v4 =	vadd.s32 v1, v4;
	_ =	sdelay $0x3  }
0x5c: {  	s20 =	simm.s32 $0x4200  }
0x5d: {  	[tilespmem:s20], [sflag:$0x2] =	stream.indirect_vreg.gather [hbm4b:s6+s11], $0x80, v4, vm0, $0xb8;
	[tilespmem:$0xC200] =	vst v63  }
0x5e: {  	s21 =	simm.s32 $0x4A00;
	v3 =	vperm.xlane v3, v2  }
0x5f: {  	[tilespmem:s21], [sflag:$0x2] =	stream.indirect_vreg.gather [hbm4b:s10+s11], $0x80, v4, vm0, $0xb8;
	[tilespmem:$0xC200] =	vst v63  }
0x60: {  	s22 =	simm.s32 $0x5200;
	v3 =	vadd.s32 v1, v3  }
0x61: {  	[tilespmem:s22], [sflag:$0x2] =	stream.indirect_vreg.gather [hbm4b:s14+s11], $0x80, v4, vm0, $0xb8;
	[tilespmem:$0xC200] =	vst v63  }
0x62: {  	s16 =	simm.s32 $0x5A00  }
0x63: {  	[tilespmem:s16], [sflag:$0x2] =	stream.indirect_vreg.gather [hbm4b:s15+s11], $0x80, v4, vm0, $0xb8;
	[tilespmem:$0xC200] =	vst v63  }
0x64: {  	s19 =	simm.s32 $0x6200  }
0x65: {  	[tilespmem:s19], [sflag:$0x2] =	stream.indirect_vreg.gather [hbm4b:s6+s11], $0x80, v3, vm0, $0xb8;
	[tilespmem:$0xC200] =	vst v63  }
0x66: {  	s20 =	simm.s32 $0x6A00  }
0x67: {  	[tilespmem:s20], [sflag:$0x2] =	stream.indirect_vreg.gather [hbm4b:s10+s11], $0x80, v3, vm0, $0xb8;
	[tilespmem:$0xC200] =	vst v63  }
.Ltmp2:
0x68: {  	_ = 	snop;
	(pc) =	sbr.rel .LBB2_2-.Ltmp2, $4  }
0x69: {  	s21 =	simm.s32 $0x7200  }
0x6a: {  	[tilespmem:s21], [sflag:$0x2] =	stream.indirect_vreg.gather [hbm4b:s14+s11], $0x80, v3, vm0, $0xb8;
	[tilespmem:$0xC200] =	vst v63  }
0x6b: {  	s22 =	simm.s32 $0x7A00;
	s19 =	simm.s32 $0x0  }
0x6c: {  	[tilespmem:s22], [sflag:$0x2] =	stream.indirect_vreg.gather [hbm4b:s15+s11], $0x80, v3, vm0, $0xb8;
	[tilespmem:$0xC200] =	vst v63  }
.LBB2_34:
0x6d: {  	s14 =	rddreg [dreg:$0x6]  }
0x6e: {  	s10 =	rddreg [dreg:$0x9]  }
.LBB2_35:
0x6f: {  	s6 =	sshll.u32 s6, $0xD  }
0x70: {  	s6 =	sadd.s32 s13, s6  }
0x71: {  	s6 =	sshrl.u32 s6, $0x3  }
0x72: {  	s14 =	sadd.s32 s14, s6  }
0x73: {  	[hbm4b:s14+s25] =	stream.strided.scatter [tilespmem:s9], [sflag:$0x4], $0x400, s24, s25, $0x38;
	[tilespmem:$0xC200] =	vst v63  }
0x74: {  	s15 =	sadd.s32 $0x40, s14  }
0x75: {  	[hbm4b:s15+s25] =	stream.strided.scatter [tilespmem:s1], [sflag:$0x4], $0x400, s24, s25, $0x38;
	[tilespmem:$0xC200] =	vst v63  }
0x76: {  	s16 =	sadd.s32 $0x80, s14  }
0x77: {  	[hbm4b:s16+s25] =	stream.strided.scatter [tilespmem:s2], [sflag:$0x4], $0x400, s24, s25, $0x38;
	[tilespmem:$0xC200] =	vst v63  }
0x78: {  	s20 =	sadd.s32 $0xC0, s14  }
0x79: {  	[hbm4b:s20+s25] =	stream.strided.scatter [tilespmem:s0], [sflag:$0x4], $0x400, s24, s25, $0x38;
	[tilespmem:$0xC200] =	vst v63  }
0x7a: {  	s21 =	sadd.s32 $0x100, s14  }
0x7b: {  	[hbm4b:s21+s25] =	stream.strided.scatter [tilespmem:s4], [sflag:$0x4], $0x400, s24, s25, $0x38;
	[tilespmem:$0xC200] =	vst v63  }
0x7c: {  	s22 =	sadd.s32 $0x140, s14  }
0x7d: {  	[hbm4b:s22+s25] =	stream.strided.scatter [tilespmem:s7], [sflag:$0x4], $0x400, s24, s25, $0x38;
	[tilespmem:$0xC200] =	vst v63  }
0x7e: {  	s12 =	sadd.s32 $0x180, s14  }
0x7f: {  	[hbm4b:s12+s25] =	stream.strided.scatter [tilespmem:s17], [sflag:$0x4], $0x400, s24, s25, $0x38;
	[tilespmem:$0xC200] =	vst v63  }
0x80: {  	s14 =	sadd.s32 $0x1C0, s14  }
0x81: {  	[hbm4b:s14+s25] =	stream.strided.scatter [tilespmem:s18], [sflag:$0x4], $0x400, s24, s25, $0x38;
	[tilespmem:$0xC200] =	vst v63  }
0x82: {  	s6 =	sadd.s32 s10, s6  }
0x83: {  	[hbm4b:s6+s25] =	stream.strided.scatter [tilespmem:s9], [sflag:$0x4], $0x400, s24, s25, $0x38;
	[tilespmem:$0xC200] =	vst v63  }
0x84: {  	s10 =	sadd.s32 $0x40, s6  }
0x85: {  	[hbm4b:s10+s25] =	stream.strided.scatter [tilespmem:s1], [sflag:$0x4], $0x400, s24, s25, $0x38;
	[tilespmem:$0xC200] =	vst v63  }
0x86: {  	s15 =	sadd.s32 $0x80, s6  }
0x87: {  	[hbm4b:s15+s25] =	stream.strided.scatter [tilespmem:s2], [sflag:$0x4], $0x400, s24, s25, $0x38;
	[tilespmem:$0xC200] =	vst v63  }
0x88: {  	s16 =	sadd.s32 $0xC0, s6  }
0x89: {  	[hbm4b:s16+s25] =	stream.strided.scatter [tilespmem:s0], [sflag:$0x4], $0x400, s24, s25, $0x38;
	[tilespmem:$0xC200] =	vst v63  }
0x8a: {  	s20 =	sadd.s32 $0x100, s6  }
0x8b: {  	[hbm4b:s20+s25] =	stream.strided.scatter [tilespmem:s4], [sflag:$0x4], $0x400, s24, s25, $0x38;
	[tilespmem:$0xC200] =	vst v63  }
0x8c: {  	s21 =	sadd.s32 $0x140, s6  }
0x8d: {  	[hbm4b:s21+s25] =	stream.strided.scatter [tilespmem:s7], [sflag:$0x4], $0x400, s24, s25, $0x38;
	[tilespmem:$0xC200] =	vst v63  }
0x8e: {  	s22 =	sadd.s32 $0x180, s6  }
0x8f: {  	[hbm4b:s22+s25] =	stream.strided.scatter [tilespmem:s17], [sflag:$0x4], $0x400, s24, s25, $0x38;
	[tilespmem:$0xC200] =	vst v63  }
0x90: {  	s6 =	sadd.s32 $0x1C0, s6  }
0x91: {  	[hbm4b:s6+s25] =	stream.strided.scatter [tilespmem:s18], [sflag:$0x4], $0x400, s24, s25, $0x38;
	[tilespmem:$0xC200] =	vst v63  }
.LBB2_36:
0x92: {  	s19 =	sadd.s32 $0x1, s19  }
0x93: {  	p0 =	sne.s32 s19, $0x18  }
.Ltmp3:
0x94: {  	_ = 	snop;
	(pc) =	sbr.rel @!p0 .LBB2_37-.Ltmp3, $1  }
0x95: {  	_ =	sdelay $0x3  }
.LBB2_2:
0x96: {  	_ =	swait.ge [sflag:s8], $0x4000  }
0x97: {  	p0 =	seq.s32 s19, $0x0;
	[sflag:s8] =	ssyncset.done $0x0  }
0x98: {  	s10 =	simm.s32 @!p0 $0x3;
	[sflag:s8] =	ssyncadd.s32 $0xFFFFC000  }
0x99: {  	_ =	swait.ge @!p0 [sflag:s10], $0x2000  }
0x9a: {  	s20 =	sshrl.u32 s19, $0x3;
	[sflag:s10] =	ssyncset.done @!p0 $0x0  }
0x9b: {  	s21 =	sshll.u32 s19, $0x1;
	s22 =	sshll.u32 s20, $0x4;
	[sflag:s10] =	ssyncadd.s32 @!p0 $0xFFFFE000  }
0x9c: {  	s6 =	ssub.s32 s21, s22;
	_ =	swait.ge @!p0 [sflag:s10], $0x2000  }
0x9d: {  	s14 =	sshll.u32 s6, $0x6;
	[sflag:s10] =	ssyncset.done @!p0 $0x0  }
0x9e: {  	s15 =	sshra.s32 s14, $0x2;
	[sflag:s10] =	ssyncadd.s32 @!p0 $0xFFFFE000  }
0x9f: {  	v3 =	vld [tilespmem:s15+$0x0];
	_ =	sdelay $0x4  }
0xa0: {  	v5 =	vshll.u32 v3, $0x4  }
0xa1: {  	(v2sf) =	vpush v5, $0x0  }
0xa2: {  	(v2sf) =	vpush v5, $0x1;
	_ =	sdelay $0x9  }
0xa3: {  	s10 =	simm.s32 $0x0  }
0xa4: {  	v6 =	vld [tilespmem:s10+$0x270]  }
0xa5: {  	v7 =	vld [tilespmem:s10+$0x2F0]  }
0xa6: {  	v8 =	vld [tilespmem:s10+$0x200]  }
0xa7: {  	v9 =	vld [tilespmem:s10+$0x280];
	s16 =	spop (v2sf)  }
0xa8: {  	v10 =	vld [tilespmem:s10+$0x210];
	s15 =	spop (v2sf)  }
0xa9: {  	v11 =	vld [tilespmem:s10+$0x290];
	s14 =	sand.u32 $0x10, s16;
	s15 =	sand.u32 $0x10, s15  }
0xaa: {  	v12 =	vld [tilespmem:s10+$0x220];
	v3 =	vmov s14;
	v4 =	vmov s15  }
0xab: {  	v13 =	vld [tilespmem:s10+$0x2A0];
	v6 =	vshra.s32 v6, v3;
	v8 =	vshra.s32 v8, v3;
	v7 =	vshra.s32 v7, v4  }
0xac: {  	v14 =	vld [tilespmem:s10+$0x230];
	v6 =	vand.u32 $0xFFFF, v6;
	v9 =	vshra.s32 v9, v4;
	v7 =	vshll.u32 v7, $0x10  }
0xad: {  	v15 =	vld [tilespmem:s10+$0x2B0];
	v6 =	vor.u32 v6, v7;
	v7 =	vand.u32 $0xFFFF, v8;
	v8 =	vshll.u32 v9, $0x10  }
0xae: {  	v16 =	vld [tilespmem:s10+$0x240];
	[tilespmem:s10+$0x8270] =	vst v6;
	v6 =	vor.u32 v7, v8;
	v7 =	vshra.s32 v10, v3;
	v8 =	vshra.s32 v11, v4  }
0xaf: {  	v17 =	vld [tilespmem:s10+$0x2C0];
	[tilespmem:s10+$0x8200] =	vst v6;
	v6 =	vand.u32 $0xFFFF, v7;
	v7 =	vshll.u32 v8, $0x10  }
0xb0: {  	v9 =	vshra.s32 v13, v4;
	v8 =	vshra.s32 v12, v3;
	v6 =	vor.u32 v6, v7;
	v7 =	vld [tilespmem:s10+$0x250]  }
0xb1: {  	[tilespmem:s10+$0x8210] =	vst v6;
	v6 =	vand.u32 $0xFFFF, v8;
	v8 =	vshll.u32 v9, $0x10;
	v9 =	vld [tilespmem:s10+$0x2D0]  }
0xb2: {  	v10 =	vshra.s32 v14, v3;
	v11 =	vshra.s32 v15, v4;
	v6 =	vor.u32 v6, v8;
	v8 =	vld [tilespmem:s10+$0x260]  }
0xb3: {  	s14 =	simm.s32 $0x400;
	v13 =	vshra.s32 v16, v3;
	v12 =	vand.u32 $0xFFFF, v10;
	v11 =	vshll.u32 v11, $0x10;
	v10 =	vld [tilespmem:s10+$0x2E0];
	[tilespmem:s10+$0x8220] =	vst v6  }
0xb4: {  	s15 =	simm.s32 $0x2000;
	v12 =	vor.u32 v12, v11;
	v11 =	vand.u32 $0xFFFF, v13;
	v13 =	vshra.s32 v17, v4;
	v6 =	vld [tilespmem:s14+$0x270]  }
.LBB2_3:
0xb5: {  	p1 =	sne.s32 s15, $0x7000;
	v14 =	vld [tilespmem:s14+$0x2F0];
	[tilespmem:s10+$0x8230] =	vst v12;
	v12 =	vshll.u32 v13, $0x10;
	v7 =	vshra.s32 v7, v3  }
0xb6: {  	v13 =	vld [tilespmem:s14+$0x200];
	v11 =	vor.u32 v11, v12;
	v7 =	vand.u32 $0xFFFF, v7;
	v9 =	vshra.s32 v9, v4  }
0xb7: {  	v12 =	vld [tilespmem:s14+$0x280];
	[tilespmem:s10+$0x8240] =	vst v11;
	v9 =	vshll.u32 v9, $0x10;
	v8 =	vshra.s32 v8, v3  }
0xb8: {  	v11 =	vld [tilespmem:s14+$0x210];
	v7 =	vor.u32 v7, v9;
	v8 =	vand.u32 $0xFFFF, v8;
	v9 =	vshra.s32 v10, v4  }
0xb9: {  	v10 =	vld [tilespmem:s14+$0x290];
	[tilespmem:s10+$0x8250] =	vst v7;
	v7 =	vshll.u32 v9, $0x10  }
0xba: {  	v6 =	vshra.s32 v6, v3;
	v9 =	vld [tilespmem:s14+$0x220];
	v14 =	vshra.s32 v14, v4;
	v7 =	vor.u32 v8, v7  }
0xbb: {  	v6 =	vand.u32 $0xFFFF, v6;
	v8 =	vshra.s32 v13, v3;
	v13 =	vld [tilespmem:s14+$0x2A0];
	v14 =	vshll.u32 v14, $0x10;
	[tilespmem:s10+$0x8260] =	vst v7;
	s10 =	smov.u32 s14  }
0xbc: {  	v7 =	vand.u32 $0xFFFF, v8;
	v8 =	vshra.s32 v12, v4;
	v12 =	vld [tilespmem:s10+$0x230];
	v6 =	vor.u32 v6, v14  }
0xbd: {  	v8 =	vshll.u32 v8, $0x10;
	v11 =	vshra.s32 v11, v3;
	v14 =	vld [tilespmem:s10+$0x2B0];
	[tilespmem:s10+$0x8270] =	vst v6  }
0xbe: {  	v6 =	vor.u32 v7, v8;
	v7 =	vand.u32 $0xFFFF, v11;
	v8 =	vshra.s32 v10, v4;
	v10 =	vld [tilespmem:s10+$0x240]  }
0xbf: {  	[tilespmem:s10+$0x8200] =	vst v6;
	v6 =	vshll.u32 v8, $0x10;
	v8 =	vshra.s32 v9, v3;
	v15 =	vld [tilespmem:s10+$0x2C0]  }
.Ltmp4:
0xc0: {  	v6 =	vor.u32 v7, v6;
	v8 =	vand.u32 $0xFFFF, v8;
	v9 =	vshra.s32 v13, v4;
	v7 =	vld [tilespmem:s10+$0x250];
	(pc) =	sbr.rel @p1 .LBB2_3-.Ltmp4, $4  }
0xc1: {  	[tilespmem:s10+$0x8210] =	vst v6;
	v6 =	vshll.u32 v9, $0x10;
	v11 =	vshra.s32 v12, v3;
	v9 =	vld [tilespmem:s10+$0x2D0]  }
0xc2: {  	v6 =	vor.u32 v8, v6;
	v11 =	vand.u32 $0xFFFF, v11;
	v12 =	vshra.s32 v14, v4;
	v8 =	vld [tilespmem:s10+$0x260]  }
0xc3: {  	s14 =	sshra.s32 s15, $0x2;
	[tilespmem:s10+$0x8220] =	vst v6;
	v12 =	vshll.u32 v12, $0x10;
	v13 =	vshra.s32 v10, v3;
	v10 =	vld [tilespmem:s10+$0x2E0]  }
0xc4: {  	s15 =	sadd.s32 $0x1000, s15;
	v6 =	vld [tilespmem:s14+$0x270];
	v12 =	vor.u32 v11, v12;
	v11 =	vand.u32 $0xFFFF, v13;
	v13 =	vshra.s32 v15, v4  }
0xc5: {  	v14 =	vld [tilespmem:s14+$0x2F0];
	[tilespmem:s10+$0x8230] =	vst v12;
	v12 =	vshll.u32 v13, $0x10  }
0xc6: {  	v7 =	vshra.s32 v7, v3;
	v13 =	vld [tilespmem:s14+$0x200];
	v11 =	vor.u32 v11, v12;
	v9 =	vshra.s32 v9, v4  }
0xc7: {  	v12 =	vld [tilespmem:s14+$0x280];
	v7 =	vand.u32 $0xFFFF, v7;
	[tilespmem:s10+$0x8240] =	vst v11;
	v9 =	vshll.u32 v9, $0x10  }
0xc8: {  	v8 =	vshra.s32 v8, v3;
	v11 =	vld [tilespmem:s14+$0x210];
	v7 =	vor.u32 v7, v9;
	v10 =	vshra.s32 v10, v4  }
0xc9: {  	v9 =	vld [tilespmem:s14+$0x290];
	[tilespmem:s10+$0x8250] =	vst v7;
	v7 =	vand.u32 $0xFFFF, v8;
	v8 =	vshll.u32 v10, $0x10  }
0xca: {  	v6 =	vshra.s32 v6, v3;
	v10 =	vld [tilespmem:s14+$0x220];
	v7 =	vor.u32 v7, v8  }
0xcb: {  	v8 =	vld [tilespmem:s14+$0x2A0];
	v14 =	vshra.s32 v14, v4;
	v6 =	vand.u32 $0xFFFF, v6;
	[tilespmem:s10+$0x8260] =	vst v7  }
0xcc: {  	v7 =	vshll.u32 v14, $0x10;
	v13 =	vshra.s32 v13, v3;
	v12 =	vshra.s32 v12, v4;
	v14 =	vld [tilespmem:s14+$0x230]  }
0xcd: {  	v6 =	vor.u32 v6, v7;
	v7 =	vld [tilespmem:s14+$0x2B0];
	v13 =	vand.u32 $0xFFFF, v13;
	v12 =	vshll.u32 v12, $0x10  }
0xce: {  	[tilespmem:s14+$0x8270] =	vst v6;
	v6 =	vor.u32 v13, v12;
	v12 =	vld [tilespmem:s14+$0x240];
	v11 =	vshra.s32 v11, v3;
	v9 =	vshra.s32 v9, v4  }
0xcf: {  	(v2sf) =	vpush v5, $0x2;
	[tilespmem:s14+$0x8200] =	vst v6;
	v6 =	vand.u32 $0xFFFF, v11;
	v9 =	vshll.u32 v9, $0x10;
	v11 =	vld [tilespmem:s14+$0x2C0]  }
0xd0: {  	v6 =	vor.u32 v6, v9;
	v9 =	vld [tilespmem:s14+$0x250];
	v10 =	vshra.s32 v10, v3;
	v8 =	vshra.s32 v8, v4  }
0xd1: {  	(v2sf) =	vpush v5, $0x3;
	[tilespmem:s14+$0x8210] =	vst v6;
	v6 =	vand.u32 $0xFFFF, v10;
	v8 =	vshll.u32 v8, $0x10;
	v10 =	vld [tilespmem:s14+$0x2D0]  }
0xd2: {  	v6 =	vor.u32 v6, v8;
	v8 =	vld [tilespmem:s14+$0x260]  }
0xd3: {  	v5 =	vshra.s32 v14, v3;
	[tilespmem:s14+$0x8220] =	vst v6;
	v6 =	vshra.s32 v7, v4;
	v7 =	vld [tilespmem:s14+$0x2E0]  }
0xd4: {  	v5 =	vand.u32 $0xFFFF, v5;
	v6 =	vshll.u32 v6, $0x10  }
0xd5: {  	v12 =	vshra.s32 v12, v3;
	v5 =	vor.u32 v5, v6;
	v6 =	vshra.s32 v11, v4  }
0xd6: {  	v11 =	vand.u32 $0xFFFF, v12;
	v9 =	vshra.s32 v9, v3;
	v6 =	vshll.u32 v6, $0x10  }
0xd7: {  	v9 =	vand.u32 $0xFFFF, v9;
	v10 =	vshra.s32 v10, v4;
	v6 =	vor.u32 v11, v6  }
0xd8: {  	[tilespmem:s14+$0x8230] =	vst v5;
	v5 =	vshll.u32 v10, $0x10;
	v3 =	vshra.s32 v8, v3;
	v4 =	vshra.s32 v7, v4  }
0xd9: {  	[tilespmem:s14+$0x8240] =	vst v6;
	v5 =	vor.u32 v9, v5;
	v3 =	vand.u32 $0xFFFF, v3;
	v4 =	vshll.u32 v4, $0x10  }
0xda: {  	[tilespmem:s14+$0x8250] =	vst v5;
	v3 =	vor.u32 v3, v4  }
0xdb: {  	s10 =	simm.s32 $0x0;
	[tilespmem:s14+$0x8260] =	vst v3  }
0xdc: {  	v5 =	vld [tilespmem:s10+$0x370]  }
0xdd: {  	v6 =	vld [tilespmem:s10+$0x3F0]  }
0xde: {  	v7 =	vld [tilespmem:s10+$0x300]  }
0xdf: {  	s16 =	spop (v2sf);
	v8 =	vld [tilespmem:s10+$0x380]  }
0xe0: {  	s15 =	spop (v2sf);
	v9 =	vld [tilespmem:s10+$0x310]  }
0xe1: {  	s15 =	sand.u32 $0x10, s15;
	s14 =	sand.u32 $0x10, s16;
	v10 =	vld [tilespmem:s10+$0x390]  }
0xe2: {  	v4 =	vmov s15;
	v3 =	vmov s14;
	v11 =	vld [tilespmem:s10+$0x320]  }
0xe3: {  	v12 =	vld [tilespmem:s10+$0x3A0];
	v5 =	vshra.s32 v5, v3;
	v6 =	vshra.s32 v6, v4;
	v7 =	vshra.s32 v7, v3  }
0xe4: {  	v13 =	vld [tilespmem:s10+$0x330];
	v8 =	vshra.s32 v8, v4;
	v5 =	vand.u32 $0xFFFF, v5;
	v6 =	vshll.u32 v6, $0x10  }
0xe5: {  	v14 =	vld [tilespmem:s10+$0x3B0];
	v5 =	vor.u32 v5, v6;
	v6 =	vand.u32 $0xFFFF, v7;
	v7 =	vshll.u32 v8, $0x10  }
0xe6: {  	v15 =	vld [tilespmem:s10+$0x340];
	[tilespmem:s10+$0x82F0] =	vst v5;
	v5 =	vor.u32 v6, v7;
	v6 =	vshra.s32 v9, v3;
	v7 =	vshra.s32 v10, v4  }
0xe7: {  	v16 =	vld [tilespmem:s10+$0x3C0];
	[tilespmem:s10+$0x8280] =	vst v5;
	v5 =	vand.u32 $0xFFFF, v6;
	v6 =	vshll.u32 v7, $0x10  }
0xe8: {  	v8 =	vshra.s32 v12, v4;
	v7 =	vshra.s32 v11, v3;
	v5 =	vor.u32 v5, v6;
	v6 =	vld [tilespmem:s10+$0x350]  }
0xe9: {  	[tilespmem:s10+$0x8290] =	vst v5;
	v5 =	vand.u32 $0xFFFF, v7;
	v7 =	vshll.u32 v8, $0x10;
	v8 =	vld [tilespmem:s10+$0x3D0]  }
0xea: {  	v9 =	vshra.s32 v13, v3;
	v10 =	vshra.s32 v14, v4;
	v5 =	vor.u32 v5, v7;
	v7 =	vld [tilespmem:s10+$0x360]  }
0xeb: {  	s14 =	simm.s32 $0x400;
	v12 =	vshra.s32 v15, v3;
	v11 =	vand.u32 $0xFFFF, v9;
	v10 =	vshll.u32 v10, $0x10;
	v9 =	vld [tilespmem:s10+$0x3E0];
	[tilespmem:s10+$0x82A0] =	vst v5  }
0xec: {  	s15 =	simm.s32 $0x2000;
	v11 =	vor.u32 v11, v10;
	v10 =	vand.u32 $0xFFFF, v12;
	v12 =	vshra.s32 v16, v4;
	v5 =	vld [tilespmem:s14+$0x370]  }
.LBB2_5:
0xed: {  	p1 =	sne.s32 s15, $0x7000;
	v13 =	vld [tilespmem:s14+$0x3F0];
	[tilespmem:s10+$0x82B0] =	vst v11;
	v11 =	vshll.u32 v12, $0x10;
	v6 =	vshra.s32 v6, v3  }
0xee: {  	v12 =	vld [tilespmem:s14+$0x300];
	v10 =	vor.u32 v10, v11;
	v6 =	vand.u32 $0xFFFF, v6;
	v8 =	vshra.s32 v8, v4  }
0xef: {  	v11 =	vld [tilespmem:s14+$0x380];
	[tilespmem:s10+$0x82C0] =	vst v10;
	v8 =	vshll.u32 v8, $0x10;
	v7 =	vshra.s32 v7, v3  }
0xf0: {  	v10 =	vld [tilespmem:s14+$0x310];
	v6 =	vor.u32 v6, v8;
	v7 =	vand.u32 $0xFFFF, v7;
	v8 =	vshra.s32 v9, v4  }
0xf1: {  	v9 =	vld [tilespmem:s14+$0x390];
	[tilespmem:s10+$0x82D0] =	vst v6;
	v6 =	vshll.u32 v8, $0x10  }
0xf2: {  	v5 =	vshra.s32 v5, v3;
	v8 =	vld [tilespmem:s14+$0x320];
	v13 =	vshra.s32 v13, v4;
	v6 =	vor.u32 v7, v6  }
0xf3: {  	v5 =	vand.u32 $0xFFFF, v5;
	v7 =	vshra.s32 v12, v3;
	v12 =	vld [tilespmem:s14+$0x3A0];
	v13 =	vshll.u32 v13, $0x10;
	[tilespmem:s10+$0x82E0] =	vst v6;
	s10 =	smov.u32 s14  }
0xf4: {  	v6 =	vand.u32 $0xFFFF, v7;
	v7 =	vshra.s32 v11, v4;
	v11 =	vld [tilespmem:s10+$0x330];
	v5 =	vor.u32 v5, v13  }
0xf5: {  	v7 =	vshll.u32 v7, $0x10;
	v10 =	vshra.s32 v10, v3;
	v13 =	vld [tilespmem:s10+$0x3B0];
	[tilespmem:s10+$0x82F0] =	vst v5  }
0xf6: {  	v5 =	vor.u32 v6, v7;
	v6 =	vand.u32 $0xFFFF, v10;
	v7 =	vshra.s32 v9, v4;
	v9 =	vld [tilespmem:s10+$0x340]  }
0xf7: {  	[tilespmem:s10+$0x8280] =	vst v5;
	v5 =	vshll.u32 v7, $0x10;
	v7 =	vshra.s32 v8, v3;
	v14 =	vld [tilespmem:s10+$0x3C0]  }
.Ltmp5:
0xf8: {  	v5 =	vor.u32 v6, v5;
	v7 =	vand.u32 $0xFFFF, v7;
	v8 =	vshra.s32 v12, v4;
	v6 =	vld [tilespmem:s10+$0x350];
	(pc) =	sbr.rel @p1 .LBB2_5-.Ltmp5, $4  }
0xf9: {  	[tilespmem:s10+$0x8290] =	vst v5;
	v5 =	vshll.u32 v8, $0x10;
	v10 =	vshra.s32 v11, v3;
	v8 =	vld [tilespmem:s10+$0x3D0]  }
0xfa: {  	v5 =	vor.u32 v7, v5;
	v10 =	vand.u32 $0xFFFF, v10;
	v11 =	vshra.s32 v13, v4;
	v7 =	vld [tilespmem:s10+$0x360]  }
0xfb: {  	s14 =	sshra.s32 s15, $0x2;
	[tilespmem:s10+$0x82A0] =	vst v5;
	v11 =	vshll.u32 v11, $0x10;
	v12 =	vshra.s32 v9, v3;
	v9 =	vld [tilespmem:s10+$0x3E0]  }
0xfc: {  	s15 =	sadd.s32 $0x1000, s15;
	v5 =	vld [tilespmem:s14+$0x370];
	v11 =	vor.u32 v10, v11;
	v10 =	vand.u32 $0xFFFF, v12;
	v12 =	vshra.s32 v14, v4  }
0xfd: {  	v13 =	vld [tilespmem:s14+$0x3F0];
	[tilespmem:s10+$0x82B0] =	vst v11;
	v39 =	vshll.u32 v12, $0x10  }
0xfe: {  	v6 =	vshra.s32 v6, v3;
	v40 =	vld [tilespmem:s14+$0x300];
	v10 =	vor.u32 v10, v39;
	v8 =	vshra.s32 v8, v4  }
0xff: {  	v41 =	vld [tilespmem:s14+$0x380];
	v6 =	vand.u32 $0xFFFF, v6;
	[tilespmem:s10+$0x82C0] =	vst v10;
	v8 =	vshll.u32 v8, $0x10  }
0x100: {  	v7 =	vshra.s32 v7, v3;
	v10 =	vld [tilespmem:s14+$0x310];
	v6 =	vor.u32 v6, v8;
	v9 =	vshra.s32 v9, v4  }
0x101: {  	v42 =	vld [tilespmem:s14+$0x390];
	v43 =	vand.u32 $0xFFFF, v7;
	[tilespmem:s10+$0x82D0] =	vst v6;
	v44 =	vshll.u32 v9, $0x10  }
0x102: {  	v45 =	vld [tilespmem:s14+$0x320];
	v6 =	vor.u32 v43, v44  }
0x103: {  	v46 =	vld [tilespmem:s14+$0x3A0];
	[tilespmem:s10+$0x82E0] =	vst v6  }
0x104: {  	v48 =	vld [tilespmem:s14+$0x330]  }
0x105: {  	v49 =	vld [tilespmem:s14+$0x3B0]  }
0x106: {  	v5 =	vshra.s32 v5, v3;
	v51 =	vld [tilespmem:s14+$0x340]  }
0x107: {  	v13 =	vshra.s32 v13, v4;
	v5 =	vand.u32 $0xFFFF, v5;
	v53 =	vld [tilespmem:s14+$0x3C0]  }
0x108: {  	v47 =	vshll.u32 v13, $0x10;
	v12 =	vshra.s32 v40, v3;
	v11 =	vshra.s32 v41, v4;
	v54 =	vld [tilespmem:s14+$0x350]  }
0x109: {  	v5 =	vor.u32 v5, v47;
	v12 =	vand.u32 $0xFFFF, v12;
	v56 =	vld [tilespmem:s14+$0x3D0];
	v10 =	vshra.s32 v10, v3  }
0x10a: {  	v11 =	vshll.u32 v11, $0x10;
	v57 =	vld [tilespmem:s14+$0x360];
	v8 =	vshra.s32 v42, v4;
	v52 =	vand.u32 $0xFFFF, v10  }
0x10b: {  	v59 =	vld [tilespmem:s14+$0x3E0];
	v8 =	vshll.u32 v8, $0x10;
	v9 =	vshra.s32 v45, v3;
	v7 =	vshra.s32 v46, v4  }
0x10c: {  	[tilespmem:s14+$0x82F0] =	vst v5;
	v5 =	vor.u32 v52, v8;
	v55 =	vand.u32 $0xFFFF, v9;
	v7 =	vshll.u32 v7, $0x10  }
0x10d: {  	v50 =	vor.u32 v12, v11;
	[tilespmem:s14+$0x8290] =	vst v5;
	v5 =	vor.u32 v55, v7;
	v58 =	vshra.s32 v48, v3  }
0x10e: {  	v6 =	vshra.s32 v49, v4;
	v11 =	vshra.s32 v51, v3;
	v60 =	vshra.s32 v53, v4  }
0x10f: {  	v8 =	vshra.s32 v54, v3;
	v9 =	vshra.s32 v56, v4;
	v3 =	vshra.s32 v57, v3  }
0x110: {  	p1 =	seq.s32 s19, $0x17;
	v63 =	vshra.s32 v59, v4;
	[tilespmem:s14+$0x82A0] =	vst v5;
	v5 =	vand.u32 $0xFFFF, v58;
	v6 =	vshll.u32 v6, $0x10  }
.Ltmp6:
0x111: {  	[tilespmem:s14+$0x8280] =	vst v50;
	v3 =	vand.u32 $0xFFFF, v3;
	v4 =	vshll.u32 v63, $0x10;
	v5 =	vor.u32 v5, v6;
	(pc) =	sbr.rel @!p1 .LBB2_7-.Ltmp6, $4  }
0x112: {  	v61 =	vand.u32 $0xFFFF, v11;
	v6 =	vshll.u32 v60, $0x10;
	v3 =	vor.u32 v3, v4;
	[tilespmem:s14+$0x82B0] =	vst v5  }
0x113: {  	v8 =	vand.u32 $0xFFFF, v8;
	v62 =	vshll.u32 v9, $0x10;
	v6 =	vor.u32 v61, v6;
	[tilespmem:s14+$0x82E0] =	vst v3  }
0x114: {  	v5 =	vor.u32 v8, v62;
	[tilespmem:s14+$0x82C0] =	vst v6  }
0x115: {  	[tilespmem:s14+$0x82D0] =	vst v5  }
.LBB2_17:
0x116: {  	s14 =	rddreg [dreg:$0x6]  }
0x117: {  	s10 =	rddreg [dreg:$0x9]  }
.LBB2_18:
0x118: {  	s6 =	sshll.u32 s6, $0xD  }
0x119: {  	s6 =	sadd.s32 s13, s6  }
0x11a: {  	s6 =	sshrl.u32 s6, $0x3  }
0x11b: {  	s12 =	simm.s32 $0x8200;
	s14 =	sadd.s32 s14, s6  }
0x11c: {  	[hbm4b:s14+s25] =	stream.strided.scatter [tilespmem:s12], [sflag:$0x3], $0x400, s24, s25, $0x38;
	[tilespmem:$0xC200] =	vst v63  }
0x11d: {  	s15 =	sadd.s32 $0x40, s14  }
0x11e: {  	[hbm4b:s15+s25] =	stream.strided.scatter [tilespmem:s23], [sflag:$0x3], $0x400, s24, s25, $0x38;
	[tilespmem:$0xC200] =	vst v63  }
0x11f: {  	s16 =	sadd.s32 $0x80, s14  }
0x120: {  	[hbm4b:s16+s25] =	stream.strided.scatter [tilespmem:s26], [sflag:$0x3], $0x400, s24, s25, $0x38;
	[tilespmem:$0xC200] =	vst v63  }
0x121: {  	s16 =	sadd.s32 $0xC0, s14  }
0x122: {  	[hbm4b:s16+s25] =	stream.strided.scatter [tilespmem:s28], [sflag:$0x3], $0x400, s24, s25, $0x38;
	[tilespmem:$0xC200] =	vst v63  }
0x123: {  	s16 =	sadd.s32 $0x100, s14  }
0x124: {  	[hbm4b:s16+s25] =	stream.strided.scatter [tilespmem:s29], [sflag:$0x3], $0x400, s24, s25, $0x38;
	[tilespmem:$0xC200] =	vst v63  }
0x125: {  	s16 =	sadd.s32 $0x140, s14  }
0x126: {  	[hbm4b:s16+s25] =	stream.strided.scatter [tilespmem:s30], [sflag:$0x3], $0x400, s24, s25, $0x38;
	[tilespmem:$0xC200] =	vst v63  }
0x127: {  	s16 =	sadd.s32 $0x180, s14  }
0x128: {  	[hbm4b:s16+s25] =	stream.strided.scatter [tilespmem:s31], [sflag:$0x3], $0x400, s24, s25, $0x38;
	[tilespmem:$0xC200] =	vst v63  }
0x129: {  	s14 =	sadd.s32 $0x1C0, s14  }
0x12a: {  	[hbm4b:s14+s25] =	stream.strided.scatter [tilespmem:s3], [sflag:$0x3], $0x400, s24, s25, $0x38;
	[tilespmem:$0xC200] =	vst v63  }
0x12b: {  	s6 =	sadd.s32 s10, s6  }
0x12c: {  	[hbm4b:s6+s25] =	stream.strided.scatter [tilespmem:s12], [sflag:$0x3], $0x400, s24, s25, $0x38;
	[tilespmem:$0xC200] =	vst v63  }
0x12d: {  	s10 =	sadd.s32 $0x40, s6  }
0x12e: {  	[hbm4b:s10+s25] =	stream.strided.scatter [tilespmem:s23], [sflag:$0x3], $0x400, s24, s25, $0x38;
	[tilespmem:$0xC200] =	vst v63  }
0x12f: {  	s16 =	sadd.s32 $0x80, s6  }
0x130: {  	[hbm4b:s16+s25] =	stream.strided.scatter [tilespmem:s26], [sflag:$0x3], $0x400, s24, s25, $0x38;
	[tilespmem:$0xC200] =	vst v63  }
0x131: {  	s12 =	sadd.s32 $0xC0, s6  }
0x132: {  	[hbm4b:s12+s25] =	stream.strided.scatter [tilespmem:s28], [sflag:$0x3], $0x400, s24, s25, $0x38;
	[tilespmem:$0xC200] =	vst v63  }
0x133: {  	s14 =	sadd.s32 $0x100, s6  }
0x134: {  	[hbm4b:s14+s25] =	stream.strided.scatter [tilespmem:s29], [sflag:$0x3], $0x400, s24, s25, $0x38;
	[tilespmem:$0xC200] =	vst v63  }
0x135: {  	s15 =	sadd.s32 $0x140, s6  }
0x136: {  	[hbm4b:s15+s25] =	stream.strided.scatter [tilespmem:s30], [sflag:$0x3], $0x400, s24, s25, $0x38;
	[tilespmem:$0xC200] =	vst v63  }
0x137: {  	s16 =	sadd.s32 $0x180, s6  }
0x138: {  	[hbm4b:s16+s25] =	stream.strided.scatter [tilespmem:s31], [sflag:$0x3], $0x400, s24, s25, $0x38;
	[tilespmem:$0xC200] =	vst v63  }
0x139: {  	s6 =	sadd.s32 $0x1C0, s6  }
0x13a: {  	[hbm4b:s6+s25] =	stream.strided.scatter [tilespmem:s3], [sflag:$0x3], $0x400, s24, s25, $0x38;
	[tilespmem:$0xC200] =	vst v63  }
.LBB2_19:
0x13b: {  	_ =	swait.ge [sflag:s5], $0x4000  }
0x13c: {  	[sflag:s5] =	ssyncset.done $0x0  }
0x13d: {  	s10 =	simm.s32 @!p0 $0x4;
	[sflag:s5] =	ssyncadd.s32 $0xFFFFC000  }
0x13e: {  	_ =	swait.ge @!p0 [sflag:s10], $0x2000  }
0x13f: {  	[sflag:s10] =	ssyncset.done @!p0 $0x0  }
0x140: {  	s6 =	sor.u32 $0x1, s21;
	[sflag:s10] =	ssyncadd.s32 @!p0 $0xFFFFE000  }
0x141: {  	s6 =	ssub.s32 s6, s22;
	_ =	swait.ge @!p0 [sflag:s10], $0x2000  }
0x142: {  	s14 =	sshll.u32 s6, $0x6;
	[sflag:s10] =	ssyncset.done @!p0 $0x0  }
0x143: {  	s16 =	sshra.s32 s14, $0x2;
	[sflag:s10] =	ssyncadd.s32 @!p0 $0xFFFFE000  }
0x144: {  	v3 =	vld [tilespmem:s16+$0x0];
	_ =	sdelay $0x4  }
0x145: {  	v5 =	vshll.u32 v3, $0x4  }
0x146: {  	(v2sf) =	vpush v5, $0x0  }
0x147: {  	(v2sf) =	vpush v5, $0x1;
	_ =	sdelay $0x9  }
0x148: {  	s10 =	simm.s32 $0x0  }
0x149: {  	v6 =	vld [tilespmem:s10+$0x4270]  }
0x14a: {  	v7 =	vld [tilespmem:s10+$0x42F0]  }
0x14b: {  	v8 =	vld [tilespmem:s10+$0x4200]  }
0x14c: {  	v9 =	vld [tilespmem:s10+$0x4280];
	s22 =	spop (v2sf)  }
0x14d: {  	v10 =	vld [tilespmem:s10+$0x4210];
	s15 =	spop (v2sf)  }
0x14e: {  	v11 =	vld [tilespmem:s10+$0x4290];
	s14 =	sand.u32 $0x10, s22;
	s15 =	sand.u32 $0x10, s15  }
0x14f: {  	v12 =	vld [tilespmem:s10+$0x4220];
	v3 =	vmov s14;
	v4 =	vmov s15  }
0x150: {  	v13 =	vld [tilespmem:s10+$0x42A0];
	v6 =	vshra.s32 v6, v3;
	v8 =	vshra.s32 v8, v3;
	v7 =	vshra.s32 v7, v4  }
0x151: {  	v14 =	vld [tilespmem:s10+$0x4230];
	v6 =	vand.u32 $0xFFFF, v6;
	v9 =	vshra.s32 v9, v4;
	v7 =	vshll.u32 v7, $0x10  }
0x152: {  	v15 =	vld [tilespmem:s10+$0x42B0];
	v6 =	vor.u32 v6, v7;
	v7 =	vand.u32 $0xFFFF, v8;
	v8 =	vshll.u32 v9, $0x10  }
0x153: {  	v16 =	vld [tilespmem:s10+$0x4240];
	[tilespmem:s10+$0xA270] =	vst v6;
	v6 =	vor.u32 v7, v8;
	v7 =	vshra.s32 v10, v3;
	v8 =	vshra.s32 v11, v4  }
0x154: {  	v17 =	vld [tilespmem:s10+$0x42C0];
	[tilespmem:s10+$0xA200] =	vst v6;
	v6 =	vand.u32 $0xFFFF, v7;
	v7 =	vshll.u32 v8, $0x10  }
0x155: {  	v9 =	vshra.s32 v13, v4;
	v8 =	vshra.s32 v12, v3;
	v6 =	vor.u32 v6, v7;
	v7 =	vld [tilespmem:s10+$0x4250]  }
0x156: {  	[tilespmem:s10+$0xA210] =	vst v6;
	v6 =	vand.u32 $0xFFFF, v8;
	v8 =	vshll.u32 v9, $0x10;
	v9 =	vld [tilespmem:s10+$0x42D0]  }
0x157: {  	v10 =	vshra.s32 v14, v3;
	v11 =	vshra.s32 v15, v4;
	v6 =	vor.u32 v6, v8;
	v8 =	vld [tilespmem:s10+$0x4260]  }
0x158: {  	s14 =	simm.s32 $0x400;
	v13 =	vshra.s32 v16, v3;
	v12 =	vand.u32 $0xFFFF, v10;
	v11 =	vshll.u32 v11, $0x10;
	v10 =	vld [tilespmem:s10+$0x42E0];
	[tilespmem:s10+$0xA220] =	vst v6  }
0x159: {  	s15 =	simm.s32 $0x2000;
	v12 =	vor.u32 v12, v11;
	v11 =	vand.u32 $0xFFFF, v13;
	v13 =	vshra.s32 v17, v4;
	v6 =	vld [tilespmem:s14+$0x4270]  }
.LBB2_20:
0x15a: {  	p0 =	sne.s32 s15, $0x7000;
	v14 =	vld [tilespmem:s14+$0x42F0];
	[tilespmem:s10+$0xA230] =	vst v12;
	v12 =	vshll.u32 v13, $0x10;
	v7 =	vshra.s32 v7, v3  }
0x15b: {  	v13 =	vld [tilespmem:s14+$0x4200];
	v11 =	vor.u32 v11, v12;
	v7 =	vand.u32 $0xFFFF, v7;
	v9 =	vshra.s32 v9, v4  }
0x15c: {  	v12 =	vld [tilespmem:s14+$0x4280];
	[tilespmem:s10+$0xA240] =	vst v11;
	v9 =	vshll.u32 v9, $0x10;
	v8 =	vshra.s32 v8, v3  }
0x15d: {  	v11 =	vld [tilespmem:s14+$0x4210];
	v7 =	vor.u32 v7, v9;
	v8 =	vand.u32 $0xFFFF, v8;
	v9 =	vshra.s32 v10, v4  }
0x15e: {  	v10 =	vld [tilespmem:s14+$0x4290];
	[tilespmem:s10+$0xA250] =	vst v7;
	v7 =	vshll.u32 v9, $0x10  }
0x15f: {  	v6 =	vshra.s32 v6, v3;
	v9 =	vld [tilespmem:s14+$0x4220];
	v14 =	vshra.s32 v14, v4;
	v7 =	vor.u32 v8, v7  }
0x160: {  	v6 =	vand.u32 $0xFFFF, v6;
	v8 =	vshra.s32 v13, v3;
	v13 =	vld [tilespmem:s14+$0x42A0];
	v14 =	vshll.u32 v14, $0x10;
	[tilespmem:s10+$0xA260] =	vst v7;
	s10 =	smov.u32 s14  }
0x161: {  	v7 =	vand.u32 $0xFFFF, v8;
	v8 =	vshra.s32 v12, v4;
	v12 =	vld [tilespmem:s10+$0x4230];
	v6 =	vor.u32 v6, v14  }
0x162: {  	v8 =	vshll.u32 v8, $0x10;
	v11 =	vshra.s32 v11, v3;
	v14 =	vld [tilespmem:s10+$0x42B0];
	[tilespmem:s10+$0xA270] =	vst v6  }
0x163: {  	v6 =	vor.u32 v7, v8;
	v7 =	vand.u32 $0xFFFF, v11;
	v8 =	vshra.s32 v10, v4;
	v10 =	vld [tilespmem:s10+$0x4240]  }
0x164: {  	[tilespmem:s10+$0xA200] =	vst v6;
	v6 =	vshll.u32 v8, $0x10;
	v8 =	vshra.s32 v9, v3;
	v15 =	vld [tilespmem:s10+$0x42C0]  }
.Ltmp7:
0x165: {  	v6 =	vor.u32 v7, v6;
	v8 =	vand.u32 $0xFFFF, v8;
	v9 =	vshra.s32 v13, v4;
	v7 =	vld [tilespmem:s10+$0x4250];
	(pc) =	sbr.rel @p0 .LBB2_20-.Ltmp7, $4  }
0x166: {  	[tilespmem:s10+$0xA210] =	vst v6;
	v6 =	vshll.u32 v9, $0x10;
	v11 =	vshra.s32 v12, v3;
	v9 =	vld [tilespmem:s10+$0x42D0]  }
0x167: {  	v6 =	vor.u32 v8, v6;
	v11 =	vand.u32 $0xFFFF, v11;
	v12 =	vshra.s32 v14, v4;
	v8 =	vld [tilespmem:s10+$0x4260]  }
0x168: {  	s14 =	sshra.s32 s15, $0x2;
	[tilespmem:s10+$0xA220] =	vst v6;
	v12 =	vshll.u32 v12, $0x10;
	v13 =	vshra.s32 v10, v3;
	v10 =	vld [tilespmem:s10+$0x42E0]  }
0x169: {  	s15 =	sadd.s32 $0x1000, s15;
	v6 =	vld [tilespmem:s14+$0x4270];
	v12 =	vor.u32 v11, v12;
	v11 =	vand.u32 $0xFFFF, v13;
	v13 =	vshra.s32 v15, v4  }
0x16a: {  	v14 =	vld [tilespmem:s14+$0x42F0];
	[tilespmem:s10+$0xA230] =	vst v12;
	v12 =	vshll.u32 v13, $0x10  }
0x16b: {  	v7 =	vshra.s32 v7, v3;
	v13 =	vld [tilespmem:s14+$0x4200];
	v11 =	vor.u32 v11, v12;
	v9 =	vshra.s32 v9, v4  }
0x16c: {  	v12 =	vld [tilespmem:s14+$0x4280];
	v7 =	vand.u32 $0xFFFF, v7;
	[tilespmem:s10+$0xA240] =	vst v11;
	v9 =	vshll.u32 v9, $0x10  }
0x16d: {  	v8 =	vshra.s32 v8, v3;
	v11 =	vld [tilespmem:s14+$0x4210];
	v7 =	vor.u32 v7, v9;
	v10 =	vshra.s32 v10, v4  }
0x16e: {  	v9 =	vld [tilespmem:s14+$0x4290];
	[tilespmem:s10+$0xA250] =	vst v7;
	v7 =	vand.u32 $0xFFFF, v8;
	v8 =	vshll.u32 v10, $0x10  }
0x16f: {  	v6 =	vshra.s32 v6, v3;
	v10 =	vld [tilespmem:s14+$0x4220];
	v7 =	vor.u32 v7, v8  }
0x170: {  	v8 =	vld [tilespmem:s14+$0x42A0];
	v14 =	vshra.s32 v14, v4;
	v6 =	vand.u32 $0xFFFF, v6;
	[tilespmem:s10+$0xA260] =	vst v7  }
0x171: {  	v7 =	vshll.u32 v14, $0x10;
	v13 =	vshra.s32 v13, v3;
	v12 =	vshra.s32 v12, v4;
	v14 =	vld [tilespmem:s14+$0x4230]  }
0x172: {  	v6 =	vor.u32 v6, v7;
	v7 =	vld [tilespmem:s14+$0x42B0];
	v13 =	vand.u32 $0xFFFF, v13;
	v12 =	vshll.u32 v12, $0x10  }
0x173: {  	[tilespmem:s14+$0xA270] =	vst v6;
	v6 =	vor.u32 v13, v12;
	v12 =	vld [tilespmem:s14+$0x4240];
	v11 =	vshra.s32 v11, v3;
	v9 =	vshra.s32 v9, v4  }
0x174: {  	(v2sf) =	vpush v5, $0x2;
	[tilespmem:s14+$0xA200] =	vst v6;
	v6 =	vand.u32 $0xFFFF, v11;
	v9 =	vshll.u32 v9, $0x10;
	v11 =	vld [tilespmem:s14+$0x42C0]  }
0x175: {  	v6 =	vor.u32 v6, v9;
	v9 =	vld [tilespmem:s14+$0x4250];
	v10 =	vshra.s32 v10, v3;
	v8 =	vshra.s32 v8, v4  }
0x176: {  	(v2sf) =	vpush v5, $0x3;
	[tilespmem:s14+$0xA210] =	vst v6;
	v6 =	vand.u32 $0xFFFF, v10;
	v8 =	vshll.u32 v8, $0x10;
	v10 =	vld [tilespmem:s14+$0x42D0]  }
0x177: {  	v6 =	vor.u32 v6, v8;
	v8 =	vld [tilespmem:s14+$0x4260]  }
0x178: {  	v5 =	vshra.s32 v14, v3;
	[tilespmem:s14+$0xA220] =	vst v6;
	v6 =	vshra.s32 v7, v4;
	v7 =	vld [tilespmem:s14+$0x42E0]  }
0x179: {  	v5 =	vand.u32 $0xFFFF, v5;
	v6 =	vshll.u32 v6, $0x10  }
0x17a: {  	v12 =	vshra.s32 v12, v3;
	v5 =	vor.u32 v5, v6;
	v6 =	vshra.s32 v11, v4  }
0x17b: {  	v11 =	vand.u32 $0xFFFF, v12;
	v9 =	vshra.s32 v9, v3;
	v6 =	vshll.u32 v6, $0x10  }
0x17c: {  	v9 =	vand.u32 $0xFFFF, v9;
	v10 =	vshra.s32 v10, v4;
	v6 =	vor.u32 v11, v6  }
0x17d: {  	[tilespmem:s14+$0xA230] =	vst v5;
	v5 =	vshll.u32 v10, $0x10;
	v3 =	vshra.s32 v8, v3;
	v4 =	vshra.s32 v7, v4  }
0x17e: {  	[tilespmem:s14+$0xA240] =	vst v6;
	v5 =	vor.u32 v9, v5;
	v3 =	vand.u32 $0xFFFF, v3;
	v4 =	vshll.u32 v4, $0x10  }
0x17f: {  	[tilespmem:s14+$0xA250] =	vst v5;
	v3 =	vor.u32 v3, v4  }
0x180: {  	s10 =	simm.s32 $0x0;
	[tilespmem:s14+$0xA260] =	vst v3  }
0x181: {  	v5 =	vld [tilespmem:s10+$0x4370]  }
0x182: {  	v6 =	vld [tilespmem:s10+$0x43F0]  }
0x183: {  	v7 =	vld [tilespmem:s10+$0x4300]  }
0x184: {  	s22 =	spop (v2sf);
	v8 =	vld [tilespmem:s10+$0x4380]  }
0x185: {  	s15 =	spop (v2sf);
	v9 =	vld [tilespmem:s10+$0x4310]  }
0x186: {  	s15 =	sand.u32 $0x10, s15;
	s14 =	sand.u32 $0x10, s22;
	v10 =	vld [tilespmem:s10+$0x4390]  }
0x187: {  	v4 =	vmov s15;
	v3 =	vmov s14;
	v11 =	vld [tilespmem:s10+$0x4320]  }
0x188: {  	v12 =	vld [tilespmem:s10+$0x43A0];
	v5 =	vshra.s32 v5, v3;
	v6 =	vshra.s32 v6, v4;
	v7 =	vshra.s32 v7, v3  }
0x189: {  	v13 =	vld [tilespmem:s10+$0x4330];
	v8 =	vshra.s32 v8, v4;
	v5 =	vand.u32 $0xFFFF, v5;
	v6 =	vshll.u32 v6, $0x10  }
0x18a: {  	v14 =	vld [tilespmem:s10+$0x43B0];
	v5 =	vor.u32 v5, v6;
	v6 =	vand.u32 $0xFFFF, v7;
	v7 =	vshll.u32 v8, $0x10  }
0x18b: {  	v15 =	vld [tilespmem:s10+$0x4340];
	[tilespmem:s10+$0xA2F0] =	vst v5;
	v5 =	vor.u32 v6, v7;
	v6 =	vshra.s32 v9, v3;
	v7 =	vshra.s32 v10, v4  }
0x18c: {  	v16 =	vld [tilespmem:s10+$0x43C0];
	[tilespmem:s10+$0xA280] =	vst v5;
	v5 =	vand.u32 $0xFFFF, v6;
	v6 =	vshll.u32 v7, $0x10  }
0x18d: {  	v8 =	vshra.s32 v12, v4;
	v7 =	vshra.s32 v11, v3;
	v5 =	vor.u32 v5, v6;
	v6 =	vld [tilespmem:s10+$0x4350]  }
0x18e: {  	[tilespmem:s10+$0xA290] =	vst v5;
	v5 =	vand.u32 $0xFFFF, v7;
	v7 =	vshll.u32 v8, $0x10;
	v8 =	vld [tilespmem:s10+$0x43D0]  }
0x18f: {  	v9 =	vshra.s32 v13, v3;
	v10 =	vshra.s32 v14, v4;
	v5 =	vor.u32 v5, v7;
	v7 =	vld [tilespmem:s10+$0x4360]  }
0x190: {  	s14 =	simm.s32 $0x400;
	v12 =	vshra.s32 v15, v3;
	v11 =	vand.u32 $0xFFFF, v9;
	v10 =	vshll.u32 v10, $0x10;
	v9 =	vld [tilespmem:s10+$0x43E0];
	[tilespmem:s10+$0xA2A0] =	vst v5  }
0x191: {  	s15 =	simm.s32 $0x2000;
	v11 =	vor.u32 v11, v10;
	v10 =	vand.u32 $0xFFFF, v12;
	v12 =	vshra.s32 v16, v4;
	v5 =	vld [tilespmem:s14+$0x4370]  }
.LBB2_22:
0x192: {  	p0 =	sne.s32 s15, $0x7000;
	v13 =	vld [tilespmem:s14+$0x43F0];
	[tilespmem:s10+$0xA2B0] =	vst v11;
	v11 =	vshll.u32 v12, $0x10;
	v6 =	vshra.s32 v6, v3  }
0x193: {  	v12 =	vld [tilespmem:s14+$0x4300];
	v10 =	vor.u32 v10, v11;
	v6 =	vand.u32 $0xFFFF, v6;
	v8 =	vshra.s32 v8, v4  }
0x194: {  	v11 =	vld [tilespmem:s14+$0x4380];
	[tilespmem:s10+$0xA2C0] =	vst v10;
	v8 =	vshll.u32 v8, $0x10;
	v7 =	vshra.s32 v7, v3  }
0x195: {  	v10 =	vld [tilespmem:s14+$0x4310];
	v6 =	vor.u32 v6, v8;
	v7 =	vand.u32 $0xFFFF, v7;
	v8 =	vshra.s32 v9, v4  }
0x196: {  	v9 =	vld [tilespmem:s14+$0x4390];
	[tilespmem:s10+$0xA2D0] =	vst v6;
	v6 =	vshll.u32 v8, $0x10  }
0x197: {  	v5 =	vshra.s32 v5, v3;
	v8 =	vld [tilespmem:s14+$0x4320];
	v13 =	vshra.s32 v13, v4;
	v6 =	vor.u32 v7, v6  }
0x198: {  	v5 =	vand.u32 $0xFFFF, v5;
	v7 =	vshra.s32 v12, v3;
	v12 =	vld [tilespmem:s14+$0x43A0];
	v13 =	vshll.u32 v13, $0x10;
	[tilespmem:s10+$0xA2E0] =	vst v6;
	s10 =	smov.u32 s14  }
0x199: {  	v6 =	vand.u32 $0xFFFF, v7;
	v7 =	vshra.s32 v11, v4;
	v11 =	vld [tilespmem:s10+$0x4330];
	v5 =	vor.u32 v5, v13  }
0x19a: {  	v7 =	vshll.u32 v7, $0x10;
	v10 =	vshra.s32 v10, v3;
	v13 =	vld [tilespmem:s10+$0x43B0];
	[tilespmem:s10+$0xA2F0] =	vst v5  }
0x19b: {  	v5 =	vor.u32 v6, v7;
	v6 =	vand.u32 $0xFFFF, v10;
	v7 =	vshra.s32 v9, v4;
	v9 =	vld [tilespmem:s10+$0x4340]  }
0x19c: {  	[tilespmem:s10+$0xA280] =	vst v5;
	v5 =	vshll.u32 v7, $0x10;
	v7 =	vshra.s32 v8, v3;
	v14 =	vld [tilespmem:s10+$0x43C0]  }
.Ltmp8:
0x19d: {  	v5 =	vor.u32 v6, v5;
	v7 =	vand.u32 $0xFFFF, v7;
	v8 =	vshra.s32 v12, v4;
	v6 =	vld [tilespmem:s10+$0x4350];
	(pc) =	sbr.rel @p0 .LBB2_22-.Ltmp8, $4  }
0x19e: {  	[tilespmem:s10+$0xA290] =	vst v5;
	v5 =	vshll.u32 v8, $0x10;
	v10 =	vshra.s32 v11, v3;
	v8 =	vld [tilespmem:s10+$0x43D0]  }
0x19f: {  	v5 =	vor.u32 v7, v5;
	v10 =	vand.u32 $0xFFFF, v10;
	v11 =	vshra.s32 v13, v4;
	v7 =	vld [tilespmem:s10+$0x4360]  }
0x1a0: {  	s14 =	sshra.s32 s15, $0x2;
	[tilespmem:s10+$0xA2A0] =	vst v5;
	v11 =	vshll.u32 v11, $0x10;
	v12 =	vshra.s32 v9, v3;
	v9 =	vld [tilespmem:s10+$0x43E0]  }
0x1a1: {  	s15 =	sadd.s32 $0x1000, s15;
	v5 =	vld [tilespmem:s14+$0x4370];
	v11 =	vor.u32 v10, v11;
	v10 =	vand.u32 $0xFFFF, v12;
	v12 =	vshra.s32 v14, v4  }
0x1a2: {  	v13 =	vld [tilespmem:s14+$0x43F0];
	[tilespmem:s10+$0xA2B0] =	vst v11;
	v39 =	vshll.u32 v12, $0x10  }
0x1a3: {  	v6 =	vshra.s32 v6, v3;
	v40 =	vld [tilespmem:s14+$0x4300];
	v10 =	vor.u32 v10, v39;
	v8 =	vshra.s32 v8, v4  }
0x1a4: {  	v41 =	vld [tilespmem:s14+$0x4380];
	v6 =	vand.u32 $0xFFFF, v6;
	[tilespmem:s10+$0xA2C0] =	vst v10;
	v8 =	vshll.u32 v8, $0x10  }
0x1a5: {  	v7 =	vshra.s32 v7, v3;
	v10 =	vld [tilespmem:s14+$0x4310];
	v6 =	vor.u32 v6, v8;
	v9 =	vshra.s32 v9, v4  }
0x1a6: {  	v42 =	vld [tilespmem:s14+$0x4390];
	v43 =	vand.u32 $0xFFFF, v7;
	[tilespmem:s10+$0xA2D0] =	vst v6;
	v44 =	vshll.u32 v9, $0x10  }
0x1a7: {  	v45 =	vld [tilespmem:s14+$0x4320];
	v6 =	vor.u32 v43, v44  }
0x1a8: {  	v46 =	vld [tilespmem:s14+$0x43A0];
	[tilespmem:s10+$0xA2E0] =	vst v6  }
0x1a9: {  	v48 =	vld [tilespmem:s14+$0x4330]  }
0x1aa: {  	v49 =	vld [tilespmem:s14+$0x43B0]  }
0x1ab: {  	v5 =	vshra.s32 v5, v3;
	v51 =	vld [tilespmem:s14+$0x4340]  }
0x1ac: {  	v13 =	vshra.s32 v13, v4;
	v5 =	vand.u32 $0xFFFF, v5;
	v53 =	vld [tilespmem:s14+$0x43C0]  }
0x1ad: {  	v47 =	vshll.u32 v13, $0x10;
	v12 =	vshra.s32 v40, v3;
	v11 =	vshra.s32 v41, v4;
	v54 =	vld [tilespmem:s14+$0x4350]  }
0x1ae: {  	v5 =	vor.u32 v5, v47;
	v12 =	vand.u32 $0xFFFF, v12;
	v56 =	vld [tilespmem:s14+$0x43D0];
	v10 =	vshra.s32 v10, v3  }
0x1af: {  	v11 =	vshll.u32 v11, $0x10;
	v57 =	vld [tilespmem:s14+$0x4360];
	v8 =	vshra.s32 v42, v4;
	v52 =	vand.u32 $0xFFFF, v10  }
0x1b0: {  	v59 =	vld [tilespmem:s14+$0x43E0];
	v8 =	vshll.u32 v8, $0x10;
	v9 =	vshra.s32 v45, v3;
	v7 =	vshra.s32 v46, v4  }
0x1b1: {  	[tilespmem:s14+$0xA2F0] =	vst v5;
	v5 =	vor.u32 v52, v8;
	v55 =	vand.u32 $0xFFFF, v9;
	v7 =	vshll.u32 v7, $0x10  }
0x1b2: {  	v50 =	vor.u32 v12, v11;
	[tilespmem:s14+$0xA290] =	vst v5;
	v5 =	vor.u32 v55, v7;
	v58 =	vshra.s32 v48, v3  }
0x1b3: {  	v6 =	vshra.s32 v49, v4;
	v11 =	vshra.s32 v51, v3;
	v60 =	vshra.s32 v53, v4  }
0x1b4: {  	v8 =	vshra.s32 v54, v3;
	v9 =	vshra.s32 v56, v4;
	v3 =	vshra.s32 v57, v3  }
0x1b5: {  	v63 =	vshra.s32 v59, v4;
	[tilespmem:s14+$0xA2A0] =	vst v5;
	v5 =	vand.u32 $0xFFFF, v58;
	v6 =	vshll.u32 v6, $0x10  }
.Ltmp9:
0x1b6: {  	[tilespmem:s14+$0xA280] =	vst v50;
	v3 =	vand.u32 $0xFFFF, v3;
	v4 =	vshll.u32 v63, $0x10;
	v5 =	vor.u32 v5, v6;
	(pc) =	sbr.rel @p1 .LBB2_34-.Ltmp9, $4  }
0x1b7: {  	v61 =	vand.u32 $0xFFFF, v11;
	v6 =	vshll.u32 v60, $0x10;
	v3 =	vor.u32 v3, v4;
	[tilespmem:s14+$0xA2B0] =	vst v5  }
0x1b8: {  	v8 =	vand.u32 $0xFFFF, v8;
	v62 =	vshll.u32 v9, $0x10;
	v6 =	vor.u32 v61, v6;
	[tilespmem:s14+$0xA2E0] =	vst v3  }
0x1b9: {  	v5 =	vor.u32 v8, v62;
	[tilespmem:s14+$0xA2C0] =	vst v6  }
0x1ba: {  	[tilespmem:s14+$0xA2D0] =	vst v5  }
0x1bb: {  	s10 =	sadd.s32 $0x3, s21  }
0x1bc: {  	s14 =	sshrl.u32 s10, $0x4  }
0x1bd: {  	p0 =	seq.s32 s14, $0x2  }
.Ltmp10:
0x1be: {  	_ = 	snop;
	(pc) =	sbr.rel @p0 .LBB2_29-.Ltmp10, $2  }
0x1bf: {  	_ =	sdelay $0x2  }
0x1c0: {  	s10 =	sand.u32 $0xF, s10  }
0x1c1: {  	p0 =	seq.s32 s14, $0x1  }
.Ltmp11:
0x1c2: {  	_ = 	snop;
	(pc) =	sbr.rel @p0 .LBB2_28-.Ltmp11, $1  }
0x1c3: {  	_ =	sdelay $0x3  }
0x1c4: {  	p0 =	sne.s32 s14, $0x0  }
.Ltmp12:
0x1c5: {  	_ = 	snop;
	(pc) =	sbr.rel @p0 .LBB2_31-.Ltmp12, $1  }
0x1c6: {  	_ =	sdelay $0x3  }
0x1c7: {  	s10 =	sshll.u32 s10, $0x4  }
0x1c8: {  	v3 =	vld [tilespmem:s10+$0x100];
	_ =	sdelay $0x4  }
0x1c9: {  	v4 =	vshll.u32 v3, $0x3  }
0x1ca: {  	v3 =	vand.u32 $0x3, v3;
	v4 =	vand.u32 $0xFFFFFFE0, v4  }
0x1cb: {  	v3 =	vor.u32 v3, v4  }
0x1cc: {  	v4 =	vperm.xlane v3, v0;
	_ =	sdelay $0x1  }
0x1cd: {  	v4 =	vadd.s32 v1, v4;
	_ =	sdelay $0x3  }
0x1ce: {  	s12 =	simm.s32 $0x4200;
	s10 =	rddreg [dreg:$0x1]  }
0x1cf: {  	[tilespmem:s12], [sflag:$0x2] =	stream.indirect_vreg.gather [hbm4b:s10+s11], $0x80, v4, vm0, $0xb8;
	[tilespmem:$0xC200] =	vst v63  }
0x1d0: {  	s14 =	rddreg [dreg:$0xc];
	s16 =	simm.s32 $0x4A00  }
0x1d1: {  	[tilespmem:s16], [sflag:$0x2] =	stream.indirect_vreg.gather [hbm4b:s14+s11], $0x80, v4, vm0, $0xb8;
	[tilespmem:$0xC200] =	vst v63  }
.Ltmp13:
0x1d2: {  	_ = 	snop;
	(pc) =	sbr.rel .LBB2_30-.Ltmp13, $4  }
0x1d3: {  	s15 =	rddreg [dreg:$0xd];
	s21 =	simm.s32 $0x5200  }
0x1d4: {  	[tilespmem:s21], [sflag:$0x2] =	stream.indirect_vreg.gather [hbm4b:s15+s11], $0x80, v4, vm0, $0xb8;
	[tilespmem:$0xC200] =	vst v63  }
0x1d5: {  	s22 =	simm.s32 $0x5A00;
	s16 =	rddreg [dreg:$0xe]  }
0x1d6: {  	[tilespmem:s22], [sflag:$0x2] =	stream.indirect_vreg.gather [hbm4b:s16+s11], $0x80, v4, vm0, $0xb8;
	[tilespmem:$0xC200] =	vst v63  }
.LBB2_7:
0x1d7: {  	s10 =	sadd.s32 $0x2, s21  }
0x1d8: {  	s14 =	sshrl.u32 s10, $0x4  }
0x1d9: {  	p2 =	seq.s32 s14, $0x2  }
.Ltmp14:
0x1da: {  	_ = 	snop;
	(pc) =	sbr.rel @p2 .LBB2_12-.Ltmp14, $2  }
0x1db: {  	_ =	sdelay $0x2  }
0x1dc: {  	s10 =	sand.u32 $0xE, s10  }
0x1dd: {  	p2 =	seq.s32 s14, $0x1  }
.Ltmp15:
0x1de: {  	_ = 	snop;
	(pc) =	sbr.rel @p2 .LBB2_11-.Ltmp15, $1  }
0x1df: {  	_ =	sdelay $0x3  }
0x1e0: {  	p2 =	sne.s32 s14, $0x0  }
.Ltmp16:
0x1e1: {  	_ = 	snop;
	(pc) =	sbr.rel @p2 .LBB2_14-.Ltmp16, $1  }
0x1e2: {  	_ =	sdelay $0x3  }
0x1e3: {  	s10 =	sshll.u32 s10, $0x4  }
0x1e4: {  	v3 =	vld [tilespmem:s10+$0x100];
	_ =	sdelay $0x4  }
0x1e5: {  	v4 =	vshll.u32 v3, $0x3  }
0x1e6: {  	v3 =	vand.u32 $0x3, v3;
	v4 =	vand.u32 $0xFFFFFFE0, v4  }
0x1e7: {  	v3 =	vor.u32 v3, v4  }
0x1e8: {  	v4 =	vperm.xlane v3, v0;
	_ =	sdelay $0x1  }
0x1e9: {  	v4 =	vadd.s32 v1, v4;
	_ =	sdelay $0x3  }
0x1ea: {  	s10 =	rddreg [dreg:$0x1]  }
0x1eb: {  	[tilespmem:s25], [sflag:$0x1] =	stream.indirect_vreg.gather [hbm4b:s10+s11], $0x80, v4, vm0, $0xb8;
	[tilespmem:$0xC200] =	vst v63  }
0x1ec: {  	s14 =	rddreg [dreg:$0xc];
	s15 =	simm.s32 $0xA00  }
0x1ed: {  	[tilespmem:s15], [sflag:$0x1] =	stream.indirect_vreg.gather [hbm4b:s14+s11], $0x80, v4, vm0, $0xb8;
	[tilespmem:$0xC200] =	vst v63  }
.Ltmp17:
0x1ee: {  	_ = 	snop;
	(pc) =	sbr.rel .LBB2_13-.Ltmp17, $4  }
0x1ef: {  	s16 =	simm.s32 $0x1200;
	s15 =	rddreg [dreg:$0xd]  }
0x1f0: {  	[tilespmem:s16], [sflag:$0x1] =	stream.indirect_vreg.gather [hbm4b:s15+s11], $0x80, v4, vm0, $0xb8;
	[tilespmem:$0xC200] =	vst v63  }
0x1f1: {  	s12 =	simm.s32 $0x1A00;
	s16 =	rddreg [dreg:$0xe]  }
0x1f2: {  	[tilespmem:s12], [sflag:$0x1] =	stream.indirect_vreg.gather [hbm4b:s16+s11], $0x80, v4, vm0, $0xb8;
	[tilespmem:$0xC200] =	vst v63  }
.LBB2_28:
0x1f3: {  	s10 =	sshll.u32 s10, $0x4  }
0x1f4: {  	v3 =	vld [tilespmem:s10+$0x100];
	_ =	sdelay $0x4  }
0x1f5: {  	v4 =	vshll.u32 v3, $0x3  }
0x1f6: {  	v3 =	vand.u32 $0x3, v3;
	v4 =	vand.u32 $0xFFFFFFE0, v4  }
0x1f7: {  	v3 =	vor.u32 v3, v4  }
0x1f8: {  	v4 =	vperm.xlane v3, v0;
	_ =	sdelay $0x1  }
0x1f9: {  	v4 =	vadd.s32 v1, v4;
	_ =	sdelay $0x3  }
0x1fa: {  	s12 =	simm.s32 $0x4200;
	s10 =	rddreg [dreg:$0x2]  }
0x1fb: {  	[tilespmem:s12], [sflag:$0x2] =	stream.indirect_vreg.gather [hbm4b:s10+s11], $0x80, v4, vm0, $0xb8;
	[tilespmem:$0xC200] =	vst v63  }
0x1fc: {  	s14 =	rddreg [dreg:$0x12];
	s16 =	simm.s32 $0x4A00  }
0x1fd: {  	[tilespmem:s16], [sflag:$0x2] =	stream.indirect_vreg.gather [hbm4b:s14+s11], $0x80, v4, vm0, $0xb8;
	[tilespmem:$0xC200] =	vst v63  }
.Ltmp18:
0x1fe: {  	_ = 	snop;
	(pc) =	sbr.rel .LBB2_30-.Ltmp18, $4  }
0x1ff: {  	s15 =	rddreg [dreg:$0x13];
	s21 =	simm.s32 $0x5200  }
0x200: {  	[tilespmem:s21], [sflag:$0x2] =	stream.indirect_vreg.gather [hbm4b:s15+s11], $0x80, v4, vm0, $0xb8;
	[tilespmem:$0xC200] =	vst v63  }
0x201: {  	s22 =	simm.s32 $0x5A00;
	s16 =	rddreg [dreg:$0x14]  }
0x202: {  	[tilespmem:s22], [sflag:$0x2] =	stream.indirect_vreg.gather [hbm4b:s16+s11], $0x80, v4, vm0, $0xb8;
	[tilespmem:$0xC200] =	vst v63  }
.LBB2_11:
0x203: {  	s10 =	sshll.u32 s10, $0x4  }
0x204: {  	v3 =	vld [tilespmem:s10+$0x100];
	_ =	sdelay $0x4  }
0x205: {  	v4 =	vshll.u32 v3, $0x3  }
0x206: {  	v3 =	vand.u32 $0x3, v3;
	v4 =	vand.u32 $0xFFFFFFE0, v4  }
0x207: {  	v3 =	vor.u32 v3, v4  }
0x208: {  	v4 =	vperm.xlane v3, v0;
	_ =	sdelay $0x1  }
0x209: {  	v4 =	vadd.s32 v1, v4;
	_ =	sdelay $0x3  }
0x20a: {  	s10 =	rddreg [dreg:$0x2]  }
0x20b: {  	[tilespmem:s25], [sflag:$0x1] =	stream.indirect_vreg.gather [hbm4b:s10+s11], $0x80, v4, vm0, $0xb8;
	[tilespmem:$0xC200] =	vst v63  }
0x20c: {  	s14 =	rddreg [dreg:$0x12];
	s15 =	simm.s32 $0xA00  }
0x20d: {  	[tilespmem:s15], [sflag:$0x1] =	stream.indirect_vreg.gather [hbm4b:s14+s11], $0x80, v4, vm0, $0xb8;
	[tilespmem:$0xC200] =	vst v63  }
.Ltmp19:
0x20e: {  	_ = 	snop;
	(pc) =	sbr.rel .LBB2_13-.Ltmp19, $4  }
0x20f: {  	s16 =	simm.s32 $0x1200;
	s15 =	rddreg [dreg:$0x13]  }
0x210: {  	[tilespmem:s16], [sflag:$0x1] =	stream.indirect_vreg.gather [hbm4b:s15+s11], $0x80, v4, vm0, $0xb8;
	[tilespmem:$0xC200] =	vst v63  }
0x211: {  	s12 =	simm.s32 $0x1A00;
	s16 =	rddreg [dreg:$0x14]  }
0x212: {  	[tilespmem:s12], [sflag:$0x1] =	stream.indirect_vreg.gather [hbm4b:s16+s11], $0x80, v4, vm0, $0xb8;
	[tilespmem:$0xC200] =	vst v63  }
.LBB2_29:
0x213: {  	s10 =	sshll.u32 s10, $0x4  }
0x214: {  	v3 =	vld [tilespmem:s10+$0x100];
	_ =	sdelay $0x4  }
0x215: {  	v4 =	vshll.u32 v3, $0x3  }
0x216: {  	v3 =	vand.u32 $0x3, v3;
	v4 =	vand.u32 $0xFFFFFFE0, v4  }
0x217: {  	v3 =	vor.u32 v3, v4  }
0x218: {  	v4 =	vperm.xlane v3, v0;
	_ =	sdelay $0x1  }
0x219: {  	v4 =	vadd.s32 v1, v4;
	_ =	sdelay $0x3  }
0x21a: {  	s12 =	simm.s32 $0x4200;
	s10 =	rddreg [dreg:$0x3]  }
0x21b: {  	[tilespmem:s12], [sflag:$0x2] =	stream.indirect_vreg.gather [hbm4b:s10+s11], $0x80, v4, vm0, $0xb8;
	[tilespmem:$0xC200] =	vst v63  }
0x21c: {  	s14 =	rddreg [dreg:$0xf];
	s16 =	simm.s32 $0x4A00  }
0x21d: {  	[tilespmem:s16], [sflag:$0x2] =	stream.indirect_vreg.gather [hbm4b:s14+s11], $0x80, v4, vm0, $0xb8;
	[tilespmem:$0xC200] =	vst v63  }
0x21e: {  	s15 =	rddreg [dreg:$0x10];
	s21 =	simm.s32 $0x5200  }
0x21f: {  	[tilespmem:s21], [sflag:$0x2] =	stream.indirect_vreg.gather [hbm4b:s15+s11], $0x80, v4, vm0, $0xb8;
	[tilespmem:$0xC200] =	vst v63  }
0x220: {  	s22 =	simm.s32 $0x5A00;
	s16 =	rddreg [dreg:$0x11]  }
0x221: {  	[tilespmem:s22], [sflag:$0x2] =	stream.indirect_vreg.gather [hbm4b:s16+s11], $0x80, v4, vm0, $0xb8;
	[tilespmem:$0xC200] =	vst v63  }
.LBB2_30:
0x222: {  	v3 =	vperm.xlane v3, v2;
	_ =	sdelay $0x1  }
0x223: {  	v3 =	vadd.s32 v1, v3;
	_ =	sdelay $0x3  }
0x224: {  	s12 =	simm.s32 $0x6200  }
0x225: {  	[tilespmem:s12], [sflag:$0x2] =	stream.indirect_vreg.gather [hbm4b:s10+s11], $0x80, v3, vm0, $0xb8;
	[tilespmem:$0xC200] =	vst v63  }
0x226: {  	s12 =	simm.s32 $0x6A00  }
0x227: {  	[tilespmem:s12], [sflag:$0x2] =	stream.indirect_vreg.gather [hbm4b:s14+s11], $0x80, v3, vm0, $0xb8;
	[tilespmem:$0xC200] =	vst v63  }
0x228: {  	s21 =	simm.s32 $0x7200  }
0x229: {  	[tilespmem:s21], [sflag:$0x2] =	stream.indirect_vreg.gather [hbm4b:s15+s11], $0x80, v3, vm0, $0xb8;
	[tilespmem:$0xC200] =	vst v63  }
0x22a: {  	s22 =	simm.s32 $0x7A00  }
0x22b: {  	[tilespmem:s22], [sflag:$0x2] =	stream.indirect_vreg.gather [hbm4b:s16+s11], $0x80, v3, vm0, $0xb8;
	[tilespmem:$0xC200] =	vst v63  }
.LBB2_31:
0x22c: {  	p0 =	seq.s32 s20, $0x0  }
.Ltmp20:
0x22d: {  	_ = 	snop;
	(pc) =	sbr.rel @p0 .LBB2_35-.Ltmp20, $3  }
0x22e: {  	_ =	sdelay $0x1  }
0x22f: {  	s14 =	rddreg [dreg:$0x4]  }
0x230: {  	s10 =	rddreg [dreg:$0x7]  }
0x231: {  	p0 =	seq.s32 s20, $0x2  }
.Ltmp21:
0x232: {  	_ = 	snop;
	(pc) =	sbr.rel @p0 .LBB2_34-.Ltmp21, $1  }
0x233: {  	_ =	sdelay $0x3  }
0x234: {  	p0 =	sne.s32 s20, $0x1  }
.Ltmp22:
0x235: {  	_ = 	snop;
	(pc) =	sbr.rel @p0 .LBB2_36-.Ltmp22, $4  }
.Ltmp23:
0x236: {  	_ = 	snop;
	(pc) =	sbr.rel @!p0 .LBB2_35-.Ltmp23, $4  }
0x237: {  	_ = 	snop  }
0x238: {  	s14 =	rddreg [dreg:$0x5]  }
0x239: {  	s10 =	rddreg [dreg:$0x8]  }
0x23a: {  	_ = 	snop  }
.LBB2_12:
0x23b: {  	s10 =	sshll.u32 s10, $0x4  }
0x23c: {  	v3 =	vld [tilespmem:s10+$0x100];
	_ =	sdelay $0x4  }
0x23d: {  	v4 =	vshll.u32 v3, $0x3  }
0x23e: {  	v3 =	vand.u32 $0x3, v3;
	v4 =	vand.u32 $0xFFFFFFE0, v4  }
0x23f: {  	v3 =	vor.u32 v3, v4  }
0x240: {  	v4 =	vperm.xlane v3, v0;
	_ =	sdelay $0x1  }
0x241: {  	v4 =	vadd.s32 v1, v4;
	_ =	sdelay $0x3  }
0x242: {  	s10 =	rddreg [dreg:$0x3]  }
0x243: {  	[tilespmem:s25], [sflag:$0x1] =	stream.indirect_vreg.gather [hbm4b:s10+s11], $0x80, v4, vm0, $0xb8;
	[tilespmem:$0xC200] =	vst v63  }
0x244: {  	s14 =	rddreg [dreg:$0xf];
	s15 =	simm.s32 $0xA00  }
0x245: {  	[tilespmem:s15], [sflag:$0x1] =	stream.indirect_vreg.gather [hbm4b:s14+s11], $0x80, v4, vm0, $0xb8;
	[tilespmem:$0xC200] =	vst v63  }
0x246: {  	s16 =	simm.s32 $0x1200;
	s15 =	rddreg [dreg:$0x10]  }
0x247: {  	[tilespmem:s16], [sflag:$0x1] =	stream.indirect_vreg.gather [hbm4b:s15+s11], $0x80, v4, vm0, $0xb8;
	[tilespmem:$0xC200] =	vst v63  }
0x248: {  	s12 =	simm.s32 $0x1A00;
	s16 =	rddreg [dreg:$0x11]  }
0x249: {  	[tilespmem:s12], [sflag:$0x1] =	stream.indirect_vreg.gather [hbm4b:s16+s11], $0x80, v4, vm0, $0xb8;
	[tilespmem:$0xC200] =	vst v63  }
.LBB2_13:
0x24a: {  	v3 =	vperm.xlane v3, v2;
	_ =	sdelay $0x1  }
0x24b: {  	v3 =	vadd.s32 v1, v3;
	_ =	sdelay $0x3  }
0x24c: {  	s12 =	simm.s32 $0x2200  }
0x24d: {  	[tilespmem:s12], [sflag:$0x1] =	stream.indirect_vreg.gather [hbm4b:s10+s11], $0x80, v3, vm0, $0xb8;
	[tilespmem:$0xC200] =	vst v63  }
0x24e: {  	s12 =	simm.s32 $0x2A00  }
0x24f: {  	[tilespmem:s12], [sflag:$0x1] =	stream.indirect_vreg.gather [hbm4b:s14+s11], $0x80, v3, vm0, $0xb8;
	[tilespmem:$0xC200] =	vst v63  }
0x250: {  	s14 =	simm.s32 $0x3200  }
0x251: {  	[tilespmem:s14], [sflag:$0x1] =	stream.indirect_vreg.gather [hbm4b:s15+s11], $0x80, v3, vm0, $0xb8;
	[tilespmem:$0xC200] =	vst v63  }
0x252: {  	s15 =	simm.s32 $0x3A00  }
0x253: {  	[tilespmem:s15], [sflag:$0x1] =	stream.indirect_vreg.gather [hbm4b:s16+s11], $0x80, v3, vm0, $0xb8;
	[tilespmem:$0xC200] =	vst v63  }
.LBB2_14:
0x254: {  	p2 =	seq.s32 s20, $0x0  }
.Ltmp24:
0x255: {  	_ = 	snop;
	(pc) =	sbr.rel @p2 .LBB2_18-.Ltmp24, $3  }
0x256: {  	_ =	sdelay $0x1  }
0x257: {  	s14 =	rddreg [dreg:$0x4]  }
0x258: {  	s10 =	rddreg [dreg:$0x7]  }
0x259: {  	p2 =	seq.s32 s20, $0x2  }
.Ltmp25:
0x25a: {  	_ = 	snop;
	(pc) =	sbr.rel @p2 .LBB2_17-.Ltmp25, $1  }
0x25b: {  	_ =	sdelay $0x3  }
0x25c: {  	p2 =	sne.s32 s20, $0x1  }
.Ltmp26:
0x25d: {  	_ = 	snop;
	(pc) =	sbr.rel @p2 .LBB2_19-.Ltmp26, $4  }
.Ltmp27:
0x25e: {  	_ = 	snop;
	(pc) =	sbr.rel @!p2 .LBB2_18-.Ltmp27, $4  }
0x25f: {  	_ = 	snop  }
0x260: {  	s14 =	rddreg [dreg:$0x5]  }
0x261: {  	s10 =	rddreg [dreg:$0x8]  }
0x262: {  	_ = 	snop  }
.LBB2_38:
0x263: {  	_ =	sfence.sel $0x180000  }
0x264: {  	[bflag:$0x0] =	sbarrier.arrive $0xFFFF  }
0x265: {  	_ =	strace $0x90000047  }
0x266: {  	s0 =	stileid.u32;
	[bflag:$0x2] =	sbarrier.arrive $0xFFFF  }
0x267: {  	p0 =	sne.s32 s0, $0x0;
	s0 =	rddreg [dreg:$0xa]  }
0x268: {  	s0 =	sadd.s32 @!p0 $0x100000, s0  }
0x269: {  	[sflag:s0] =	ssyncadd.tile.s32 @!p0 $0x1;
	_ =	shalt  }
.Lfunc_end2:
_tile_overlayer_lowered:
.L_overlay_start_2:
0x26a: {  	(tag) =	ssettag $0x2  }
0x26b: {  	s0 =	rddreg [dreg:$0x0];
	s2 =	stileid.u32  }
0x26c: {  	s1 =	rddreg [dreg:$0x1];
	p0 =	sne.s32 s2, $0x0  }
0x26d: {  	s3 =	rddreg [dreg:$0x2];
	[bflag:$0x3] =	sbarrier.arrive $0xFFFF;
	s2 =	simm.s32 @!p0 $0x1C05  }
0x26e: {  	[timem:s3], [sflag:s2] =	dma.local @!p0 [hbm:s0], s1  }
0x26f: {  	s0 =	simm.s32 @!p0 $0x5  }
0x270: {  	_ =	swait.ge @!p0 [sflag:s0], s1  }
0x271: {  	s1 =	ssub.s32 @!p0 $0x0, s1;
	[sflag:s0] =	ssyncset.done @!p0 $0x0  }
0x272: {  	[sflag:s0] =	ssyncadd.s32 @!p0 s1  }
0x273: {  	[bflag:$0x3] =	sbarrier.arrive $0xFFFF  }
0x274: {  	_ =	shalt  }

</sc_bundles>
